<compile_context>
chip_gen: v7x
topology: tpu7x:2x2x1
jax: 0.10.2.dev20260603
libtpu: 0.0.44.dev20260713+nightly
codegen_flags: <defaults>
</compile_context>

<pallas_src>
import functools

import jax
import jax.numpy as jnp
from jax import lax
from jax.experimental import pallas as pl
from jax.experimental.pallas import tpu as pltpu
from jax.experimental.pallas import tpu_sc as plsc

N = 10000
E = 320000
D1 = 128
DH = 64
DO = 40
DOP = 48

NC, NS, L = 2, 16, 16
NW = NC * NS
K = 125
ECH = E // K
NCH1 = ECH // NS
NCH2 = ECH // NW
NBUF = 5
NP = 10240
RPT = NP // NS
ZR = 128

R = 2000
GRID = N // R

_f32 = jnp.float32
_SC_PARAMS = pltpu.CompilerParams(use_tc_tiling_on_sc=False)


def _zero_fill(zbuf, D):
    @pl.loop(0, ZR)
    def _(r):
        for cc in range(D // L):
            zbuf[r, pl.ds(cc * L, L)] = jnp.zeros((L,), _f32)


def _zero_acc_stripe(zbuf, acc_sh, s):
    for t in range(RPT // ZR):
        pltpu.sync_copy(zbuf, acc_sh.at[pl.ds(s * RPT + t * ZR, ZR), :])


def _ring_agg(g_hbm, sidx, didx, bufs, gsems, acc_sh, nch):
    for b in range(NBUF):
        pltpu.async_copy(g_hbm.at[sidx.at[b]], bufs[b], gsems[b])

    @pl.loop(0, nch, step=NBUF)
    def _(jj):
        for b in range(NBUF):
            j = jj + b
            pltpu.make_async_copy(
                g_hbm.at[sidx.at[j]], bufs[b], gsems[b]).wait()
            pltpu.sync_copy(bufs[b], acc_sh.at[didx.at[j]], add=True)

            @pl.when(j + NBUF < nch)
            def _():
                pltpu.async_copy(g_hbm.at[sidx.at[j + NBUF]],
                                 bufs[b], gsems[b])


@functools.cache
def _make_deg():
    mesh = plsc.VectorSubcoreMesh(core_axis_name="c", subcore_axis_name="s")

    @functools.partial(
        pl.kernel,
        out_type=jax.ShapeDtypeStruct((NC, NP), _f32),
        mesh=mesh,
        compiler_params=_SC_PARAMS,
        scratch_types=[
            pltpu.VMEM((NCH2, K), jnp.int32),
            pltpu.VMEM((128,), _f32),
            pltpu.VMEM((NP,), _f32),
            pltpu.VMEM_SHARED((NP,), _f32),
        ],
    )
    def deg_kernel(ei_hbm, out_hbm, idx_v, ones_v, zbuf_v, acc_sh):
        c = lax.axis_index("c")
        s = lax.axis_index("s")
        w = c * NS + s

        @pl.loop(0, 128 // L)
        def _(i):
            ones_v[pl.ds(i * L, L)] = jnp.ones((L,), _f32)

        @pl.when(s == 0)
        def _():
            @pl.loop(0, NP // L)
            def _(i):
                zbuf_v[pl.ds(i * L, L)] = jnp.zeros((L,), _f32)

            pltpu.sync_copy(zbuf_v, acc_sh)

        pltpu.sync_copy(ei_hbm.at[1, pl.ds(w * NCH2, NCH2), :], idx_v)
        plsc.subcore_barrier()

        @pl.loop(0, NCH2)
        def _(j):
            pltpu.sync_copy(ones_v.at[pl.ds(0, K)], acc_sh.at[idx_v.at[j]],
                            add=True)

        plsc.subcore_barrier()

        @pl.when(s == 0)
        def _():
            pltpu.sync_copy(acc_sh, out_hbm.at[c])

    return deg_kernel


@functools.cache
def _make_agg1():
    mesh = plsc.VectorSubcoreMesh(core_axis_name="c", subcore_axis_name="s")

    @functools.partial(
        pl.kernel,
        out_type=jax.ShapeDtypeStruct((NC, NP, DH), _f32),
        mesh=mesh,
        compiler_params=_SC_PARAMS,
        scratch_types=[
            pltpu.VMEM((NCH1, K), jnp.int32),
            pltpu.VMEM((NCH1, K), jnp.int32),
            [pltpu.VMEM((K, DH), _f32)] * NBUF,
            pltpu.VMEM((ZR, DH), _f32),
            pltpu.VMEM_SHARED((NP, DH), _f32),
            [pltpu.SemaphoreType.DMA] * NBUF,
            pltpu.SemaphoreType.DMA,
        ],
    )
    def agg1(gl_hbm, gr_hbm, ei_hbm, out_hbm,
             sidx, didx, bufs, zbuf, acc_sh, gsems, isem):
        c = lax.axis_index("c")
        s = lax.axis_index("s")

        pltpu.async_copy(ei_hbm.at[0, pl.ds(s * NCH1, NCH1), :], sidx, isem)
        pltpu.async_copy(ei_hbm.at[1, pl.ds(s * NCH1, NCH1), :], didx, isem)
        _zero_fill(zbuf, DH)
        pltpu.make_async_copy(ei_hbm.at[0, pl.ds(0, NCH1), :],
                              sidx, isem).wait()
        pltpu.make_async_copy(ei_hbm.at[1, pl.ds(0, NCH1), :],
                              didx, isem).wait()

        _zero_acc_stripe(zbuf, acc_sh, s)
        plsc.subcore_barrier()

        @pl.when(c == 0)
        def _():
            _ring_agg(gl_hbm, sidx, didx, bufs, gsems, acc_sh, NCH1)

        @pl.when(c == 1)
        def _():
            _ring_agg(gr_hbm, sidx, didx, bufs, gsems, acc_sh, NCH1)

        plsc.subcore_barrier()
        pltpu.sync_copy(acc_sh.at[pl.ds(s * RPT, RPT), :],
                        out_hbm.at[c, pl.ds(s * RPT, RPT), :])

    return agg1


@functools.cache
def _make_agg2():
    mesh = plsc.VectorSubcoreMesh(core_axis_name="c", subcore_axis_name="s")

    @functools.partial(
        pl.kernel,
        out_type=jax.ShapeDtypeStruct((NC, NP, DOP), _f32),
        mesh=mesh,
        compiler_params=_SC_PARAMS,
        scratch_types=[
            pltpu.VMEM((NCH2, K), jnp.int32),
            pltpu.VMEM((NCH2, K), jnp.int32),
            [pltpu.VMEM((K, DOP), _f32)] * NBUF,
            pltpu.VMEM((ZR, DOP), _f32),
            pltpu.VMEM_SHARED((NP, DOP), _f32),
            [pltpu.SemaphoreType.DMA] * NBUF,
            pltpu.SemaphoreType.DMA,
        ],
    )
    def agg2(g_hbm, ei_hbm, out_hbm,
             sidx, didx, bufs, zbuf, acc_sh, gsems, isem):
        c = lax.axis_index("c")
        s = lax.axis_index("s")
        w = c * NS + s

        pltpu.async_copy(ei_hbm.at[0, pl.ds(w * NCH2, NCH2), :], sidx, isem)
        pltpu.async_copy(ei_hbm.at[1, pl.ds(w * NCH2, NCH2), :], didx, isem)
        _zero_fill(zbuf, DOP)
        pltpu.make_async_copy(ei_hbm.at[0, pl.ds(0, NCH2), :],
                              sidx, isem).wait()
        pltpu.make_async_copy(ei_hbm.at[1, pl.ds(0, NCH2), :],
                              didx, isem).wait()

        _zero_acc_stripe(zbuf, acc_sh, s)
        plsc.subcore_barrier()

        _ring_agg(g_hbm, sidx, didx, bufs, gsems, acc_sh, NCH2)

        plsc.subcore_barrier()
        pltpu.sync_copy(acc_sh.at[pl.ds(s * RPT, RPT), :],
                        out_hbm.at[c, pl.ds(s * RPT, RPT), :])

    return agg2


def _dinv_of(degT_ref):
    dT = degT_ref[...]
    d = dT[:, 0:1] + dT[:, 1:2] + 1.0
    return lax.rsqrt(d)


def _g1_body(x_ref, w1_ref, degT_ref, oa_ref, ob_ref):
    dinv = _dinv_of(degT_ref)
    g = jnp.dot(x_ref[...], w1_ref[...], preferred_element_type=_f32) * dinv
    oa_ref[...] = g[:, :DH]
    ob_ref[...] = g[:, DH:]


_g1_call = pl.pallas_call(
    _g1_body,
    grid=(GRID,),
    in_specs=[
        pl.BlockSpec((R, D1), lambda i: (i, 0)),
        pl.BlockSpec((D1, D1), lambda i: (0, 0)),
        pl.BlockSpec((R, NC), lambda i: (i, 0)),
    ],
    out_specs=[
        pl.BlockSpec((R, DH), lambda i: (i, 0)),
        pl.BlockSpec((R, DH), lambda i: (i, 0)),
    ],
    out_shape=[
        jax.ShapeDtypeStruct((N, DH), _f32),
        jax.ShapeDtypeStruct((N, DH), _f32),
    ],
)


def _mid_body(s1l_ref, s1r_ref, g1l_ref, g1r_ref, degT_ref, w2_ref, b1_ref,
              o_ref):
    dinv = _dinv_of(degT_ref)
    zl = s1l_ref[0] + g1l_ref[...]
    zr = s1r_ref[0] + g1r_ref[...]
    z = dinv * jnp.concatenate([zl, zr], axis=1) + b1_ref[...]
    z = jnp.maximum(z, 0.0)
    o_ref[...] = jnp.dot(z, w2_ref[...], preferred_element_type=_f32) * dinv


_mid_call = pl.pallas_call(
    _mid_body,
    grid=(GRID,),
    in_specs=[
        pl.BlockSpec((1, R, DH), lambda i: (0, i, 0)),
        pl.BlockSpec((1, R, DH), lambda i: (1, i, 0)),
        pl.BlockSpec((R, DH), lambda i: (i, 0)),
        pl.BlockSpec((R, DH), lambda i: (i, 0)),
        pl.BlockSpec((R, NC), lambda i: (i, 0)),
        pl.BlockSpec((D1, DOP), lambda i: (0, 0)),
        pl.BlockSpec((1, D1), lambda i: (0, 0)),
    ],
    out_specs=pl.BlockSpec((R, DOP), lambda i: (i, 0)),
    out_shape=jax.ShapeDtypeStruct((N, DOP), _f32),
)


def _final_body(s2a_ref, s2b_ref, g2_ref, degT_ref, b2_ref, o_ref):
    dinv = _dinv_of(degT_ref)
    u = dinv * (s2a_ref[0] + s2b_ref[0] + g2_ref[...]) + b2_ref[...]
    col = lax.broadcasted_iota(jnp.int32, (R, DOP), 1)
    valid = col < DO
    um = jnp.where(valid, u, -jnp.inf)
    m = jnp.max(um, axis=1, keepdims=True)
    ex = jnp.where(valid, jnp.exp(u - m), 0.0)
    lse = jnp.log(jnp.sum(ex, axis=1, keepdims=True))
    o_ref[...] = (u - m - lse)[:, :DO]


_final_call = pl.pallas_call(
    _final_body,
    grid=(GRID,),
    in_specs=[
        pl.BlockSpec((1, R, DOP), lambda i: (0, i, 0)),
        pl.BlockSpec((1, R, DOP), lambda i: (1, i, 0)),
        pl.BlockSpec((R, DOP), lambda i: (i, 0)),
        pl.BlockSpec((R, NC), lambda i: (i, 0)),
        pl.BlockSpec((1, DOP), lambda i: (0, 0)),
    ],
    out_specs=pl.BlockSpec((R, DO), lambda i: (i, 0)),
    out_shape=jax.ShapeDtypeStruct((N, DO), _f32),
)


def kernel(x, edge_index, W1, b1, W2, b2):
    eir = edge_index.astype(jnp.int32).reshape(2, ECH, K)

    degp = _make_deg()(eir)
    degT = jnp.transpose(degp)

    g1l, g1r = _g1_call(x, W1, degT)
    s1 = _make_agg1()(g1l, g1r, eir)

    W2p = jnp.pad(W2, ((0, 0), (0, DOP - DO)))
    b2p = jnp.pad(b2, (0, DOP - DO))
    g2 = _mid_call(s1, s1, g1l, g1r, degT, W2p, b1.reshape(1, D1))
    s2 = _make_agg2()(g2, eir)

    return _final_call(s2, s2, g2, degT, b2p.reshape(1, DOP))

# --- scband reference (transcript-rebuilt; emitter-appended) ---
"""Pipeline reference for scband-gcn-6828998000937 (READ-ONLY COPY).

The authoritative reference and input builder live on the scoring server;
editing this copy changes nothing except your own understanding.
"""

import jax, jax.numpy as jnp
import numpy as np

N_NODES = 10000
N_EDGES = 320000
D_IN = 128
D_HID = 128
D_OUT = 40


def setup_inputs(seed: int = 0) -> dict:
    key = jax.random.key(seed)
    k1, k2, k3, k4 = jax.random.split(key, 4)
    x = jax.random.normal(k1, (N_NODES, D_IN), dtype=jnp.float32)
    edge_index = jax.random.randint(k2, (2, N_EDGES), 0, N_NODES, dtype=jnp.int64)
    W1 = jax.random.normal(k3, (D_IN, D_HID), dtype=jnp.float32) * (1.0 / np.sqrt(D_IN))
    b1 = jnp.zeros((D_HID,), dtype=jnp.float32)
    W2 = jax.random.normal(k4, (D_HID, D_OUT), dtype=jnp.float32) * (1.0 / np.sqrt(D_HID))
    b2 = jnp.zeros((D_OUT,), dtype=jnp.float32)
    return {"x": x, "edge_index": edge_index, "W1": W1, "b1": b1, "W2": W2, "b2": b2}


def _gcn_conv(x, src, dst, norm, W, b):
    # GCNConv: out = D^{-1/2} (A + I) D^{-1/2} X W + b
    h = x @ W
    msg = jnp.take(h, src, axis=0) * norm[:, None]
    out = jnp.zeros((x.shape[0], h.shape[1]), dtype=h.dtype).at[dst].add(msg)
    return out + b


def reference(x, edge_index, W1, b1, W2, b2):
    N = x.shape[0]
    loop = jnp.arange(N, dtype=edge_index.dtype)
    src = jnp.concatenate([edge_index[0], loop])
    dst = jnp.concatenate([edge_index[1], loop])
    deg = jnp.zeros((N,), dtype=jnp.float32).at[dst].add(1.0)
    dinv = jnp.where(deg > 0, jax.lax.rsqrt(jnp.maximum(deg, 1e-12)), 0.0)
    norm = dinv[src] * dinv[dst]
    # layer 1 + relu (dropout is identity in eval mode)
    h = _gcn_conv(x, src, dst, norm, W1, b1)
    h = jax.nn.relu(h)
    # layer 2
    h = _gcn_conv(h, src, dst, norm, W2, b2)
    return jax.nn.log_softmax(h, axis=1)

if __name__ == "__main__":
    import jax
    _d = setup_inputs()
    print(jax.jit(kernel)(*tuple(_d.values())))

</pallas_src>

<mosaic_0001>
#map = affine_map<(d0, d1) -> (0, 0)>
#map1 = affine_map<(d0, d1) -> (0, 0, 0)>
module attributes {stable_mosaic.version = 14 : i64} {
  func.func @agg1(%arg0: i32, %arg1: i32, %arg2: memref<10000x64xf32, #tpu.memory_space<hbm>>, %arg3: memref<10000x64xf32, #tpu.memory_space<hbm>>, %arg4: memref<2x2560x125xi32, #tpu.memory_space<hbm>>, %arg5: memref<2x10240x64xf32, #tpu.memory_space<hbm>>, %arg6: memref<160x125xi32, #tpu.memory_space<vmem>>, %arg7: memref<160x125xi32, #tpu.memory_space<vmem>>, %arg8: memref<125x64xf32, #tpu.memory_space<vmem>>, %arg9: memref<125x64xf32, #tpu.memory_space<vmem>>, %arg10: memref<125x64xf32, #tpu.memory_space<vmem>>, %arg11: memref<125x64xf32, #tpu.memory_space<vmem>>, %arg12: memref<125x64xf32, #tpu.memory_space<vmem>>, %arg13: memref<128x64xf32, #tpu.memory_space<vmem>>, %arg14: memref<10240x64xf32, #tpu.memory_space<vmem_shared>>, %arg15: memref<!tpu.dma_semaphore, #tpu.memory_space<semaphore_mem>>, %arg16: memref<!tpu.dma_semaphore, #tpu.memory_space<semaphore_mem>>, %arg17: memref<!tpu.dma_semaphore, #tpu.memory_space<semaphore_mem>>, %arg18: memref<!tpu.dma_semaphore, #tpu.memory_space<semaphore_mem>>, %arg19: memref<!tpu.dma_semaphore, #tpu.memory_space<semaphore_mem>>, %arg20: memref<!tpu.dma_semaphore, #tpu.memory_space<semaphore_mem>>) attributes {dimension_semantics = [#tpu.dimension_semantics<core_parallel>, #tpu.dimension_semantics<subcore_parallel>], iteration_bounds = array<i64: 2, 16>, scalar_prefetch = 0 : i64, scratch_operands = 15 : i64, tpu.core_type = #tpu.core_type<sc_vector_subcore>, window_params = [{transform_indices = #map}, {transform_indices = #map}, {transform_indices = #map1}, {transform_indices = #map1}]} {
    %mul3A = arith.constant 160 : i32
    %mul3A_0 = arith.muli %arg1, %mul3A : i32
    %dma_start3A = arith.constant 0 : i32
    %dma_start3A_1 = arith.constant 0 : i32
    %dma_start3A_2 = tpu.memref_slice %arg4[%dma_start3A, %mul3A_0, %dma_start3A_1] : memref<2x2560x125xi32, #tpu.memory_space<hbm>> -> memref<1x160x125xi32, #tpu.memory_space<hbm>>
    %dma_start3A_3 = tpu.memref_squeeze %dma_start3A_2 : memref<1x160x125xi32, #tpu.memory_space<hbm>> -> memref<160x125xi32, #tpu.memory_space<hbm>>
    %dma_start3A_4 = arith.constant 0 : i32
    %dma_start3A_5 = tpu.memref_slice %arg4[%dma_start3A, %mul3A_0, %dma_start3A_4] : memref<2x2560x125xi32, #tpu.memory_space<hbm>> -> memref<1x160x125xi32, #tpu.memory_space<hbm>>
    %dma_start3A_6 = tpu.memref_squeeze %dma_start3A_5 : memref<1x160x125xi32, #tpu.memory_space<hbm>> -> memref<160x125xi32, #tpu.memory_space<hbm>>
    tpu.enqueue_dma source(%dma_start3A_6 : memref<160x125xi32, #tpu.memory_space<hbm>>) target(%arg6 : memref<160x125xi32, #tpu.memory_space<vmem>>) target_semaphore(%arg20 : memref<!tpu.dma_semaphore, #tpu.memory_space<semaphore_mem>>)
    %mul3A_7 = arith.constant 160 : i32
    %mul3A_8 = arith.muli %arg1, %mul3A_7 : i32
    %dma_start3A_9 = arith.constant 1 : i32
    %dma_start3A_10 = arith.constant 0 : i32
    %dma_start3A_11 = tpu.memref_slice %arg4[%dma_start3A_9, %mul3A_8, %dma_start3A_10] : memref<2x2560x125xi32, #tpu.memory_space<hbm>> -> memref<1x160x125xi32, #tpu.memory_space<hbm>>
    %dma_start3A_12 = tpu.memref_squeeze %dma_start3A_11 : memref<1x160x125xi32, #tpu.memory_space<hbm>> -> memref<160x125xi32, #tpu.memory_space<hbm>>
    %dma_start3A_13 = arith.constant 0 : i32
    %dma_start3A_14 = tpu.memref_slice %arg4[%dma_start3A_9, %mul3A_8, %dma_start3A_13] : memref<2x2560x125xi32, #tpu.memory_space<hbm>> -> memref<1x160x125xi32, #tpu.memory_space<hbm>>
    %dma_start3A_15 = tpu.memref_squeeze %dma_start3A_14 : memref<1x160x125xi32, #tpu.memory_space<hbm>> -> memref<160x125xi32, #tpu.memory_space<hbm>>
    tpu.enqueue_dma source(%dma_start3A_15 : memref<160x125xi32, #tpu.memory_space<hbm>>) target(%arg7 : memref<160x125xi32, #tpu.memory_space<vmem>>) target_semaphore(%arg20 : memref<!tpu.dma_semaphore, #tpu.memory_space<semaphore_mem>>)
    %scan3A = arith.constant 0 : i32
    %scan3A_16 = arith.constant 128 : i32
    %scan3A_17 = arith.addi %scan3A, %scan3A_16 : i32
    %scan3A_18 = arith.constant 1 : i32
    scf.for %scan3A_68 = %scan3A to %scan3A_17 step %scan3A_18  : i32 {
      %mul3A_69 = arith.constant 1 : i32
      %mul3A_70 = arith.muli %scan3A_68, %mul3A_69 : i32
      %add3A_71 = arith.constant 0 : i32
      %add3A_72 = arith.addi %add3A_71, %mul3A_70 : i32
      %broadcast_in_dim3A = arith.constant 0.000000e+00 : f32
      %broadcast_in_dim3A_73 = vector.broadcast %broadcast_in_dim3A : f32 to vector<16xf32>
      %swap3A = arith.index_cast %add3A_72 : i32 to index
      %swap3A_74 = arith.constant 0 : index
      %swap3A_75 = tpu.vector_load %arg13[%swap3A, %swap3A_74] {strides = array<i32>} : memref<128x64xf32, #tpu.memory_space<vmem>>, vector<1x16xf32>,
      %swap3A_76 = vector.shape_cast %swap3A_75 : vector<1x16xf32> to vector<16xf32>
      %swap3A_77 = vector.shape_cast %broadcast_in_dim3A_73 : vector<16xf32> to vector<1x16xf32>
      tpu.vector_store %arg13[%swap3A, %swap3A_74], %swap3A_77 {strides = array<i32>} : memref<128x64xf32, #tpu.memory_space<vmem>>, vector<1x16xf32>,
      %broadcast_in_dim3A_78 = arith.constant 0.000000e+00 : f32
      %broadcast_in_dim3A_79 = vector.broadcast %broadcast_in_dim3A_78 : f32 to vector<16xf32>
      %swap3A_80 = arith.index_cast %add3A_72 : i32 to index
      %swap3A_81 = arith.constant 16 : index
      %swap3A_82 = tpu.vector_load %arg13[%swap3A_80, %swap3A_81] {strides = array<i32>} : memref<128x64xf32, #tpu.memory_space<vmem>>, vector<1x16xf32>,
      %swap3A_83 = vector.shape_cast %swap3A_82 : vector<1x16xf32> to vector<16xf32>
      %swap3A_84 = vector.shape_cast %broadcast_in_dim3A_79 : vector<16xf32> to vector<1x16xf32>
      tpu.vector_store %arg13[%swap3A_80, %swap3A_81], %swap3A_84 {strides = array<i32>} : memref<128x64xf32, #tpu.memory_space<vmem>>, vector<1x16xf32>,
      %broadcast_in_dim3A_85 = arith.constant 0.000000e+00 : f32
      %broadcast_in_dim3A_86 = vector.broadcast %broadcast_in_dim3A_85 : f32 to vector<16xf32>
      %swap3A_87 = arith.index_cast %add3A_72 : i32 to index
      %swap3A_88 = arith.constant 32 : index
      %swap3A_89 = tpu.vector_load %arg13[%swap3A_87, %swap3A_88] {strides = array<i32>} : memref<128x64xf32, #tpu.memory_space<vmem>>, vector<1x16xf32>,
      %swap3A_90 = vector.shape_cast %swap3A_89 : vector<1x16xf32> to vector<16xf32>
      %swap3A_91 = vector.shape_cast %broadcast_in_dim3A_86 : vector<16xf32> to vector<1x16xf32>
      tpu.vector_store %arg13[%swap3A_87, %swap3A_88], %swap3A_91 {strides = array<i32>} : memref<128x64xf32, #tpu.memory_space<vmem>>, vector<1x16xf32>,
      %broadcast_in_dim3A_92 = arith.constant 0.000000e+00 : f32
      %broadcast_in_dim3A_93 = vector.broadcast %broadcast_in_dim3A_92 : f32 to vector<16xf32>
      %swap3A_94 = arith.index_cast %add3A_72 : i32 to index
      %swap3A_95 = arith.constant 48 : index
      %swap3A_96 = tpu.vector_load %arg13[%swap3A_94, %swap3A_95] {strides = array<i32>} : memref<128x64xf32, #tpu.memory_space<vmem>>, vector<1x16xf32>,
      %swap3A_97 = vector.shape_cast %swap3A_96 : vector<1x16xf32> to vector<16xf32>
      %swap3A_98 = vector.shape_cast %broadcast_in_dim3A_93 : vector<16xf32> to vector<1x16xf32>
      tpu.vector_store %arg13[%swap3A_94, %swap3A_95], %swap3A_98 {strides = array<i32>} : memref<128x64xf32, #tpu.memory_space<vmem>>, vector<1x16xf32>,
    }
    %scan3A_19 = arith.constant 128 : i32
    %dma_wait3A = arith.constant 0 : i32
    %dma_wait3A_20 = arith.constant 0 : i32
    %dma_wait3A_21 = arith.constant 0 : i32
    %dma_wait3A_22 = tpu.memref_slice %arg4[%dma_wait3A, %dma_wait3A_20, %dma_wait3A_21] : memref<2x2560x125xi32, #tpu.memory_space<hbm>> -> memref<1x160x125xi32, #tpu.memory_space<hbm>>
    %dma_wait3A_23 = tpu.memref_squeeze %dma_wait3A_22 : memref<1x160x125xi32, #tpu.memory_space<hbm>> -> memref<160x125xi32, #tpu.memory_space<hbm>>
    %dma_wait3A_24 = arith.constant 0 : i32
    %dma_wait3A_25 = arith.constant 0 : i32
    %dma_wait3A_26 = tpu.memref_slice %arg4[%dma_wait3A, %dma_wait3A_24, %dma_wait3A_25] : memref<2x2560x125xi32, #tpu.memory_space<hbm>> -> memref<1x160x125xi32, #tpu.memory_space<hbm>>
    %dma_wait3A_27 = tpu.memref_squeeze %dma_wait3A_26 : memref<1x160x125xi32, #tpu.memory_space<hbm>> -> memref<160x125xi32, #tpu.memory_space<hbm>>
    tpu.wait_dma2 semaphore(%arg20 : memref<!tpu.dma_semaphore, #tpu.memory_space<semaphore_mem>>) src(%dma_wait3A_27 : memref<160x125xi32, #tpu.memory_space<hbm>>) dst(%arg6 : memref<160x125xi32, #tpu.memory_space<vmem>>)
    %dma_wait3A_28 = arith.constant 1 : i32
    %dma_wait3A_29 = arith.constant 0 : i32
    %dma_wait3A_30 = arith.constant 0 : i32
    %dma_wait3A_31 = tpu.memref_slice %arg4[%dma_wait3A_28, %dma_wait3A_29, %dma_wait3A_30] : memref<2x2560x125xi32, #tpu.memory_space<hbm>> -> memref<1x160x125xi32, #tpu.memory_space<hbm>>
    %dma_wait3A_32 = tpu.memref_squeeze %dma_wait3A_31 : memref<1x160x125xi32, #tpu.memory_space<hbm>> -> memref<160x125xi32, #tpu.memory_space<hbm>>
    %dma_wait3A_33 = arith.constant 0 : i32
    %dma_wait3A_34 = arith.constant 0 : i32
    %dma_wait3A_35 = tpu.memref_slice %arg4[%dma_wait3A_28, %dma_wait3A_33, %dma_wait3A_34] : memref<2x2560x125xi32, #tpu.memory_space<hbm>> -> memref<1x160x125xi32, #tpu.memory_space<hbm>>
    %dma_wait3A_36 = tpu.memref_squeeze %dma_wait3A_35 : memref<1x160x125xi32, #tpu.memory_space<hbm>> -> memref<160x125xi32, #tpu.memory_space<hbm>>
    tpu.wait_dma2 semaphore(%arg20 : memref<!tpu.dma_semaphore, #tpu.memory_space<semaphore_mem>>) src(%dma_wait3A_36 : memref<160x125xi32, #tpu.memory_space<hbm>>) dst(%arg7 : memref<160x125xi32, #tpu.memory_space<vmem>>)
    %mul3A_37 = arith.constant 640 : i32
    %mul3A_38 = arith.muli %arg1, %mul3A_37 : i32
    %add3A = arith.constant 0 : i32
    %add3A_39 = arith.addi %mul3A_38, %add3A : i32
    "tpu.region"() ({
      %run_scoped3A = tpu.sem_alloc : memref<!tpu.dma_semaphore, #tpu.memory_space<semaphore_mem>>
      %dma_start3A_68 = arith.constant 0 : i32
      %dma_start3A_69 = tpu.memref_slice %arg14[%add3A_39, %dma_start3A_68] : memref<10240x64xf32, #tpu.memory_space<vmem_shared>> -> memref<128x64xf32, #tpu.memory_space<vmem_shared>>
      %dma_start3A_70 = arith.constant 0 : i32
      %dma_start3A_71 = tpu.memref_slice %arg14[%add3A_39, %dma_start3A_70] : memref<10240x64xf32, #tpu.memory_space<vmem_shared>> -> memref<128x64xf32, #tpu.memory_space<vmem_shared>>
      tpu.enqueue_dma source(%arg13 : memref<128x64xf32, #tpu.memory_space<vmem>>) target(%dma_start3A_71 : memref<128x64xf32, #tpu.memory_space<vmem_shared>>) target_semaphore(%run_scoped3A : memref<!tpu.dma_semaphore, #tpu.memory_space<semaphore_mem>>)
      %dma_wait3A_72 = arith.constant 0 : i32
      %dma_wait3A_73 = tpu.memref_slice %arg14[%add3A_39, %dma_wait3A_72] : memref<10240x64xf32, #tpu.memory_space<vmem_shared>> -> memref<128x64xf32, #tpu.memory_space<vmem_shared>>
      %dma_wait3A_74 = arith.constant 0 : i32
      %dma_wait3A_75 = tpu.memref_slice %arg14[%add3A_39, %dma_wait3A_74] : memref<10240x64xf32, #tpu.memory_space<vmem_shared>> -> memref<128x64xf32, #tpu.memory_space<vmem_shared>>
      tpu.wait_dma2 semaphore(%run_scoped3A : memref<!tpu.dma_semaphore, #tpu.memory_space<semaphore_mem>>) src(%arg13 : memref<128x64xf32, #tpu.memory_space<vmem>>) dst(%dma_wait3A_75 : memref<128x64xf32, #tpu.memory_space<vmem_shared>>)
      tpu.yield
    }) : () -> ()
    %mul3A_40 = arith.constant 640 : i32
    %mul3A_41 = arith.muli %arg1, %mul3A_40 : i32
    %add3A_42 = arith.constant 128 : i32
    %add3A_43 = arith.addi %mul3A_41, %add3A_42 : i32
    "tpu.region"() ({
      %run_scoped3A = tpu.sem_alloc : memref<!tpu.dma_semaphore, #tpu.memory_space<semaphore_mem>>
      %dma_start3A_68 = arith.constant 0 : i32
      %dma_start3A_69 = tpu.memref_slice %arg14[%add3A_43, %dma_start3A_68] : memref<10240x64xf32, #tpu.memory_space<vmem_shared>> -> memref<128x64xf32, #tpu.memory_space<vmem_shared>>
      %dma_start3A_70 = arith.constant 0 : i32
      %dma_start3A_71 = tpu.memref_slice %arg14[%add3A_43, %dma_start3A_70] : memref<10240x64xf32, #tpu.memory_space<vmem_shared>> -> memref<128x64xf32, #tpu.memory_space<vmem_shared>>
      tpu.enqueue_dma source(%arg13 : memref<128x64xf32, #tpu.memory_space<vmem>>) target(%dma_start3A_71 : memref<128x64xf32, #tpu.memory_space<vmem_shared>>) target_semaphore(%run_scoped3A : memref<!tpu.dma_semaphore, #tpu.memory_space<semaphore_mem>>)
      %dma_wait3A_72 = arith.constant 0 : i32
      %dma_wait3A_73 = tpu.memref_slice %arg14[%add3A_43, %dma_wait3A_72] : memref<10240x64xf32, #tpu.memory_space<vmem_shared>> -> memref<128x64xf32, #tpu.memory_space<vmem_shared>>
      %dma_wait3A_74 = arith.constant 0 : i32
      %dma_wait3A_75 = tpu.memref_slice %arg14[%add3A_43, %dma_wait3A_74] : memref<10240x64xf32, #tpu.memory_space<vmem_shared>> -> memref<128x64xf32, #tpu.memory_space<vmem_shared>>
      tpu.wait_dma2 semaphore(%run_scoped3A : memref<!tpu.dma_semaphore, #tpu.memory_space<semaphore_mem>>) src(%arg13 : memref<128x64xf32, #tpu.memory_space<vmem>>) dst(%dma_wait3A_75 : memref<128x64xf32, #tpu.memory_space<vmem_shared>>)
      tpu.yield
    }) : () -> ()
    %mul3A_44 = arith.constant 640 : i32
    %mul3A_45 = arith.muli %arg1, %mul3A_44 : i32
    %add3A_46 = arith.constant 256 : i32
    %add3A_47 = arith.addi %mul3A_45, %add3A_46 : i32
    "tpu.region"() ({
      %run_scoped3A = tpu.sem_alloc : memref<!tpu.dma_semaphore, #tpu.memory_space<semaphore_mem>>
      %dma_start3A_68 = arith.constant 0 : i32
      %dma_start3A_69 = tpu.memref_slice %arg14[%add3A_47, %dma_start3A_68] : memref<10240x64xf32, #tpu.memory_space<vmem_shared>> -> memref<128x64xf32, #tpu.memory_space<vmem_shared>>
      %dma_start3A_70 = arith.constant 0 : i32
      %dma_start3A_71 = tpu.memref_slice %arg14[%add3A_47, %dma_start3A_70] : memref<10240x64xf32, #tpu.memory_space<vmem_shared>> -> memref<128x64xf32, #tpu.memory_space<vmem_shared>>
      tpu.enqueue_dma source(%arg13 : memref<128x64xf32, #tpu.memory_space<vmem>>) target(%dma_start3A_71 : memref<128x64xf32, #tpu.memory_space<vmem_shared>>) target_semaphore(%run_scoped3A : memref<!tpu.dma_semaphore, #tpu.memory_space<semaphore_mem>>)
      %dma_wait3A_72 = arith.constant 0 : i32
      %dma_wait3A_73 = tpu.memref_slice %arg14[%add3A_47, %dma_wait3A_72] : memref<10240x64xf32, #tpu.memory_space<vmem_shared>> -> memref<128x64xf32, #tpu.memory_space<vmem_shared>>
      %dma_wait3A_74 = arith.constant 0 : i32
      %dma_wait3A_75 = tpu.memref_slice %arg14[%add3A_47, %dma_wait3A_74] : memref<10240x64xf32, #tpu.memory_space<vmem_shared>> -> memref<128x64xf32, #tpu.memory_space<vmem_shared>>
      tpu.wait_dma2 semaphore(%run_scoped3A : memref<!tpu.dma_semaphore, #tpu.memory_space<semaphore_mem>>) src(%arg13 : memref<128x64xf32, #tpu.memory_space<vmem>>) dst(%dma_wait3A_75 : memref<128x64xf32, #tpu.memory_space<vmem_shared>>)
      tpu.yield
    }) : () -> ()
    %mul3A_48 = arith.constant 640 : i32
    %mul3A_49 = arith.muli %arg1, %mul3A_48 : i32
    %add3A_50 = arith.constant 384 : i32
    %add3A_51 = arith.addi %mul3A_49, %add3A_50 : i32
    "tpu.region"() ({
      %run_scoped3A = tpu.sem_alloc : memref<!tpu.dma_semaphore, #tpu.memory_space<semaphore_mem>>
      %dma_start3A_68 = arith.constant 0 : i32
      %dma_start3A_69 = tpu.memref_slice %arg14[%add3A_51, %dma_start3A_68] : memref<10240x64xf32, #tpu.memory_space<vmem_shared>> -> memref<128x64xf32, #tpu.memory_space<vmem_shared>>
      %dma_start3A_70 = arith.constant 0 : i32
      %dma_start3A_71 = tpu.memref_slice %arg14[%add3A_51, %dma_start3A_70] : memref<10240x64xf32, #tpu.memory_space<vmem_shared>> -> memref<128x64xf32, #tpu.memory_space<vmem_shared>>
      tpu.enqueue_dma source(%arg13 : memref<128x64xf32, #tpu.memory_space<vmem>>) target(%dma_start3A_71 : memref<128x64xf32, #tpu.memory_space<vmem_shared>>) target_semaphore(%run_scoped3A : memref<!tpu.dma_semaphore, #tpu.memory_space<semaphore_mem>>)
      %dma_wait3A_72 = arith.constant 0 : i32
      %dma_wait3A_73 = tpu.memref_slice %arg14[%add3A_51, %dma_wait3A_72] : memref<10240x64xf32, #tpu.memory_space<vmem_shared>> -> memref<128x64xf32, #tpu.memory_space<vmem_shared>>
      %dma_wait3A_74 = arith.constant 0 : i32
      %dma_wait3A_75 = tpu.memref_slice %arg14[%add3A_51, %dma_wait3A_74] : memref<10240x64xf32, #tpu.memory_space<vmem_shared>> -> memref<128x64xf32, #tpu.memory_space<vmem_shared>>
      tpu.wait_dma2 semaphore(%run_scoped3A : memref<!tpu.dma_semaphore, #tpu.memory_space<semaphore_mem>>) src(%arg13 : memref<128x64xf32, #tpu.memory_space<vmem>>) dst(%dma_wait3A_75 : memref<128x64xf32, #tpu.memory_space<vmem_shared>>)
      tpu.yield
    }) : () -> ()
    %mul3A_52 = arith.constant 640 : i32
    %mul3A_53 = arith.muli %arg1, %mul3A_52 : i32
    %add3A_54 = arith.constant 512 : i32
    %add3A_55 = arith.addi %mul3A_53, %add3A_54 : i32
    "tpu.region"() ({
      %run_scoped3A = tpu.sem_alloc : memref<!tpu.dma_semaphore, #tpu.memory_space<semaphore_mem>>
      %dma_start3A_68 = arith.constant 0 : i32
      %dma_start3A_69 = tpu.memref_slice %arg14[%add3A_55, %dma_start3A_68] : memref<10240x64xf32, #tpu.memory_space<vmem_shared>> -> memref<128x64xf32, #tpu.memory_space<vmem_shared>>
      %dma_start3A_70 = arith.constant 0 : i32
      %dma_start3A_71 = tpu.memref_slice %arg14[%add3A_55, %dma_start3A_70] : memref<10240x64xf32, #tpu.memory_space<vmem_shared>> -> memref<128x64xf32, #tpu.memory_space<vmem_shared>>
      tpu.enqueue_dma source(%arg13 : memref<128x64xf32, #tpu.memory_space<vmem>>) target(%dma_start3A_71 : memref<128x64xf32, #tpu.memory_space<vmem_shared>>) target_semaphore(%run_scoped3A : memref<!tpu.dma_semaphore, #tpu.memory_space<semaphore_mem>>)
      %dma_wait3A_72 = arith.constant 0 : i32
      %dma_wait3A_73 = tpu.memref_slice %arg14[%add3A_55, %dma_wait3A_72] : memref<10240x64xf32, #tpu.memory_space<vmem_shared>> -> memref<128x64xf32, #tpu.memory_space<vmem_shared>>
      %dma_wait3A_74 = arith.constant 0 : i32
      %dma_wait3A_75 = tpu.memref_slice %arg14[%add3A_55, %dma_wait3A_74] : memref<10240x64xf32, #tpu.memory_space<vmem_shared>> -> memref<128x64xf32, #tpu.memory_space<vmem_shared>>
      tpu.wait_dma2 semaphore(%run_scoped3A : memref<!tpu.dma_semaphore, #tpu.memory_space<semaphore_mem>>) src(%arg13 : memref<128x64xf32, #tpu.memory_space<vmem>>) dst(%dma_wait3A_75 : memref<128x64xf32, #tpu.memory_space<vmem_shared>>)
      tpu.yield
    }) : () -> ()
    %barrier3A = arith.constant 0 : index
    tpu.barrier barrier_id(%barrier3A)
    %eq3A = arith.constant 0 : i32
    %eq3A_56 = arith.cmpi eq, %arg0, %eq3A : i32
    %convert_element_type3A = arith.extui %eq3A_56 : i1 to i32
    %cond3A = arith.constant 0 : i32
    %cond3A_57 = arith.cmpi ne, %convert_element_type3A, %cond3A : i32
    scf.if %cond3A_57 {
      %dma_start3A_68 = arith.constant 0 : i32
      %dma_start3A_69 = arith.constant 0 : i32
      %dma_start3A_70 = tpu.memref_slice %arg6[%dma_start3A_68, %dma_start3A_69] : memref<160x125xi32, #tpu.memory_space<vmem>> -> memref<1x125xi32, #tpu.memory_space<vmem>>
      %dma_start3A_71 = tpu.memref_squeeze %dma_start3A_70 : memref<1x125xi32, #tpu.memory_space<vmem>> -> memref<125xi32, #tpu.memory_space<vmem>>
      %dma_start3A_72 = arith.constant 0 : i32
      %dma_start3A_73 = arith.constant 0 : i32
      %dma_start3A_74 = tpu.memref_slice %arg2[%dma_start3A_72, %dma_start3A_73] : memref<10000x64xf32, #tpu.memory_space<hbm>> -> memref<10000x64xf32, #tpu.memory_space<hbm>>
      tpu.enqueue_indirect_dma source(%dma_start3A_74 : memref<10000x64xf32, #tpu.memory_space<hbm>>) target(%arg8 : memref<125x64xf32, #tpu.memory_space<vmem>>) offsets(%dma_start3A_71 : memref<125xi32, #tpu.memory_space<vmem>>) semaphore(%arg15 : memref<!tpu.dma_semaphore, #tpu.memory_space<semaphore_mem>>)
      %dma_start3A_75 = arith.constant 1 : i32
      %dma_start3A_76 = arith.constant 0 : i32
      %dma_start3A_77 = tpu.memref_slice %arg6[%dma_start3A_75, %dma_start3A_76] : memref<160x125xi32, #tpu.memory_space<vmem>> -> memref<1x125xi32, #tpu.memory_space<vmem>>
      %dma_start3A_78 = tpu.memref_squeeze %dma_start3A_77 : memref<1x125xi32, #tpu.memory_space<vmem>> -> memref<125xi32, #tpu.memory_space<vmem>>
      %dma_start3A_79 = arith.constant 0 : i32
      %dma_start3A_80 = arith.constant 0 : i32
      %dma_start3A_81 = tpu.memref_slice %arg2[%dma_start3A_79, %dma_start3A_80] : memref<10000x64xf32, #tpu.memory_space<hbm>> -> memref<10000x64xf32, #tpu.memory_space<hbm>>
      tpu.enqueue_indirect_dma source(%dma_start3A_81 : memref<10000x64xf32, #tpu.memory_space<hbm>>) target(%arg9 : memref<125x64xf32, #tpu.memory_space<vmem>>) offsets(%dma_start3A_78 : memref<125xi32, #tpu.memory_space<vmem>>) semaphore(%arg16 : memref<!tpu.dma_semaphore, #tpu.memory_space<semaphore_mem>>)
      %dma_start3A_82 = arith.constant 2 : i32
      %dma_start3A_83 = arith.constant 0 : i32
      %dma_start3A_84 = tpu.memref_slice %arg6[%dma_start3A_82, %dma_start3A_83] : memref<160x125xi32, #tpu.memory_space<vmem>> -> memref<1x125xi32, #tpu.memory_space<vmem>>
      %dma_start3A_85 = tpu.memref_squeeze %dma_start3A_84 : memref<1x125xi32, #tpu.memory_space<vmem>> -> memref<125xi32, #tpu.memory_space<vmem>>
      %dma_start3A_86 = arith.constant 0 : i32
      %dma_start3A_87 = arith.constant 0 : i32
      %dma_start3A_88 = tpu.memref_slice %arg2[%dma_start3A_86, %dma_start3A_87] : memref<10000x64xf32, #tpu.memory_space<hbm>> -> memref<10000x64xf32, #tpu.memory_space<hbm>>
      tpu.enqueue_indirect_dma source(%dma_start3A_88 : memref<10000x64xf32, #tpu.memory_space<hbm>>) target(%arg10 : memref<125x64xf32, #tpu.memory_space<vmem>>) offsets(%dma_start3A_85 : memref<125xi32, #tpu.memory_space<vmem>>) semaphore(%arg17 : memref<!tpu.dma_semaphore, #tpu.memory_space<semaphore_mem>>)
      %dma_start3A_89 = arith.constant 3 : i32
      %dma_start3A_90 = arith.constant 0 : i32
      %dma_start3A_91 = tpu.memref_slice %arg6[%dma_start3A_89, %dma_start3A_90] : memref<160x125xi32, #tpu.memory_space<vmem>> -> memref<1x125xi32, #tpu.memory_space<vmem>>
      %dma_start3A_92 = tpu.memref_squeeze %dma_start3A_91 : memref<1x125xi32, #tpu.memory_space<vmem>> -> memref<125xi32, #tpu.memory_space<vmem>>
      %dma_start3A_93 = arith.constant 0 : i32
      %dma_start3A_94 = arith.constant 0 : i32
      %dma_start3A_95 = tpu.memref_slice %arg2[%dma_start3A_93, %dma_start3A_94] : memref<10000x64xf32, #tpu.memory_space<hbm>> -> memref<10000x64xf32, #tpu.memory_space<hbm>>
      tpu.enqueue_indirect_dma source(%dma_start3A_95 : memref<10000x64xf32, #tpu.memory_space<hbm>>) target(%arg11 : memref<125x64xf32, #tpu.memory_space<vmem>>) offsets(%dma_start3A_92 : memref<125xi32, #tpu.memory_space<vmem>>) semaphore(%arg18 : memref<!tpu.dma_semaphore, #tpu.memory_space<semaphore_mem>>)
      %dma_start3A_96 = arith.constant 4 : i32
      %dma_start3A_97 = arith.constant 0 : i32
      %dma_start3A_98 = tpu.memref_slice %arg6[%dma_start3A_96, %dma_start3A_97] : memref<160x125xi32, #tpu.memory_space<vmem>> -> memref<1x125xi32, #tpu.memory_space<vmem>>
      %dma_start3A_99 = tpu.memref_squeeze %dma_start3A_98 : memref<1x125xi32, #tpu.memory_space<vmem>> -> memref<125xi32, #tpu.memory_space<vmem>>
      %dma_start3A_100 = arith.constant 0 : i32
      %dma_start3A_101 = arith.constant 0 : i32
      %dma_start3A_102 = tpu.memref_slice %arg2[%dma_start3A_100, %dma_start3A_101] : memref<10000x64xf32, #tpu.memory_space<hbm>> -> memref<10000x64xf32, #tpu.memory_space<hbm>>
      tpu.enqueue_indirect_dma source(%dma_start3A_102 : memref<10000x64xf32, #tpu.memory_space<hbm>>) target(%arg12 : memref<125x64xf32, #tpu.memory_space<vmem>>) offsets(%dma_start3A_99 : memref<125xi32, #tpu.memory_space<vmem>>) semaphore(%arg19 : memref<!tpu.dma_semaphore, #tpu.memory_space<semaphore_mem>>)
      %scan3A_103 = arith.constant 0 : i32
      %scan3A_104 = arith.constant 32 : i32
      %scan3A_105 = arith.addi %scan3A_103, %scan3A_104 : i32
      %scan3A_106 = arith.constant 1 : i32
      scf.for %scan3A_108 = %scan3A_103 to %scan3A_105 step %scan3A_106  : i32 {
        %mul3A_109 = arith.constant 5 : i32
        %mul3A_110 = arith.muli %scan3A_108, %mul3A_109 : i32
        %add3A_111 = arith.constant 0 : i32
        %add3A_112 = arith.addi %add3A_111, %mul3A_110 : i32
        %add3A_113 = arith.constant 0 : i32
        %add3A_114 = arith.addi %add3A_112, %add3A_113 : i32
        %dma_wait3A_115 = arith.constant 0 : i32
        %dma_wait3A_116 = tpu.memref_slice %arg6[%add3A_114, %dma_wait3A_115] : memref<160x125xi32, #tpu.memory_space<vmem>> -> memref<1x125xi32, #tpu.memory_space<vmem>>
        %dma_wait3A_117 = tpu.memref_squeeze %dma_wait3A_116 : memref<1x125xi32, #tpu.memory_space<vmem>> -> memref<125xi32, #tpu.memory_space<vmem>>
        %dma_wait3A_118 = arith.constant 0 : i32
        %dma_wait3A_119 = arith.constant 0 : i32
        %dma_wait3A_120 = tpu.memref_slice %arg2[%dma_wait3A_118, %dma_wait3A_119] : memref<10000x64xf32, #tpu.memory_space<hbm>> -> memref<10000x64xf32, #tpu.memory_space<hbm>>
        tpu.wait_indirect_dma semaphore(%arg15 : memref<!tpu.dma_semaphore, #tpu.memory_space<semaphore_mem>>) src(%dma_wait3A_120 : memref<10000x64xf32, #tpu.memory_space<hbm>>) dst(%arg8 : memref<125x64xf32, #tpu.memory_space<vmem>>)
        "tpu.region"() ({
          %run_scoped3A = tpu.sem_alloc : memref<!tpu.dma_semaphore, #tpu.memory_space<semaphore_mem>>
          %dma_start3A_187 = arith.constant 0 : i32
          %dma_start3A_188 = tpu.memref_slice %arg7[%add3A_114, %dma_start3A_187] : memref<160x125xi32, #tpu.memory_space<vmem>> -> memref<1x125xi32, #tpu.memory_space<vmem>>
          %dma_start3A_189 = tpu.memref_squeeze %dma_start3A_188 : memref<1x125xi32, #tpu.memory_space<vmem>> -> memref<125xi32, #tpu.memory_space<vmem>>
          %dma_start3A_190 = arith.constant 0 : i32
          %dma_start3A_191 = arith.constant 0 : i32
          %dma_start3A_192 = tpu.memref_slice %arg14[%dma_start3A_190, %dma_start3A_191] : memref<10240x64xf32, #tpu.memory_space<vmem_shared>> -> memref<10240x64xf32, #tpu.memory_space<vmem_shared>>
          tpu.enqueue_indirect_dma source(%arg8 : memref<125x64xf32, #tpu.memory_space<vmem>>) target(%dma_start3A_192 : memref<10240x64xf32, #tpu.memory_space<vmem_shared>>) offsets(%dma_start3A_189 : memref<125xi32, #tpu.memory_space<vmem>>) semaphore(%run_scoped3A : memref<!tpu.dma_semaphore, #tpu.memory_space<semaphore_mem>>) {add = true}
          %dma_wait3A_193 = arith.constant 0 : i32
          %dma_wait3A_194 = tpu.memref_slice %arg7[%add3A_114, %dma_wait3A_193] : memref<160x125xi32, #tpu.memory_space<vmem>> -> memref<1x125xi32, #tpu.memory_space<vmem>>
          %dma_wait3A_195 = tpu.memref_squeeze %dma_wait3A_194 : memref<1x125xi32, #tpu.memory_space<vmem>> -> memref<125xi32, #tpu.memory_space<vmem>>
          %dma_wait3A_196 = arith.constant 0 : i32
          %dma_wait3A_197 = arith.constant 0 : i32
          %dma_wait3A_198 = tpu.memref_slice %arg14[%dma_wait3A_196, %dma_wait3A_197] : memref<10240x64xf32, #tpu.memory_space<vmem_shared>> -> memref<10240x64xf32, #tpu.memory_space<vmem_shared>>
          tpu.wait_indirect_dma semaphore(%run_scoped3A : memref<!tpu.dma_semaphore, #tpu.memory_space<semaphore_mem>>) src(%arg8 : memref<125x64xf32, #tpu.memory_space<vmem>>) dst(%dma_wait3A_198 : memref<10240x64xf32, #tpu.memory_space<vmem_shared>>)
          tpu.yield
        }) : () -> ()
        %add3A_121 = arith.constant 5 : i32
        %add3A_122 = arith.addi %add3A_114, %add3A_121 : i32
        %lt3A = arith.constant 160 : i32
        %lt3A_123 = arith.cmpi slt, %add3A_122, %lt3A : i32
        %convert_element_type3A_124 = arith.extui %lt3A_123 : i1 to i32
        %cond3A_125 = arith.constant 0 : i32
        %cond3A_126 = arith.cmpi ne, %convert_element_type3A_124, %cond3A_125 : i32
        scf.if %cond3A_126 {
          %add3A_187 = arith.constant 5 : i32
          %add3A_188 = arith.addi %add3A_114, %add3A_187 : i32
          %dma_start3A_189 = arith.constant 0 : i32
          %dma_start3A_190 = tpu.memref_slice %arg6[%add3A_188, %dma_start3A_189] : memref<160x125xi32, #tpu.memory_space<vmem>> -> memref<1x125xi32, #tpu.memory_space<vmem>>
          %dma_start3A_191 = tpu.memref_squeeze %dma_start3A_190 : memref<1x125xi32, #tpu.memory_space<vmem>> -> memref<125xi32, #tpu.memory_space<vmem>>
          %dma_start3A_192 = arith.constant 0 : i32
          %dma_start3A_193 = arith.constant 0 : i32
          %dma_start3A_194 = tpu.memref_slice %arg2[%dma_start3A_192, %dma_start3A_193] : memref<10000x64xf32, #tpu.memory_space<hbm>> -> memref<10000x64xf32, #tpu.memory_space<hbm>>
          tpu.enqueue_indirect_dma source(%dma_start3A_194 : memref<10000x64xf32, #tpu.memory_space<hbm>>) target(%arg8 : memref<125x64xf32, #tpu.memory_space<vmem>>) offsets(%dma_start3A_191 : memref<125xi32, #tpu.memory_space<vmem>>) semaphore(%arg15 : memref<!tpu.dma_semaphore, #tpu.memory_space<semaphore_mem>>)
        } else {
        }
        %add3A_127 = arith.constant 1 : i32
        %add3A_128 = arith.addi %add3A_112, %add3A_127 : i32
        %dma_wait3A_129 = arith.constant 0 : i32
        %dma_wait3A_130 = tpu.memref_slice %arg6[%add3A_128, %dma_wait3A_129] : memref<160x125xi32, #tpu.memory_space<vmem>> -> memref<1x125xi32, #tpu.memory_space<vmem>>
        %dma_wait3A_131 = tpu.memref_squeeze %dma_wait3A_130 : memref<1x125xi32, #tpu.memory_space<vmem>> -> memref<125xi32, #tpu.memory_space<vmem>>
        %dma_wait3A_132 = arith.constant 0 : i32
        %dma_wait3A_133 = arith.constant 0 : i32
        %dma_wait3A_134 = tpu.memref_slice %arg2[%dma_wait3A_132, %dma_wait3A_133] : memref<10000x64xf32, #tpu.memory_space<hbm>> -> memref<10000x64xf32, #tpu.memory_space<hbm>>
        tpu.wait_indirect_dma semaphore(%arg16 : memref<!tpu.dma_semaphore, #tpu.memory_space<semaphore_mem>>) src(%dma_wait3A_134 : memref<10000x64xf32, #tpu.memory_space<hbm>>) dst(%arg9 : memref<125x64xf32, #tpu.memory_space<vmem>>)
        "tpu.region"() ({
          %run_scoped3A = tpu.sem_alloc : memref<!tpu.dma_semaphore, #tpu.memory_space<semaphore_mem>>
          %dma_start3A_187 = arith.constant 0 : i32
          %dma_start3A_188 = tpu.memref_slice %arg7[%add3A_128, %dma_start3A_187] : memref<160x125xi32, #tpu.memory_space<vmem>> -> memref<1x125xi32, #tpu.memory_space<vmem>>
          %dma_start3A_189 = tpu.memref_squeeze %dma_start3A_188 : memref<1x125xi32, #tpu.memory_space<vmem>> -> memref<125xi32, #tpu.memory_space<vmem>>
          %dma_start3A_190 = arith.constant 0 : i32
          %dma_start3A_191 = arith.constant 0 : i32
          %dma_start3A_192 = tpu.memref_slice %arg14[%dma_start3A_190, %dma_start3A_191] : memref<10240x64xf32, #tpu.memory_space<vmem_shared>> -> memref<10240x64xf32, #tpu.memory_space<vmem_shared>>
          tpu.enqueue_indirect_dma source(%arg9 : memref<125x64xf32, #tpu.memory_space<vmem>>) target(%dma_start3A_192 : memref<10240x64xf32, #tpu.memory_space<vmem_shared>>) offsets(%dma_start3A_189 : memref<125xi32, #tpu.memory_space<vmem>>) semaphore(%run_scoped3A : memref<!tpu.dma_semaphore, #tpu.memory_space<semaphore_mem>>) {add = true}
          %dma_wait3A_193 = arith.constant 0 : i32
          %dma_wait3A_194 = tpu.memref_slice %arg7[%add3A_128, %dma_wait3A_193] : memref<160x125xi32, #tpu.memory_space<vmem>> -> memref<1x125xi32, #tpu.memory_space<vmem>>
          %dma_wait3A_195 = tpu.memref_squeeze %dma_wait3A_194 : memref<1x125xi32, #tpu.memory_space<vmem>> -> memref<125xi32, #tpu.memory_space<vmem>>
          %dma_wait3A_196 = arith.constant 0 : i32
          %dma_wait3A_197 = arith.constant 0 : i32
          %dma_wait3A_198 = tpu.memref_slice %arg14[%dma_wait3A_196, %dma_wait3A_197] : memref<10240x64xf32, #tpu.memory_space<vmem_shared>> -> memref<10240x64xf32, #tpu.memory_space<vmem_shared>>
          tpu.wait_indirect_dma semaphore(%run_scoped3A : memref<!tpu.dma_semaphore, #tpu.memory_space<semaphore_mem>>) src(%arg9 : memref<125x64xf32, #tpu.memory_space<vmem>>) dst(%dma_wait3A_198 : memref<10240x64xf32, #tpu.memory_space<vmem_shared>>)
          tpu.yield
        }) : () -> ()
        %add3A_135 = arith.constant 5 : i32
        %add3A_136 = arith.addi %add3A_128, %add3A_135 : i32
        %lt3A_137 = arith.constant 160 : i32
        %lt3A_138 = arith.cmpi slt, %add3A_136, %lt3A_137 : i32
        %convert_element_type3A_139 = arith.extui %lt3A_138 : i1 to i32
        %cond3A_140 = arith.constant 0 : i32
        %cond3A_141 = arith.cmpi ne, %convert_element_type3A_139, %cond3A_140 : i32
        scf.if %cond3A_141 {
          %add3A_187 = arith.constant 5 : i32
          %add3A_188 = arith.addi %add3A_128, %add3A_187 : i32
          %dma_start3A_189 = arith.constant 0 : i32
          %dma_start3A_190 = tpu.memref_slice %arg6[%add3A_188, %dma_start3A_189] : memref<160x125xi32, #tpu.memory_space<vmem>> -> memref<1x125xi32, #tpu.memory_space<vmem>>
          %dma_start3A_191 = tpu.memref_squeeze %dma_start3A_190 : memref<1x125xi32, #tpu.memory_space<vmem>> -> memref<125xi32, #tpu.memory_space<vmem>>
          %dma_start3A_192 = arith.constant 0 : i32
          %dma_start3A_193 = arith.constant 0 : i32
          %dma_start3A_194 = tpu.memref_slice %arg2[%dma_start3A_192, %dma_start3A_193] : memref<10000x64xf32, #tpu.memory_space<hbm>> -> memref<10000x64xf32, #tpu.memory_space<hbm>>
          tpu.enqueue_indirect_dma source(%dma_start3A_194 : memref<10000x64xf32, #tpu.memory_space<hbm>>) target(%arg9 : memref<125x64xf32, #tpu.memory_space<vmem>>) offsets(%dma_start3A_191 : memref<125xi32, #tpu.memory_space<vmem>>) semaphore(%arg16 : memref<!tpu.dma_semaphore, #tpu.memory_space<semaphore_mem>>)
        } else {
        }
        %add3A_142 = arith.constant 2 : i32
        %add3A_143 = arith.addi %add3A_112, %add3A_142 : i32
        %dma_wait3A_144 = arith.constant 0 : i32
        %dma_wait3A_145 = tpu.memref_slice %arg6[%add3A_143, %dma_wait3A_144] : memref<160x125xi32, #tpu.memory_space<vmem>> -> memref<1x125xi32, #tpu.memory_space<vmem>>
        %dma_wait3A_146 = tpu.memref_squeeze %dma_wait3A_145 : memref<1x125xi32, #tpu.memory_space<vmem>> -> memref<125xi32, #tpu.memory_space<vmem>>
        %dma_wait3A_147 = arith.constant 0 : i32
        %dma_wait3A_148 = arith.constant 0 : i32
        %dma_wait3A_149 = tpu.memref_slice %arg2[%dma_wait3A_147, %dma_wait3A_148] : memref<10000x64xf32, #tpu.memory_space<hbm>> -> memref<10000x64xf32, #tpu.memory_space<hbm>>
        tpu.wait_indirect_dma semaphore(%arg17 : memref<!tpu.dma_semaphore, #tpu.memory_space<semaphore_mem>>) src(%dma_wait3A_149 : memref<10000x64xf32, #tpu.memory_space<hbm>>) dst(%arg10 : memref<125x64xf32, #tpu.memory_space<vmem>>)
        "tpu.region"() ({
          %run_scoped3A = tpu.sem_alloc : memref<!tpu.dma_semaphore, #tpu.memory_space<semaphore_mem>>
          %dma_start3A_187 = arith.constant 0 : i32
          %dma_start3A_188 = tpu.memref_slice %arg7[%add3A_143, %dma_start3A_187] : memref<160x125xi32, #tpu.memory_space<vmem>> -> memref<1x125xi32, #tpu.memory_space<vmem>>
          %dma_start3A_189 = tpu.memref_squeeze %dma_start3A_188 : memref<1x125xi32, #tpu.memory_space<vmem>> -> memref<125xi32, #tpu.memory_space<vmem>>
          %dma_start3A_190 = arith.constant 0 : i32
          %dma_start3A_191 = arith.constant 0 : i32
          %dma_start3A_192 = tpu.memref_slice %arg14[%dma_start3A_190, %dma_start3A_191] : memref<10240x64xf32, #tpu.memory_space<vmem_shared>> -> memref<10240x64xf32, #tpu.memory_space<vmem_shared>>
          tpu.enqueue_indirect_dma source(%arg10 : memref<125x64xf32, #tpu.memory_space<vmem>>) target(%dma_start3A_192 : memref<10240x64xf32, #tpu.memory_space<vmem_shared>>) offsets(%dma_start3A_189 : memref<125xi32, #tpu.memory_space<vmem>>) semaphore(%run_scoped3A : memref<!tpu.dma_semaphore, #tpu.memory_space<semaphore_mem>>) {add = true}
          %dma_wait3A_193 = arith.constant 0 : i32
          %dma_wait3A_194 = tpu.memref_slice %arg7[%add3A_143, %dma_wait3A_193] : memref<160x125xi32, #tpu.memory_space<vmem>> -> memref<1x125xi32, #tpu.memory_space<vmem>>
          %dma_wait3A_195 = tpu.memref_squeeze %dma_wait3A_194 : memref<1x125xi32, #tpu.memory_space<vmem>> -> memref<125xi32, #tpu.memory_space<vmem>>
          %dma_wait3A_196 = arith.constant 0 : i32
          %dma_wait3A_197 = arith.constant 0 : i32
          %dma_wait3A_198 = tpu.memref_slice %arg14[%dma_wait3A_196, %dma_wait3A_197] : memref<10240x64xf32, #tpu.memory_space<vmem_shared>> -> memref<10240x64xf32, #tpu.memory_space<vmem_shared>>
          tpu.wait_indirect_dma semaphore(%run_scoped3A : memref<!tpu.dma_semaphore, #tpu.memory_space<semaphore_mem>>) src(%arg10 : memref<125x64xf32, #tpu.memory_space<vmem>>) dst(%dma_wait3A_198 : memref<10240x64xf32, #tpu.memory_space<vmem_shared>>)
          tpu.yield
        }) : () -> ()
        %add3A_150 = arith.constant 5 : i32
        %add3A_151 = arith.addi %add3A_143, %add3A_150 : i32
        %lt3A_152 = arith.constant 160 : i32
        %lt3A_153 = arith.cmpi slt, %add3A_151, %lt3A_152 : i32
        %convert_element_type3A_154 = arith.extui %lt3A_153 : i1 to i32
        %cond3A_155 = arith.constant 0 : i32
        %cond3A_156 = arith.cmpi ne, %convert_element_type3A_154, %cond3A_155 : i32
        scf.if %cond3A_156 {
          %add3A_187 = arith.constant 5 : i32
          %add3A_188 = arith.addi %add3A_143, %add3A_187 : i32
          %dma_start3A_189 = arith.constant 0 : i32
          %dma_start3A_190 = tpu.memref_slice %arg6[%add3A_188, %dma_start3A_189] : memref<160x125xi32, #tpu.memory_space<vmem>> -> memref<1x125xi32, #tpu.memory_space<vmem>>
          %dma_start3A_191 = tpu.memref_squeeze %dma_start3A_190 : memref<1x125xi32, #tpu.memory_space<vmem>> -> memref<125xi32, #tpu.memory_space<vmem>>
          %dma_start3A_192 = arith.constant 0 : i32
          %dma_start3A_193 = arith.constant 0 : i32
          %dma_start3A_194 = tpu.memref_slice %arg2[%dma_start3A_192, %dma_start3A_193] : memref<10000x64xf32, #tpu.memory_space<hbm>> -> memref<10000x64xf32, #tpu.memory_space<hbm>>
          tpu.enqueue_indirect_dma source(%dma_start3A_194 : memref<10000x64xf32, #tpu.memory_space<hbm>>) target(%arg10 : memref<125x64xf32, #tpu.memory_space<vmem>>) offsets(%dma_start3A_191 : memref<125xi32, #tpu.memory_space<vmem>>) semaphore(%arg17 : memref<!tpu.dma_semaphore, #tpu.memory_space<semaphore_mem>>)
        } else {
        }
        %add3A_157 = arith.constant 3 : i32
        %add3A_158 = arith.addi %add3A_112, %add3A_157 : i32
        %dma_wait3A_159 = arith.constant 0 : i32
        %dma_wait3A_160 = tpu.memref_slice %arg6[%add3A_158, %dma_wait3A_159] : memref<160x125xi32, #tpu.memory_space<vmem>> -> memref<1x125xi32, #tpu.memory_space<vmem>>
        %dma_wait3A_161 = tpu.memref_squeeze %dma_wait3A_160 : memref<1x125xi32, #tpu.memory_space<vmem>> -> memref<125xi32, #tpu.memory_space<vmem>>
        %dma_wait3A_162 = arith.constant 0 : i32
        %dma_wait3A_163 = arith.constant 0 : i32
        %dma_wait3A_164 = tpu.memref_slice %arg2[%dma_wait3A_162, %dma_wait3A_163] : memref<10000x64xf32, #tpu.memory_space<hbm>> -> memref<10000x64xf32, #tpu.memory_space<hbm>>
        tpu.wait_indirect_dma semaphore(%arg18 : memref<!tpu.dma_semaphore, #tpu.memory_space<semaphore_mem>>) src(%dma_wait3A_164 : memref<10000x64xf32, #tpu.memory_space<hbm>>) dst(%arg11 : memref<125x64xf32, #tpu.memory_space<vmem>>)
        "tpu.region"() ({
          %run_scoped3A = tpu.sem_alloc : memref<!tpu.dma_semaphore, #tpu.memory_space<semaphore_mem>>
          %dma_start3A_187 = arith.constant 0 : i32
          %dma_start3A_188 = tpu.memref_slice %arg7[%add3A_158, %dma_start3A_187] : memref<160x125xi32, #tpu.memory_space<vmem>> -> memref<1x125xi32, #tpu.memory_space<vmem>>
          %dma_start3A_189 = tpu.memref_squeeze %dma_start3A_188 : memref<1x125xi32, #tpu.memory_space<vmem>> -> memref<125xi32, #tpu.memory_space<vmem>>
          %dma_start3A_190 = arith.constant 0 : i32
          %dma_start3A_191 = arith.constant 0 : i32
          %dma_start3A_192 = tpu.memref_slice %arg14[%dma_start3A_190, %dma_start3A_191] : memref<10240x64xf32, #tpu.memory_space<vmem_shared>> -> memref<10240x64xf32, #tpu.memory_space<vmem_shared>>
          tpu.enqueue_indirect_dma source(%arg11 : memref<125x64xf32, #tpu.memory_space<vmem>>) target(%dma_start3A_192 : memref<10240x64xf32, #tpu.memory_space<vmem_shared>>) offsets(%dma_start3A_189 : memref<125xi32, #tpu.memory_space<vmem>>) semaphore(%run_scoped3A : memref<!tpu.dma_semaphore, #tpu.memory_space<semaphore_mem>>) {add = true}
          %dma_wait3A_193 = arith.constant 0 : i32
          %dma_wait3A_194 = tpu.memref_slice %arg7[%add3A_158, %dma_wait3A_193] : memref<160x125xi32, #tpu.memory_space<vmem>> -> memref<1x125xi32, #tpu.memory_space<vmem>>
          %dma_wait3A_195 = tpu.memref_squeeze %dma_wait3A_194 : memref<1x125xi32, #tpu.memory_space<vmem>> -> memref<125xi32, #tpu.memory_space<vmem>>
          %dma_wait3A_196 = arith.constant 0 : i32
          %dma_wait3A_197 = arith.constant 0 : i32
          %dma_wait3A_198 = tpu.memref_slice %arg14[%dma_wait3A_196, %dma_wait3A_197] : memref<10240x64xf32, #tpu.memory_space<vmem_shared>> -> memref<10240x64xf32, #tpu.memory_space<vmem_shared>>
          tpu.wait_indirect_dma semaphore(%run_scoped3A : memref<!tpu.dma_semaphore, #tpu.memory_space<semaphore_mem>>) src(%arg11 : memref<125x64xf32, #tpu.memory_space<vmem>>) dst(%dma_wait3A_198 : memref<10240x64xf32, #tpu.memory_space<vmem_shared>>)
          tpu.yield
        }) : () -> ()
        %add3A_165 = arith.constant 5 : i32
        %add3A_166 = arith.addi %add3A_158, %add3A_165 : i32
        %lt3A_167 = arith.constant 160 : i32
        %lt3A_168 = arith.cmpi slt, %add3A_166, %lt3A_167 : i32
        %convert_element_type3A_169 = arith.extui %lt3A_168 : i1 to i32
        %cond3A_170 = arith.constant 0 : i32
        %cond3A_171 = arith.cmpi ne, %convert_element_type3A_169, %cond3A_170 : i32
        scf.if %cond3A_171 {
          %add3A_187 = arith.constant 5 : i32
          %add3A_188 = arith.addi %add3A_158, %add3A_187 : i32
          %dma_start3A_189 = arith.constant 0 : i32
          %dma_start3A_190 = tpu.memref_slice %arg6[%add3A_188, %dma_start3A_189] : memref<160x125xi32, #tpu.memory_space<vmem>> -> memref<1x125xi32, #tpu.memory_space<vmem>>
          %dma_start3A_191 = tpu.memref_squeeze %dma_start3A_190 : memref<1x125xi32, #tpu.memory_space<vmem>> -> memref<125xi32, #tpu.memory_space<vmem>>
          %dma_start3A_192 = arith.constant 0 : i32
          %dma_start3A_193 = arith.constant 0 : i32
          %dma_start3A_194 = tpu.memref_slice %arg2[%dma_start3A_192, %dma_start3A_193] : memref<10000x64xf32, #tpu.memory_space<hbm>> -> memref<10000x64xf32, #tpu.memory_space<hbm>>
          tpu.enqueue_indirect_dma source(%dma_start3A_194 : memref<10000x64xf32, #tpu.memory_space<hbm>>) target(%arg11 : memref<125x64xf32, #tpu.memory_space<vmem>>) offsets(%dma_start3A_191 : memref<125xi32, #tpu.memory_space<vmem>>) semaphore(%arg18 : memref<!tpu.dma_semaphore, #tpu.memory_space<semaphore_mem>>)
        } else {
        }
        %add3A_172 = arith.constant 4 : i32
        %add3A_173 = arith.addi %add3A_112, %add3A_172 : i32
        %dma_wait3A_174 = arith.constant 0 : i32
        %dma_wait3A_175 = tpu.memref_slice %arg6[%add3A_173, %dma_wait3A_174] : memref<160x125xi32, #tpu.memory_space<vmem>> -> memref<1x125xi32, #tpu.memory_space<vmem>>
        %dma_wait3A_176 = tpu.memref_squeeze %dma_wait3A_175 : memref<1x125xi32, #tpu.memory_space<vmem>> -> memref<125xi32, #tpu.memory_space<vmem>>
        %dma_wait3A_177 = arith.constant 0 : i32
        %dma_wait3A_178 = arith.constant 0 : i32
        %dma_wait3A_179 = tpu.memref_slice %arg2[%dma_wait3A_177, %dma_wait3A_178] : memref<10000x64xf32, #tpu.memory_space<hbm>> -> memref<10000x64xf32, #tpu.memory_space<hbm>>
        tpu.wait_indirect_dma semaphore(%arg19 : memref<!tpu.dma_semaphore, #tpu.memory_space<semaphore_mem>>) src(%dma_wait3A_179 : memref<10000x64xf32, #tpu.memory_space<hbm>>) dst(%arg12 : memref<125x64xf32, #tpu.memory_space<vmem>>)
        "tpu.region"() ({
          %run_scoped3A = tpu.sem_alloc : memref<!tpu.dma_semaphore, #tpu.memory_space<semaphore_mem>>
          %dma_start3A_187 = arith.constant 0 : i32
          %dma_start3A_188 = tpu.memref_slice %arg7[%add3A_173, %dma_start3A_187] : memref<160x125xi32, #tpu.memory_space<vmem>> -> memref<1x125xi32, #tpu.memory_space<vmem>>
          %dma_start3A_189 = tpu.memref_squeeze %dma_start3A_188 : memref<1x125xi32, #tpu.memory_space<vmem>> -> memref<125xi32, #tpu.memory_space<vmem>>
          %dma_start3A_190 = arith.constant 0 : i32
          %dma_start3A_191 = arith.constant 0 : i32
          %dma_start3A_192 = tpu.memref_slice %arg14[%dma_start3A_190, %dma_start3A_191] : memref<10240x64xf32, #tpu.memory_space<vmem_shared>> -> memref<10240x64xf32, #tpu.memory_space<vmem_shared>>
          tpu.enqueue_indirect_dma source(%arg12 : memref<125x64xf32, #tpu.memory_space<vmem>>) target(%dma_start3A_192 : memref<10240x64xf32, #tpu.memory_space<vmem_shared>>) offsets(%dma_start3A_189 : memref<125xi32, #tpu.memory_space<vmem>>) semaphore(%run_scoped3A : memref<!tpu.dma_semaphore, #tpu.memory_space<semaphore_mem>>) {add = true}
          %dma_wait3A_193 = arith.constant 0 : i32
          %dma_wait3A_194 = tpu.memref_slice %arg7[%add3A_173, %dma_wait3A_193] : memref<160x125xi32, #tpu.memory_space<vmem>> -> memref<1x125xi32, #tpu.memory_space<vmem>>
          %dma_wait3A_195 = tpu.memref_squeeze %dma_wait3A_194 : memref<1x125xi32, #tpu.memory_space<vmem>> -> memref<125xi32, #tpu.memory_space<vmem>>
          %dma_wait3A_196 = arith.constant 0 : i32
          %dma_wait3A_197 = arith.constant 0 : i32
          %dma_wait3A_198 = tpu.memref_slice %arg14[%dma_wait3A_196, %dma_wait3A_197] : memref<10240x64xf32, #tpu.memory_space<vmem_shared>> -> memref<10240x64xf32, #tpu.memory_space<vmem_shared>>
          tpu.wait_indirect_dma semaphore(%run_scoped3A : memref<!tpu.dma_semaphore, #tpu.memory_space<semaphore_mem>>) src(%arg12 : memref<125x64xf32, #tpu.memory_space<vmem>>) dst(%dma_wait3A_198 : memref<10240x64xf32, #tpu.memory_space<vmem_shared>>)
          tpu.yield
        }) : () -> ()
        %add3A_180 = arith.constant 5 : i32
        %add3A_181 = arith.addi %add3A_173, %add3A_180 : i32
        %lt3A_182 = arith.constant 160 : i32
        %lt3A_183 = arith.cmpi slt, %add3A_181, %lt3A_182 : i32
        %convert_element_type3A_184 = arith.extui %lt3A_183 : i1 to i32
        %cond3A_185 = arith.constant 0 : i32
        %cond3A_186 = arith.cmpi ne, %convert_element_type3A_184, %cond3A_185 : i32
        scf.if %cond3A_186 {
          %add3A_187 = arith.constant 5 : i32
          %add3A_188 = arith.addi %add3A_173, %add3A_187 : i32
          %dma_start3A_189 = arith.constant 0 : i32
          %dma_start3A_190 = tpu.memref_slice %arg6[%add3A_188, %dma_start3A_189] : memref<160x125xi32, #tpu.memory_space<vmem>> -> memref<1x125xi32, #tpu.memory_space<vmem>>
          %dma_start3A_191 = tpu.memref_squeeze %dma_start3A_190 : memref<1x125xi32, #tpu.memory_space<vmem>> -> memref<125xi32, #tpu.memory_space<vmem>>
          %dma_start3A_192 = arith.constant 0 : i32
          %dma_start3A_193 = arith.constant 0 : i32
          %dma_start3A_194 = tpu.memref_slice %arg2[%dma_start3A_192, %dma_start3A_193] : memref<10000x64xf32, #tpu.memory_space<hbm>> -> memref<10000x64xf32, #tpu.memory_space<hbm>>
          tpu.enqueue_indirect_dma source(%dma_start3A_194 : memref<10000x64xf32, #tpu.memory_space<hbm>>) target(%arg12 : memref<125x64xf32, #tpu.memory_space<vmem>>) offsets(%dma_start3A_191 : memref<125xi32, #tpu.memory_space<vmem>>) semaphore(%arg19 : memref<!tpu.dma_semaphore, #tpu.memory_space<semaphore_mem>>)
        } else {
        }
      }
      %scan3A_107 = arith.constant 32 : i32
    } else {
    }
    %eq3A_58 = arith.constant 1 : i32
    %eq3A_59 = arith.cmpi eq, %arg0, %eq3A_58 : i32
    %convert_element_type3A_60 = arith.extui %eq3A_59 : i1 to i32
    %cond3A_61 = arith.constant 0 : i32
    %cond3A_62 = arith.cmpi ne, %convert_element_type3A_60, %cond3A_61 : i32
    scf.if %cond3A_62 {
      %dma_start3A_68 = arith.constant 0 : i32
      %dma_start3A_69 = arith.constant 0 : i32
      %dma_start3A_70 = tpu.memref_slice %arg6[%dma_start3A_68, %dma_start3A_69] : memref<160x125xi32, #tpu.memory_space<vmem>> -> memref<1x125xi32, #tpu.memory_space<vmem>>
      %dma_start3A_71 = tpu.memref_squeeze %dma_start3A_70 : memref<1x125xi32, #tpu.memory_space<vmem>> -> memref<125xi32, #tpu.memory_space<vmem>>
      %dma_start3A_72 = arith.constant 0 : i32
      %dma_start3A_73 = arith.constant 0 : i32
      %dma_start3A_74 = tpu.memref_slice %arg3[%dma_start3A_72, %dma_start3A_73] : memref<10000x64xf32, #tpu.memory_space<hbm>> -> memref<10000x64xf32, #tpu.memory_space<hbm>>
      tpu.enqueue_indirect_dma source(%dma_start3A_74 : memref<10000x64xf32, #tpu.memory_space<hbm>>) target(%arg8 : memref<125x64xf32, #tpu.memory_space<vmem>>) offsets(%dma_start3A_71 : memref<125xi32, #tpu.memory_space<vmem>>) semaphore(%arg15 : memref<!tpu.dma_semaphore, #tpu.memory_space<semaphore_mem>>)
      %dma_start3A_75 = arith.constant 1 : i32
      %dma_start3A_76 = arith.constant 0 : i32
      %dma_start3A_77 = tpu.memref_slice %arg6[%dma_start3A_75, %dma_start3A_76] : memref<160x125xi32, #tpu.memory_space<vmem>> -> memref<1x125xi32, #tpu.memory_space<vmem>>
      %dma_start3A_78 = tpu.memref_squeeze %dma_start3A_77 : memref<1x125xi32, #tpu.memory_space<vmem>> -> memref<125xi32, #tpu.memory_space<vmem>>
      %dma_start3A_79 = arith.constant 0 : i32
      %dma_start3A_80 = arith.constant 0 : i32
      %dma_start3A_81 = tpu.memref_slice %arg3[%dma_start3A_79, %dma_start3A_80] : memref<10000x64xf32, #tpu.memory_space<hbm>> -> memref<10000x64xf32, #tpu.memory_space<hbm>>
      tpu.enqueue_indirect_dma source(%dma_start3A_81 : memref<10000x64xf32, #tpu.memory_space<hbm>>) target(%arg9 : memref<125x64xf32, #tpu.memory_space<vmem>>) offsets(%dma_start3A_78 : memref<125xi32, #tpu.memory_space<vmem>>) semaphore(%arg16 : memref<!tpu.dma_semaphore, #tpu.memory_space<semaphore_mem>>)
      %dma_start3A_82 = arith.constant 2 : i32
      %dma_start3A_83 = arith.constant 0 : i32
      %dma_start3A_84 = tpu.memref_slice %arg6[%dma_start3A_82, %dma_start3A_83] : memref<160x125xi32, #tpu.memory_space<vmem>> -> memref<1x125xi32, #tpu.memory_space<vmem>>
      %dma_start3A_85 = tpu.memref_squeeze %dma_start3A_84 : memref<1x125xi32, #tpu.memory_space<vmem>> -> memref<125xi32, #tpu.memory_space<vmem>>
      %dma_start3A_86 = arith.constant 0 : i32
      %dma_start3A_87 = arith.constant 0 : i32
      %dma_start3A_88 = tpu.memref_slice %arg3[%dma_start3A_86, %dma_start3A_87] : memref<10000x64xf32, #tpu.memory_space<hbm>> -> memref<10000x64xf32, #tpu.memory_space<hbm>>
      tpu.enqueue_indirect_dma source(%dma_start3A_88 : memref<10000x64xf32, #tpu.memory_space<hbm>>) target(%arg10 : memref<125x64xf32, #tpu.memory_space<vmem>>) offsets(%dma_start3A_85 : memref<125xi32, #tpu.memory_space<vmem>>) semaphore(%arg17 : memref<!tpu.dma_semaphore, #tpu.memory_space<semaphore_mem>>)
      %dma_start3A_89 = arith.constant 3 : i32
      %dma_start3A_90 = arith.constant 0 : i32
      %dma_start3A_91 = tpu.memref_slice %arg6[%dma_start3A_89, %dma_start3A_90] : memref<160x125xi32, #tpu.memory_space<vmem>> -> memref<1x125xi32, #tpu.memory_space<vmem>>
      %dma_start3A_92 = tpu.memref_squeeze %dma_start3A_91 : memref<1x125xi32, #tpu.memory_space<vmem>> -> memref<125xi32, #tpu.memory_space<vmem>>
      %dma_start3A_93 = arith.constant 0 : i32
      %dma_start3A_94 = arith.constant 0 : i32
      %dma_start3A_95 = tpu.memref_slice %arg3[%dma_start3A_93, %dma_start3A_94] : memref<10000x64xf32, #tpu.memory_space<hbm>> -> memref<10000x64xf32, #tpu.memory_space<hbm>>
      tpu.enqueue_indirect_dma source(%dma_start3A_95 : memref<10000x64xf32, #tpu.memory_space<hbm>>) target(%arg11 : memref<125x64xf32, #tpu.memory_space<vmem>>) offsets(%dma_start3A_92 : memref<125xi32, #tpu.memory_space<vmem>>) semaphore(%arg18 : memref<!tpu.dma_semaphore, #tpu.memory_space<semaphore_mem>>)
      %dma_start3A_96 = arith.constant 4 : i32
      %dma_start3A_97 = arith.constant 0 : i32
      %dma_start3A_98 = tpu.memref_slice %arg6[%dma_start3A_96, %dma_start3A_97] : memref<160x125xi32, #tpu.memory_space<vmem>> -> memref<1x125xi32, #tpu.memory_space<vmem>>
      %dma_start3A_99 = tpu.memref_squeeze %dma_start3A_98 : memref<1x125xi32, #tpu.memory_space<vmem>> -> memref<125xi32, #tpu.memory_space<vmem>>
      %dma_start3A_100 = arith.constant 0 : i32
      %dma_start3A_101 = arith.constant 0 : i32
      %dma_start3A_102 = tpu.memref_slice %arg3[%dma_start3A_100, %dma_start3A_101] : memref<10000x64xf32, #tpu.memory_space<hbm>> -> memref<10000x64xf32, #tpu.memory_space<hbm>>
      tpu.enqueue_indirect_dma source(%dma_start3A_102 : memref<10000x64xf32, #tpu.memory_space<hbm>>) target(%arg12 : memref<125x64xf32, #tpu.memory_space<vmem>>) offsets(%dma_start3A_99 : memref<125xi32, #tpu.memory_space<vmem>>) semaphore(%arg19 : memref<!tpu.dma_semaphore, #tpu.memory_space<semaphore_mem>>)
      %scan3A_103 = arith.constant 0 : i32
      %scan3A_104 = arith.constant 32 : i32
      %scan3A_105 = arith.addi %scan3A_103, %scan3A_104 : i32
      %scan3A_106 = arith.constant 1 : i32
      scf.for %scan3A_108 = %scan3A_103 to %scan3A_105 step %scan3A_106  : i32 {
        %mul3A_109 = arith.constant 5 : i32
        %mul3A_110 = arith.muli %scan3A_108, %mul3A_109 : i32
        %add3A_111 = arith.constant 0 : i32
        %add3A_112 = arith.addi %add3A_111, %mul3A_110 : i32
        %add3A_113 = arith.constant 0 : i32
        %add3A_114 = arith.addi %add3A_112, %add3A_113 : i32
        %dma_wait3A_115 = arith.constant 0 : i32
        %dma_wait3A_116 = tpu.memref_slice %arg6[%add3A_114, %dma_wait3A_115] : memref<160x125xi32, #tpu.memory_space<vmem>> -> memref<1x125xi32, #tpu.memory_space<vmem>>
        %dma_wait3A_117 = tpu.memref_squeeze %dma_wait3A_116 : memref<1x125xi32, #tpu.memory_space<vmem>> -> memref<125xi32, #tpu.memory_space<vmem>>
        %dma_wait3A_118 = arith.constant 0 : i32
        %dma_wait3A_119 = arith.constant 0 : i32
        %dma_wait3A_120 = tpu.memref_slice %arg3[%dma_wait3A_118, %dma_wait3A_119] : memref<10000x64xf32, #tpu.memory_space<hbm>> -> memref<10000x64xf32, #tpu.memory_space<hbm>>
        tpu.wait_indirect_dma semaphore(%arg15 : memref<!tpu.dma_semaphore, #tpu.memory_space<semaphore_mem>>) src(%dma_wait3A_120 : memref<10000x64xf32, #tpu.memory_space<hbm>>) dst(%arg8 : memref<125x64xf32, #tpu.memory_space<vmem>>)
        "tpu.region"() ({
          %run_scoped3A = tpu.sem_alloc : memref<!tpu.dma_semaphore, #tpu.memory_space<semaphore_mem>>
          %dma_start3A_187 = arith.constant 0 : i32
          %dma_start3A_188 = tpu.memref_slice %arg7[%add3A_114, %dma_start3A_187] : memref<160x125xi32, #tpu.memory_space<vmem>> -> memref<1x125xi32, #tpu.memory_space<vmem>>
          %dma_start3A_189 = tpu.memref_squeeze %dma_start3A_188 : memref<1x125xi32, #tpu.memory_space<vmem>> -> memref<125xi32, #tpu.memory_space<vmem>>
          %dma_start3A_190 = arith.constant 0 : i32
          %dma_start3A_191 = arith.constant 0 : i32
          %dma_start3A_192 = tpu.memref_slice %arg14[%dma_start3A_190, %dma_start3A_191] : memref<10240x64xf32, #tpu.memory_space<vmem_shared>> -> memref<10240x64xf32, #tpu.memory_space<vmem_shared>>
          tpu.enqueue_indirect_dma source(%arg8 : memref<125x64xf32, #tpu.memory_space<vmem>>) target(%dma_start3A_192 : memref<10240x64xf32, #tpu.memory_space<vmem_shared>>) offsets(%dma_start3A_189 : memref<125xi32, #tpu.memory_space<vmem>>) semaphore(%run_scoped3A : memref<!tpu.dma_semaphore, #tpu.memory_space<semaphore_mem>>) {add = true}
          %dma_wait3A_193 = arith.constant 0 : i32
          %dma_wait3A_194 = tpu.memref_slice %arg7[%add3A_114, %dma_wait3A_193] : memref<160x125xi32, #tpu.memory_space<vmem>> -> memref<1x125xi32, #tpu.memory_space<vmem>>
          %dma_wait3A_195 = tpu.memref_squeeze %dma_wait3A_194 : memref<1x125xi32, #tpu.memory_space<vmem>> -> memref<125xi32, #tpu.memory_space<vmem>>
          %dma_wait3A_196 = arith.constant 0 : i32
          %dma_wait3A_197 = arith.constant 0 : i32
          %dma_wait3A_198 = tpu.memref_slice %arg14[%dma_wait3A_196, %dma_wait3A_197] : memref<10240x64xf32, #tpu.memory_space<vmem_shared>> -> memref<10240x64xf32, #tpu.memory_space<vmem_shared>>
          tpu.wait_indirect_dma semaphore(%run_scoped3A : memref<!tpu.dma_semaphore, #tpu.memory_space<semaphore_mem>>) src(%arg8 : memref<125x64xf32, #tpu.memory_space<vmem>>) dst(%dma_wait3A_198 : memref<10240x64xf32, #tpu.memory_space<vmem_shared>>)
          tpu.yield
        }) : () -> ()
        %add3A_121 = arith.constant 5 : i32
        %add3A_122 = arith.addi %add3A_114, %add3A_121 : i32
        %lt3A = arith.constant 160 : i32
        %lt3A_123 = arith.cmpi slt, %add3A_122, %lt3A : i32
        %convert_element_type3A_124 = arith.extui %lt3A_123 : i1 to i32
        %cond3A_125 = arith.constant 0 : i32
        %cond3A_126 = arith.cmpi ne, %convert_element_type3A_124, %cond3A_125 : i32
        scf.if %cond3A_126 {
          %add3A_187 = arith.constant 5 : i32
          %add3A_188 = arith.addi %add3A_114, %add3A_187 : i32
          %dma_start3A_189 = arith.constant 0 : i32
          %dma_start3A_190 = tpu.memref_slice %arg6[%add3A_188, %dma_start3A_189] : memref<160x125xi32, #tpu.memory_space<vmem>> -> memref<1x125xi32, #tpu.memory_space<vmem>>
          %dma_start3A_191 = tpu.memref_squeeze %dma_start3A_190 : memref<1x125xi32, #tpu.memory_space<vmem>> -> memref<125xi32, #tpu.memory_space<vmem>>
          %dma_start3A_192 = arith.constant 0 : i32
          %dma_start3A_193 = arith.constant 0 : i32
          %dma_start3A_194 = tpu.memref_slice %arg3[%dma_start3A_192, %dma_start3A_193] : memref<10000x64xf32, #tpu.memory_space<hbm>> -> memref<10000x64xf32, #tpu.memory_space<hbm>>
          tpu.enqueue_indirect_dma source(%dma_start3A_194 : memref<10000x64xf32, #tpu.memory_space<hbm>>) target(%arg8 : memref<125x64xf32, #tpu.memory_space<vmem>>) offsets(%dma_start3A_191 : memref<125xi32, #tpu.memory_space<vmem>>) semaphore(%arg15 : memref<!tpu.dma_semaphore, #tpu.memory_space<semaphore_mem>>)
        } else {
        }
        %add3A_127 = arith.constant 1 : i32
        %add3A_128 = arith.addi %add3A_112, %add3A_127 : i32
        %dma_wait3A_129 = arith.constant 0 : i32
        %dma_wait3A_130 = tpu.memref_slice %arg6[%add3A_128, %dma_wait3A_129] : memref<160x125xi32, #tpu.memory_space<vmem>> -> memref<1x125xi32, #tpu.memory_space<vmem>>
        %dma_wait3A_131 = tpu.memref_squeeze %dma_wait3A_130 : memref<1x125xi32, #tpu.memory_space<vmem>> -> memref<125xi32, #tpu.memory_space<vmem>>
        %dma_wait3A_132 = arith.constant 0 : i32
        %dma_wait3A_133 = arith.constant 0 : i32
        %dma_wait3A_134 = tpu.memref_slice %arg3[%dma_wait3A_132, %dma_wait3A_133] : memref<10000x64xf32, #tpu.memory_space<hbm>> -> memref<10000x64xf32, #tpu.memory_space<hbm>>
        tpu.wait_indirect_dma semaphore(%arg16 : memref<!tpu.dma_semaphore, #tpu.memory_space<semaphore_mem>>) src(%dma_wait3A_134 : memref<10000x64xf32, #tpu.memory_space<hbm>>) dst(%arg9 : memref<125x64xf32, #tpu.memory_space<vmem>>)
        "tpu.region"() ({
          %run_scoped3A = tpu.sem_alloc : memref<!tpu.dma_semaphore, #tpu.memory_space<semaphore_mem>>
          %dma_start3A_187 = arith.constant 0 : i32
          %dma_start3A_188 = tpu.memref_slice %arg7[%add3A_128, %dma_start3A_187] : memref<160x125xi32, #tpu.memory_space<vmem>> -> memref<1x125xi32, #tpu.memory_space<vmem>>
          %dma_start3A_189 = tpu.memref_squeeze %dma_start3A_188 : memref<1x125xi32, #tpu.memory_space<vmem>> -> memref<125xi32, #tpu.memory_space<vmem>>
          %dma_start3A_190 = arith.constant 0 : i32
          %dma_start3A_191 = arith.constant 0 : i32
          %dma_start3A_192 = tpu.memref_slice %arg14[%dma_start3A_190, %dma_start3A_191] : memref<10240x64xf32, #tpu.memory_space<vmem_shared>> -> memref<10240x64xf32, #tpu.memory_space<vmem_shared>>
          tpu.enqueue_indirect_dma source(%arg9 : memref<125x64xf32, #tpu.memory_space<vmem>>) target(%dma_start3A_192 : memref<10240x64xf32, #tpu.memory_space<vmem_shared>>) offsets(%dma_start3A_189 : memref<125xi32, #tpu.memory_space<vmem>>) semaphore(%run_scoped3A : memref<!tpu.dma_semaphore, #tpu.memory_space<semaphore_mem>>) {add = true}
          %dma_wait3A_193 = arith.constant 0 : i32
          %dma_wait3A_194 = tpu.memref_slice %arg7[%add3A_128, %dma_wait3A_193] : memref<160x125xi32, #tpu.memory_space<vmem>> -> memref<1x125xi32, #tpu.memory_space<vmem>>
          %dma_wait3A_195 = tpu.memref_squeeze %dma_wait3A_194 : memref<1x125xi32, #tpu.memory_space<vmem>> -> memref<125xi32, #tpu.memory_space<vmem>>
          %dma_wait3A_196 = arith.constant 0 : i32
          %dma_wait3A_197 = arith.constant 0 : i32
          %dma_wait3A_198 = tpu.memref_slice %arg14[%dma_wait3A_196, %dma_wait3A_197] : memref<10240x64xf32, #tpu.memory_space<vmem_shared>> -> memref<10240x64xf32, #tpu.memory_space<vmem_shared>>
          tpu.wait_indirect_dma semaphore(%run_scoped3A : memref<!tpu.dma_semaphore, #tpu.memory_space<semaphore_mem>>) src(%arg9 : memref<125x64xf32, #tpu.memory_space<vmem>>) dst(%dma_wait3A_198 : memref<10240x64xf32, #tpu.memory_space<vmem_shared>>)
          tpu.yield
        }) : () -> ()
        %add3A_135 = arith.constant 5 : i32
        %add3A_136 = arith.addi %add3A_128, %add3A_135 : i32
        %lt3A_137 = arith.constant 160 : i32
        %lt3A_138 = arith.cmpi slt, %add3A_136, %lt3A_137 : i32
        %convert_element_type3A_139 = arith.extui %lt3A_138 : i1 to i32
        %cond3A_140 = arith.constant 0 : i32
        %cond3A_141 = arith.cmpi ne, %convert_element_type3A_139, %cond3A_140 : i32
        scf.if %cond3A_141 {
          %add3A_187 = arith.constant 5 : i32
          %add3A_188 = arith.addi %add3A_128, %add3A_187 : i32
          %dma_start3A_189 = arith.constant 0 : i32
          %dma_start3A_190 = tpu.memref_slice %arg6[%add3A_188, %dma_start3A_189] : memref<160x125xi32, #tpu.memory_space<vmem>> -> memref<1x125xi32, #tpu.memory_space<vmem>>
          %dma_start3A_191 = tpu.memref_squeeze %dma_start3A_190 : memref<1x125xi32, #tpu.memory_space<vmem>> -> memref<125xi32, #tpu.memory_space<vmem>>
          %dma_start3A_192 = arith.constant 0 : i32
          %dma_start3A_193 = arith.constant 0 : i32
          %dma_start3A_194 = tpu.memref_slice %arg3[%dma_start3A_192, %dma_start3A_193] : memref<10000x64xf32, #tpu.memory_space<hbm>> -> memref<10000x64xf32, #tpu.memory_space<hbm>>
          tpu.enqueue_indirect_dma source(%dma_start3A_194 : memref<10000x64xf32, #tpu.memory_space<hbm>>) target(%arg9 : memref<125x64xf32, #tpu.memory_space<vmem>>) offsets(%dma_start3A_191 : memref<125xi32, #tpu.memory_space<vmem>>) semaphore(%arg16 : memref<!tpu.dma_semaphore, #tpu.memory_space<semaphore_mem>>)
        } else {
        }
        %add3A_142 = arith.constant 2 : i32
        %add3A_143 = arith.addi %add3A_112, %add3A_142 : i32
        %dma_wait3A_144 = arith.constant 0 : i32
        %dma_wait3A_145 = tpu.memref_slice %arg6[%add3A_143, %dma_wait3A_144] : memref<160x125xi32, #tpu.memory_space<vmem>> -> memref<1x125xi32, #tpu.memory_space<vmem>>
        %dma_wait3A_146 = tpu.memref_squeeze %dma_wait3A_145 : memref<1x125xi32, #tpu.memory_space<vmem>> -> memref<125xi32, #tpu.memory_space<vmem>>
        %dma_wait3A_147 = arith.constant 0 : i32
        %dma_wait3A_148 = arith.constant 0 : i32
        %dma_wait3A_149 = tpu.memref_slice %arg3[%dma_wait3A_147, %dma_wait3A_148] : memref<10000x64xf32, #tpu.memory_space<hbm>> -> memref<10000x64xf32, #tpu.memory_space<hbm>>
        tpu.wait_indirect_dma semaphore(%arg17 : memref<!tpu.dma_semaphore, #tpu.memory_space<semaphore_mem>>) src(%dma_wait3A_149 : memref<10000x64xf32, #tpu.memory_space<hbm>>) dst(%arg10 : memref<125x64xf32, #tpu.memory_space<vmem>>)
        "tpu.region"() ({
          %run_scoped3A = tpu.sem_alloc : memref<!tpu.dma_semaphore, #tpu.memory_space<semaphore_mem>>
          %dma_start3A_187 = arith.constant 0 : i32
          %dma_start3A_188 = tpu.memref_slice %arg7[%add3A_143, %dma_start3A_187] : memref<160x125xi32, #tpu.memory_space<vmem>> -> memref<1x125xi32, #tpu.memory_space<vmem>>
          %dma_start3A_189 = tpu.memref_squeeze %dma_start3A_188 : memref<1x125xi32, #tpu.memory_space<vmem>> -> memref<125xi32, #tpu.memory_space<vmem>>
          %dma_start3A_190 = arith.constant 0 : i32
          %dma_start3A_191 = arith.constant 0 : i32
          %dma_start3A_192 = tpu.memref_slice %arg14[%dma_start3A_190, %dma_start3A_191] : memref<10240x64xf32, #tpu.memory_space<vmem_shared>> -> memref<10240x64xf32, #tpu.memory_space<vmem_shared>>
          tpu.enqueue_indirect_dma source(%arg10 : memref<125x64xf32, #tpu.memory_space<vmem>>) target(%dma_start3A_192 : memref<10240x64xf32, #tpu.memory_space<vmem_shared>>) offsets(%dma_start3A_189 : memref<125xi32, #tpu.memory_space<vmem>>) semaphore(%run_scoped3A : memref<!tpu.dma_semaphore, #tpu.memory_space<semaphore_mem>>) {add = true}
          %dma_wait3A_193 = arith.constant 0 : i32
          %dma_wait3A_194 = tpu.memref_slice %arg7[%add3A_143, %dma_wait3A_193] : memref<160x125xi32, #tpu.memory_space<vmem>> -> memref<1x125xi32, #tpu.memory_space<vmem>>
          %dma_wait3A_195 = tpu.memref_squeeze %dma_wait3A_194 : memref<1x125xi32, #tpu.memory_space<vmem>> -> memref<125xi32, #tpu.memory_space<vmem>>
          %dma_wait3A_196 = arith.constant 0 : i32
          %dma_wait3A_197 = arith.constant 0 : i32
          %dma_wait3A_198 = tpu.memref_slice %arg14[%dma_wait3A_196, %dma_wait3A_197] : memref<10240x64xf32, #tpu.memory_space<vmem_shared>> -> memref<10240x64xf32, #tpu.memory_space<vmem_shared>>
          tpu.wait_indirect_dma semaphore(%run_scoped3A : memref<!tpu.dma_semaphore, #tpu.memory_space<semaphore_mem>>) src(%arg10 : memref<125x64xf32, #tpu.memory_space<vmem>>) dst(%dma_wait3A_198 : memref<10240x64xf32, #tpu.memory_space<vmem_shared>>)
          tpu.yield
        }) : () -> ()
        %add3A_150 = arith.constant 5 : i32
        %add3A_151 = arith.addi %add3A_143, %add3A_150 : i32
        %lt3A_152 = arith.constant 160 : i32
        %lt3A_153 = arith.cmpi slt, %add3A_151, %lt3A_152 : i32
        %convert_element_type3A_154 = arith.extui %lt3A_153 : i1 to i32
        %cond3A_155 = arith.constant 0 : i32
        %cond3A_156 = arith.cmpi ne, %convert_element_type3A_154, %cond3A_155 : i32
        scf.if %cond3A_156 {
          %add3A_187 = arith.constant 5 : i32
          %add3A_188 = arith.addi %add3A_143, %add3A_187 : i32
          %dma_start3A_189 = arith.constant 0 : i32
          %dma_start3A_190 = tpu.memref_slice %arg6[%add3A_188, %dma_start3A_189] : memref<160x125xi32, #tpu.memory_space<vmem>> -> memref<1x125xi32, #tpu.memory_space<vmem>>
          %dma_start3A_191 = tpu.memref_squeeze %dma_start3A_190 : memref<1x125xi32, #tpu.memory_space<vmem>> -> memref<125xi32, #tpu.memory_space<vmem>>
          %dma_start3A_192 = arith.constant 0 : i32
          %dma_start3A_193 = arith.constant 0 : i32
          %dma_start3A_194 = tpu.memref_slice %arg3[%dma_start3A_192, %dma_start3A_193] : memref<10000x64xf32, #tpu.memory_space<hbm>> -> memref<10000x64xf32, #tpu.memory_space<hbm>>
          tpu.enqueue_indirect_dma source(%dma_start3A_194 : memref<10000x64xf32, #tpu.memory_space<hbm>>) target(%arg10 : memref<125x64xf32, #tpu.memory_space<vmem>>) offsets(%dma_start3A_191 : memref<125xi32, #tpu.memory_space<vmem>>) semaphore(%arg17 : memref<!tpu.dma_semaphore, #tpu.memory_space<semaphore_mem>>)
        } else {
        }
        %add3A_157 = arith.constant 3 : i32
        %add3A_158 = arith.addi %add3A_112, %add3A_157 : i32
        %dma_wait3A_159 = arith.constant 0 : i32
        %dma_wait3A_160 = tpu.memref_slice %arg6[%add3A_158, %dma_wait3A_159] : memref<160x125xi32, #tpu.memory_space<vmem>> -> memref<1x125xi32, #tpu.memory_space<vmem>>
        %dma_wait3A_161 = tpu.memref_squeeze %dma_wait3A_160 : memref<1x125xi32, #tpu.memory_space<vmem>> -> memref<125xi32, #tpu.memory_space<vmem>>
        %dma_wait3A_162 = arith.constant 0 : i32
        %dma_wait3A_163 = arith.constant 0 : i32
        %dma_wait3A_164 = tpu.memref_slice %arg3[%dma_wait3A_162, %dma_wait3A_163] : memref<10000x64xf32, #tpu.memory_space<hbm>> -> memref<10000x64xf32, #tpu.memory_space<hbm>>
        tpu.wait_indirect_dma semaphore(%arg18 : memref<!tpu.dma_semaphore, #tpu.memory_space<semaphore_mem>>) src(%dma_wait3A_164 : memref<10000x64xf32, #tpu.memory_space<hbm>>) dst(%arg11 : memref<125x64xf32, #tpu.memory_space<vmem>>)
        "tpu.region"() ({
          %run_scoped3A = tpu.sem_alloc : memref<!tpu.dma_semaphore, #tpu.memory_space<semaphore_mem>>
          %dma_start3A_187 = arith.constant 0 : i32
          %dma_start3A_188 = tpu.memref_slice %arg7[%add3A_158, %dma_start3A_187] : memref<160x125xi32, #tpu.memory_space<vmem>> -> memref<1x125xi32, #tpu.memory_space<vmem>>
          %dma_start3A_189 = tpu.memref_squeeze %dma_start3A_188 : memref<1x125xi32, #tpu.memory_space<vmem>> -> memref<125xi32, #tpu.memory_space<vmem>>
          %dma_start3A_190 = arith.constant 0 : i32
          %dma_start3A_191 = arith.constant 0 : i32
          %dma_start3A_192 = tpu.memref_slice %arg14[%dma_start3A_190, %dma_start3A_191] : memref<10240x64xf32, #tpu.memory_space<vmem_shared>> -> memref<10240x64xf32, #tpu.memory_space<vmem_shared>>
          tpu.enqueue_indirect_dma source(%arg11 : memref<125x64xf32, #tpu.memory_space<vmem>>) target(%dma_start3A_192 : memref<10240x64xf32, #tpu.memory_space<vmem_shared>>) offsets(%dma_start3A_189 : memref<125xi32, #tpu.memory_space<vmem>>) semaphore(%run_scoped3A : memref<!tpu.dma_semaphore, #tpu.memory_space<semaphore_mem>>) {add = true}
          %dma_wait3A_193 = arith.constant 0 : i32
          %dma_wait3A_194 = tpu.memref_slice %arg7[%add3A_158, %dma_wait3A_193] : memref<160x125xi32, #tpu.memory_space<vmem>> -> memref<1x125xi32, #tpu.memory_space<vmem>>
          %dma_wait3A_195 = tpu.memref_squeeze %dma_wait3A_194 : memref<1x125xi32, #tpu.memory_space<vmem>> -> memref<125xi32, #tpu.memory_space<vmem>>
          %dma_wait3A_196 = arith.constant 0 : i32
          %dma_wait3A_197 = arith.constant 0 : i32
          %dma_wait3A_198 = tpu.memref_slice %arg14[%dma_wait3A_196, %dma_wait3A_197] : memref<10240x64xf32, #tpu.memory_space<vmem_shared>> -> memref<10240x64xf32, #tpu.memory_space<vmem_shared>>
          tpu.wait_indirect_dma semaphore(%run_scoped3A : memref<!tpu.dma_semaphore, #tpu.memory_space<semaphore_mem>>) src(%arg11 : memref<125x64xf32, #tpu.memory_space<vmem>>) dst(%dma_wait3A_198 : memref<10240x64xf32, #tpu.memory_space<vmem_shared>>)
          tpu.yield
        }) : () -> ()
        %add3A_165 = arith.constant 5 : i32
        %add3A_166 = arith.addi %add3A_158, %add3A_165 : i32
        %lt3A_167 = arith.constant 160 : i32
        %lt3A_168 = arith.cmpi slt, %add3A_166, %lt3A_167 : i32
        %convert_element_type3A_169 = arith.extui %lt3A_168 : i1 to i32
        %cond3A_170 = arith.constant 0 : i32
        %cond3A_171 = arith.cmpi ne, %convert_element_type3A_169, %cond3A_170 : i32
        scf.if %cond3A_171 {
          %add3A_187 = arith.constant 5 : i32
          %add3A_188 = arith.addi %add3A_158, %add3A_187 : i32
          %dma_start3A_189 = arith.constant 0 : i32
          %dma_start3A_190 = tpu.memref_slice %arg6[%add3A_188, %dma_start3A_189] : memref<160x125xi32, #tpu.memory_space<vmem>> -> memref<1x125xi32, #tpu.memory_space<vmem>>
          %dma_start3A_191 = tpu.memref_squeeze %dma_start3A_190 : memref<1x125xi32, #tpu.memory_space<vmem>> -> memref<125xi32, #tpu.memory_space<vmem>>
          %dma_start3A_192 = arith.constant 0 : i32
          %dma_start3A_193 = arith.constant 0 : i32
          %dma_start3A_194 = tpu.memref_slice %arg3[%dma_start3A_192, %dma_start3A_193] : memref<10000x64xf32, #tpu.memory_space<hbm>> -> memref<10000x64xf32, #tpu.memory_space<hbm>>
          tpu.enqueue_indirect_dma source(%dma_start3A_194 : memref<10000x64xf32, #tpu.memory_space<hbm>>) target(%arg11 : memref<125x64xf32, #tpu.memory_space<vmem>>) offsets(%dma_start3A_191 : memref<125xi32, #tpu.memory_space<vmem>>) semaphore(%arg18 : memref<!tpu.dma_semaphore, #tpu.memory_space<semaphore_mem>>)
        } else {
        }
        %add3A_172 = arith.constant 4 : i32
        %add3A_173 = arith.addi %add3A_112, %add3A_172 : i32
        %dma_wait3A_174 = arith.constant 0 : i32
        %dma_wait3A_175 = tpu.memref_slice %arg6[%add3A_173, %dma_wait3A_174] : memref<160x125xi32, #tpu.memory_space<vmem>> -> memref<1x125xi32, #tpu.memory_space<vmem>>
        %dma_wait3A_176 = tpu.memref_squeeze %dma_wait3A_175 : memref<1x125xi32, #tpu.memory_space<vmem>> -> memref<125xi32, #tpu.memory_space<vmem>>
        %dma_wait3A_177 = arith.constant 0 : i32
        %dma_wait3A_178 = arith.constant 0 : i32
        %dma_wait3A_179 = tpu.memref_slice %arg3[%dma_wait3A_177, %dma_wait3A_178] : memref<10000x64xf32, #tpu.memory_space<hbm>> -> memref<10000x64xf32, #tpu.memory_space<hbm>>
        tpu.wait_indirect_dma semaphore(%arg19 : memref<!tpu.dma_semaphore, #tpu.memory_space<semaphore_mem>>) src(%dma_wait3A_179 : memref<10000x64xf32, #tpu.memory_space<hbm>>) dst(%arg12 : memref<125x64xf32, #tpu.memory_space<vmem>>)
        "tpu.region"() ({
          %run_scoped3A = tpu.sem_alloc : memref<!tpu.dma_semaphore, #tpu.memory_space<semaphore_mem>>
          %dma_start3A_187 = arith.constant 0 : i32
          %dma_start3A_188 = tpu.memref_slice %arg7[%add3A_173, %dma_start3A_187] : memref<160x125xi32, #tpu.memory_space<vmem>> -> memref<1x125xi32, #tpu.memory_space<vmem>>
          %dma_start3A_189 = tpu.memref_squeeze %dma_start3A_188 : memref<1x125xi32, #tpu.memory_space<vmem>> -> memref<125xi32, #tpu.memory_space<vmem>>
          %dma_start3A_190 = arith.constant 0 : i32
          %dma_start3A_191 = arith.constant 0 : i32
          %dma_start3A_192 = tpu.memref_slice %arg14[%dma_start3A_190, %dma_start3A_191] : memref<10240x64xf32, #tpu.memory_space<vmem_shared>> -> memref<10240x64xf32, #tpu.memory_space<vmem_shared>>
          tpu.enqueue_indirect_dma source(%arg12 : memref<125x64xf32, #tpu.memory_space<vmem>>) target(%dma_start3A_192 : memref<10240x64xf32, #tpu.memory_space<vmem_shared>>) offsets(%dma_start3A_189 : memref<125xi32, #tpu.memory_space<vmem>>) semaphore(%run_scoped3A : memref<!tpu.dma_semaphore, #tpu.memory_space<semaphore_mem>>) {add = true}
          %dma_wait3A_193 = arith.constant 0 : i32
          %dma_wait3A_194 = tpu.memref_slice %arg7[%add3A_173, %dma_wait3A_193] : memref<160x125xi32, #tpu.memory_space<vmem>> -> memref<1x125xi32, #tpu.memory_space<vmem>>
          %dma_wait3A_195 = tpu.memref_squeeze %dma_wait3A_194 : memref<1x125xi32, #tpu.memory_space<vmem>> -> memref<125xi32, #tpu.memory_space<vmem>>
          %dma_wait3A_196 = arith.constant 0 : i32
          %dma_wait3A_197 = arith.constant 0 : i32
          %dma_wait3A_198 = tpu.memref_slice %arg14[%dma_wait3A_196, %dma_wait3A_197] : memref<10240x64xf32, #tpu.memory_space<vmem_shared>> -> memref<10240x64xf32, #tpu.memory_space<vmem_shared>>
          tpu.wait_indirect_dma semaphore(%run_scoped3A : memref<!tpu.dma_semaphore, #tpu.memory_space<semaphore_mem>>) src(%arg12 : memref<125x64xf32, #tpu.memory_space<vmem>>) dst(%dma_wait3A_198 : memref<10240x64xf32, #tpu.memory_space<vmem_shared>>)
          tpu.yield
        }) : () -> ()
        %add3A_180 = arith.constant 5 : i32
        %add3A_181 = arith.addi %add3A_173, %add3A_180 : i32
        %lt3A_182 = arith.constant 160 : i32
        %lt3A_183 = arith.cmpi slt, %add3A_181, %lt3A_182 : i32
        %convert_element_type3A_184 = arith.extui %lt3A_183 : i1 to i32
        %cond3A_185 = arith.constant 0 : i32
        %cond3A_186 = arith.cmpi ne, %convert_element_type3A_184, %cond3A_185 : i32
        scf.if %cond3A_186 {
          %add3A_187 = arith.constant 5 : i32
          %add3A_188 = arith.addi %add3A_173, %add3A_187 : i32
          %dma_start3A_189 = arith.constant 0 : i32
          %dma_start3A_190 = tpu.memref_slice %arg6[%add3A_188, %dma_start3A_189] : memref<160x125xi32, #tpu.memory_space<vmem>> -> memref<1x125xi32, #tpu.memory_space<vmem>>
          %dma_start3A_191 = tpu.memref_squeeze %dma_start3A_190 : memref<1x125xi32, #tpu.memory_space<vmem>> -> memref<125xi32, #tpu.memory_space<vmem>>
          %dma_start3A_192 = arith.constant 0 : i32
          %dma_start3A_193 = arith.constant 0 : i32
          %dma_start3A_194 = tpu.memref_slice %arg3[%dma_start3A_192, %dma_start3A_193] : memref<10000x64xf32, #tpu.memory_space<hbm>> -> memref<10000x64xf32, #tpu.memory_space<hbm>>
          tpu.enqueue_indirect_dma source(%dma_start3A_194 : memref<10000x64xf32, #tpu.memory_space<hbm>>) target(%arg12 : memref<125x64xf32, #tpu.memory_space<vmem>>) offsets(%dma_start3A_191 : memref<125xi32, #tpu.memory_space<vmem>>) semaphore(%arg19 : memref<!tpu.dma_semaphore, #tpu.memory_space<semaphore_mem>>)
        } else {
        }
      }
      %scan3A_107 = arith.constant 32 : i32
    } else {
    }
    %barrier3A_63 = arith.constant 0 : index
    tpu.barrier barrier_id(%barrier3A_63)
    %mul3A_64 = arith.constant 640 : i32
    %mul3A_65 = arith.muli %arg1, %mul3A_64 : i32
    %mul3A_66 = arith.constant 640 : i32
    %mul3A_67 = arith.muli %arg1, %mul3A_66 : i32
    "tpu.region"() ({
      %run_scoped3A = tpu.sem_alloc : memref<!tpu.dma_semaphore, #tpu.memory_space<semaphore_mem>>
      %dma_start3A_68 = arith.constant 0 : i32
      %dma_start3A_69 = tpu.memref_slice %arg5[%arg0, %mul3A_67, %dma_start3A_68] : memref<2x10240x64xf32, #tpu.memory_space<hbm>> -> memref<1x640x64xf32, #tpu.memory_space<hbm>>
      %dma_start3A_70 = tpu.memref_squeeze %dma_start3A_69 : memref<1x640x64xf32, #tpu.memory_space<hbm>> -> memref<640x64xf32, #tpu.memory_space<hbm>>
      %dma_start3A_71 = arith.constant 0 : i32
      %dma_start3A_72 = tpu.memref_slice %arg14[%mul3A_65, %dma_start3A_71] : memref<10240x64xf32, #tpu.memory_space<vmem_shared>> -> memref<640x64xf32, #tpu.memory_space<vmem_shared>>
      tpu.enqueue_dma source(%dma_start3A_72 : memref<640x64xf32, #tpu.memory_space<vmem_shared>>) target(%dma_start3A_70 : memref<640x64xf32, #tpu.memory_space<hbm>>) target_semaphore(%run_scoped3A : memref<!tpu.dma_semaphore, #tpu.memory_space<semaphore_mem>>)
      %dma_wait3A_73 = arith.constant 0 : i32
      %dma_wait3A_74 = tpu.memref_slice %arg5[%arg0, %mul3A_67, %dma_wait3A_73] : memref<2x10240x64xf32, #tpu.memory_space<hbm>> -> memref<1x640x64xf32, #tpu.memory_space<hbm>>
      %dma_wait3A_75 = tpu.memref_squeeze %dma_wait3A_74 : memref<1x640x64xf32, #tpu.memory_space<hbm>> -> memref<640x64xf32, #tpu.memory_space<hbm>>
      %dma_wait3A_76 = arith.constant 0 : i32
      %dma_wait3A_77 = tpu.memref_slice %arg14[%mul3A_65, %dma_wait3A_76] : memref<10240x64xf32, #tpu.memory_space<vmem_shared>> -> memref<640x64xf32, #tpu.memory_space<vmem_shared>>
      tpu.wait_dma2 semaphore(%run_scoped3A : memref<!tpu.dma_semaphore, #tpu.memory_space<semaphore_mem>>) src(%dma_wait3A_77 : memref<640x64xf32, #tpu.memory_space<vmem_shared>>) dst(%dma_wait3A_75 : memref<640x64xf32, #tpu.memory_space<hbm>>)
      tpu.yield
    }) : () -> ()
    return
  }
}

#map = affine_map<(d0, d1) -> (0, 0)>
#map1 = affine_map<(d0, d1) -> (0, 0, 0)>
module attributes {stable_mosaic.version = 14 : i64} {
  func.func @agg2(%arg0: i32, %arg1: i32, %arg2: memref<10000x48xf32, #tpu.memory_space<hbm>>, %arg3: memref<2x2560x125xi32, #tpu.memory_space<hbm>>, %arg4: memref<2x10240x48xf32, #tpu.memory_space<hbm>>, %arg5: memref<80x125xi32, #tpu.memory_space<vmem>>, %arg6: memref<80x125xi32, #tpu.memory_space<vmem>>, %arg7: memref<125x48xf32, #tpu.memory_space<vmem>>, %arg8: memref<125x48xf32, #tpu.memory_space<vmem>>, %arg9: memref<125x48xf32, #tpu.memory_space<vmem>>, %arg10: memref<125x48xf32, #tpu.memory_space<vmem>>, %arg11: memref<125x48xf32, #tpu.memory_space<vmem>>, %arg12: memref<128x48xf32, #tpu.memory_space<vmem>>, %arg13: memref<10240x48xf32, #tpu.memory_space<vmem_shared>>, %arg14: memref<!tpu.dma_semaphore, #tpu.memory_space<semaphore_mem>>, %arg15: memref<!tpu.dma_semaphore, #tpu.memory_space<semaphore_mem>>, %arg16: memref<!tpu.dma_semaphore, #tpu.memory_space<semaphore_mem>>, %arg17: memref<!tpu.dma_semaphore, #tpu.memory_space<semaphore_mem>>, %arg18: memref<!tpu.dma_semaphore, #tpu.memory_space<semaphore_mem>>, %arg19: memref<!tpu.dma_semaphore, #tpu.memory_space<semaphore_mem>>) attributes {dimension_semantics = [#tpu.dimension_semantics<core_parallel>, #tpu.dimension_semantics<subcore_parallel>], iteration_bounds = array<i64: 2, 16>, scalar_prefetch = 0 : i64, scratch_operands = 15 : i64, tpu.core_type = #tpu.core_type<sc_vector_subcore>, window_params = [{transform_indices = #map}, {transform_indices = #map1}, {transform_indices = #map1}]} {
    %mul3A = arith.constant 16 : i32
    %mul3A_0 = arith.muli %arg0, %mul3A : i32
    %add3A = arith.addi %mul3A_0, %arg1 : i32
    %mul3A_1 = arith.constant 80 : i32
    %mul3A_2 = arith.muli %add3A, %mul3A_1 : i32
    %dma_start3A = arith.constant 0 : i32
    %dma_start3A_3 = arith.constant 0 : i32
    %dma_start3A_4 = tpu.memref_slice %arg3[%dma_start3A, %mul3A_2, %dma_start3A_3] : memref<2x2560x125xi32, #tpu.memory_space<hbm>> -> memref<1x80x125xi32, #tpu.memory_space<hbm>>
    %dma_start3A_5 = tpu.memref_squeeze %dma_start3A_4 : memref<1x80x125xi32, #tpu.memory_space<hbm>> -> memref<80x125xi32, #tpu.memory_space<hbm>>
    %dma_start3A_6 = arith.constant 0 : i32
    %dma_start3A_7 = tpu.memref_slice %arg3[%dma_start3A, %mul3A_2, %dma_start3A_6] : memref<2x2560x125xi32, #tpu.memory_space<hbm>> -> memref<1x80x125xi32, #tpu.memory_space<hbm>>
    %dma_start3A_8 = tpu.memref_squeeze %dma_start3A_7 : memref<1x80x125xi32, #tpu.memory_space<hbm>> -> memref<80x125xi32, #tpu.memory_space<hbm>>
    tpu.enqueue_dma source(%dma_start3A_8 : memref<80x125xi32, #tpu.memory_space<hbm>>) target(%arg5 : memref<80x125xi32, #tpu.memory_space<vmem>>) target_semaphore(%arg19 : memref<!tpu.dma_semaphore, #tpu.memory_space<semaphore_mem>>)
    %mul3A_9 = arith.constant 80 : i32
    %mul3A_10 = arith.muli %add3A, %mul3A_9 : i32
    %dma_start3A_11 = arith.constant 1 : i32
    %dma_start3A_12 = arith.constant 0 : i32
    %dma_start3A_13 = tpu.memref_slice %arg3[%dma_start3A_11, %mul3A_10, %dma_start3A_12] : memref<2x2560x125xi32, #tpu.memory_space<hbm>> -> memref<1x80x125xi32, #tpu.memory_space<hbm>>
    %dma_start3A_14 = tpu.memref_squeeze %dma_start3A_13 : memref<1x80x125xi32, #tpu.memory_space<hbm>> -> memref<80x125xi32, #tpu.memory_space<hbm>>
    %dma_start3A_15 = arith.constant 0 : i32
    %dma_start3A_16 = tpu.memref_slice %arg3[%dma_start3A_11, %mul3A_10, %dma_start3A_15] : memref<2x2560x125xi32, #tpu.memory_space<hbm>> -> memref<1x80x125xi32, #tpu.memory_space<hbm>>
    %dma_start3A_17 = tpu.memref_squeeze %dma_start3A_16 : memref<1x80x125xi32, #tpu.memory_space<hbm>> -> memref<80x125xi32, #tpu.memory_space<hbm>>
    tpu.enqueue_dma source(%dma_start3A_17 : memref<80x125xi32, #tpu.memory_space<hbm>>) target(%arg6 : memref<80x125xi32, #tpu.memory_space<vmem>>) target_semaphore(%arg19 : memref<!tpu.dma_semaphore, #tpu.memory_space<semaphore_mem>>)
    %scan3A = arith.constant 0 : i32
    %scan3A_18 = arith.constant 128 : i32
    %scan3A_19 = arith.addi %scan3A, %scan3A_18 : i32
    %scan3A_20 = arith.constant 1 : i32
    scf.for %scan3A_104 = %scan3A to %scan3A_19 step %scan3A_20  : i32 {
      %mul3A_105 = arith.constant 1 : i32
      %mul3A_106 = arith.muli %scan3A_104, %mul3A_105 : i32
      %add3A_107 = arith.constant 0 : i32
      %add3A_108 = arith.addi %add3A_107, %mul3A_106 : i32
      %broadcast_in_dim3A = arith.constant 0.000000e+00 : f32
      %broadcast_in_dim3A_109 = vector.broadcast %broadcast_in_dim3A : f32 to vector<16xf32>
      %swap3A = arith.index_cast %add3A_108 : i32 to index
      %swap3A_110 = arith.constant 0 : index
      %swap3A_111 = tpu.vector_load %arg12[%swap3A, %swap3A_110] {strides = array<i32>} : memref<128x48xf32, #tpu.memory_space<vmem>>, vector<1x16xf32>,
      %swap3A_112 = vector.shape_cast %swap3A_111 : vector<1x16xf32> to vector<16xf32>
      %swap3A_113 = vector.shape_cast %broadcast_in_dim3A_109 : vector<16xf32> to vector<1x16xf32>
      tpu.vector_store %arg12[%swap3A, %swap3A_110], %swap3A_113 {strides = array<i32>} : memref<128x48xf32, #tpu.memory_space<vmem>>, vector<1x16xf32>,
      %broadcast_in_dim3A_114 = arith.constant 0.000000e+00 : f32
      %broadcast_in_dim3A_115 = vector.broadcast %broadcast_in_dim3A_114 : f32 to vector<16xf32>
      %swap3A_116 = arith.index_cast %add3A_108 : i32 to index
      %swap3A_117 = arith.constant 16 : index
      %swap3A_118 = tpu.vector_load %arg12[%swap3A_116, %swap3A_117] {strides = array<i32>} : memref<128x48xf32, #tpu.memory_space<vmem>>, vector<1x16xf32>,
      %swap3A_119 = vector.shape_cast %swap3A_118 : vector<1x16xf32> to vector<16xf32>
      %swap3A_120 = vector.shape_cast %broadcast_in_dim3A_115 : vector<16xf32> to vector<1x16xf32>
      tpu.vector_store %arg12[%swap3A_116, %swap3A_117], %swap3A_120 {strides = array<i32>} : memref<128x48xf32, #tpu.memory_space<vmem>>, vector<1x16xf32>,
      %broadcast_in_dim3A_121 = arith.constant 0.000000e+00 : f32
      %broadcast_in_dim3A_122 = vector.broadcast %broadcast_in_dim3A_121 : f32 to vector<16xf32>
      %swap3A_123 = arith.index_cast %add3A_108 : i32 to index
      %swap3A_124 = arith.constant 32 : index
      %swap3A_125 = tpu.vector_load %arg12[%swap3A_123, %swap3A_124] {strides = array<i32>} : memref<128x48xf32, #tpu.memory_space<vmem>>, vector<1x16xf32>,
      %swap3A_126 = vector.shape_cast %swap3A_125 : vector<1x16xf32> to vector<16xf32>
      %swap3A_127 = vector.shape_cast %broadcast_in_dim3A_122 : vector<16xf32> to vector<1x16xf32>
      tpu.vector_store %arg12[%swap3A_123, %swap3A_124], %swap3A_127 {strides = array<i32>} : memref<128x48xf32, #tpu.memory_space<vmem>>, vector<1x16xf32>,
    }
    %scan3A_21 = arith.constant 128 : i32
    %dma_wait3A = arith.constant 0 : i32
    %dma_wait3A_22 = arith.constant 0 : i32
    %dma_wait3A_23 = arith.constant 0 : i32
    %dma_wait3A_24 = tpu.memref_slice %arg3[%dma_wait3A, %dma_wait3A_22, %dma_wait3A_23] : memref<2x2560x125xi32, #tpu.memory_space<hbm>> -> memref<1x80x125xi32, #tpu.memory_space<hbm>>
    %dma_wait3A_25 = tpu.memref_squeeze %dma_wait3A_24 : memref<1x80x125xi32, #tpu.memory_space<hbm>> -> memref<80x125xi32, #tpu.memory_space<hbm>>
    %dma_wait3A_26 = arith.constant 0 : i32
    %dma_wait3A_27 = arith.constant 0 : i32
    %dma_wait3A_28 = tpu.memref_slice %arg3[%dma_wait3A, %dma_wait3A_26, %dma_wait3A_27] : memref<2x2560x125xi32, #tpu.memory_space<hbm>> -> memref<1x80x125xi32, #tpu.memory_space<hbm>>
    %dma_wait3A_29 = tpu.memref_squeeze %dma_wait3A_28 : memref<1x80x125xi32, #tpu.memory_space<hbm>> -> memref<80x125xi32, #tpu.memory_space<hbm>>
    tpu.wait_dma2 semaphore(%arg19 : memref<!tpu.dma_semaphore, #tpu.memory_space<semaphore_mem>>) src(%dma_wait3A_29 : memref<80x125xi32, #tpu.memory_space<hbm>>) dst(%arg5 : memref<80x125xi32, #tpu.memory_space<vmem>>)
    %dma_wait3A_30 = arith.constant 1 : i32
    %dma_wait3A_31 = arith.constant 0 : i32
    %dma_wait3A_32 = arith.constant 0 : i32
    %dma_wait3A_33 = tpu.memref_slice %arg3[%dma_wait3A_30, %dma_wait3A_31, %dma_wait3A_32] : memref<2x2560x125xi32, #tpu.memory_space<hbm>> -> memref<1x80x125xi32, #tpu.memory_space<hbm>>
    %dma_wait3A_34 = tpu.memref_squeeze %dma_wait3A_33 : memref<1x80x125xi32, #tpu.memory_space<hbm>> -> memref<80x125xi32, #tpu.memory_space<hbm>>
    %dma_wait3A_35 = arith.constant 0 : i32
    %dma_wait3A_36 = arith.constant 0 : i32
    %dma_wait3A_37 = tpu.memref_slice %arg3[%dma_wait3A_30, %dma_wait3A_35, %dma_wait3A_36] : memref<2x2560x125xi32, #tpu.memory_space<hbm>> -> memref<1x80x125xi32, #tpu.memory_space<hbm>>
    %dma_wait3A_38 = tpu.memref_squeeze %dma_wait3A_37 : memref<1x80x125xi32, #tpu.memory_space<hbm>> -> memref<80x125xi32, #tpu.memory_space<hbm>>
    tpu.wait_dma2 semaphore(%arg19 : memref<!tpu.dma_semaphore, #tpu.memory_space<semaphore_mem>>) src(%dma_wait3A_38 : memref<80x125xi32, #tpu.memory_space<hbm>>) dst(%arg6 : memref<80x125xi32, #tpu.memory_space<vmem>>)
    %mul3A_39 = arith.constant 640 : i32
    %mul3A_40 = arith.muli %arg1, %mul3A_39 : i32
    %add3A_41 = arith.constant 0 : i32
    %add3A_42 = arith.addi %mul3A_40, %add3A_41 : i32
    "tpu.region"() ({
      %run_scoped3A = tpu.sem_alloc : memref<!tpu.dma_semaphore, #tpu.memory_space<semaphore_mem>>
      %dma_start3A_104 = arith.constant 0 : i32
      %dma_start3A_105 = tpu.memref_slice %arg13[%add3A_42, %dma_start3A_104] : memref<10240x48xf32, #tpu.memory_space<vmem_shared>> -> memref<128x48xf32, #tpu.memory_space<vmem_shared>>
      %dma_start3A_106 = arith.constant 0 : i32
      %dma_start3A_107 = tpu.memref_slice %arg13[%add3A_42, %dma_start3A_106] : memref<10240x48xf32, #tpu.memory_space<vmem_shared>> -> memref<128x48xf32, #tpu.memory_space<vmem_shared>>
      tpu.enqueue_dma source(%arg12 : memref<128x48xf32, #tpu.memory_space<vmem>>) target(%dma_start3A_107 : memref<128x48xf32, #tpu.memory_space<vmem_shared>>) target_semaphore(%run_scoped3A : memref<!tpu.dma_semaphore, #tpu.memory_space<semaphore_mem>>)
      %dma_wait3A_108 = arith.constant 0 : i32
      %dma_wait3A_109 = tpu.memref_slice %arg13[%add3A_42, %dma_wait3A_108] : memref<10240x48xf32, #tpu.memory_space<vmem_shared>> -> memref<128x48xf32, #tpu.memory_space<vmem_shared>>
      %dma_wait3A_110 = arith.constant 0 : i32
      %dma_wait3A_111 = tpu.memref_slice %arg13[%add3A_42, %dma_wait3A_110] : memref<10240x48xf32, #tpu.memory_space<vmem_shared>> -> memref<128x48xf32, #tpu.memory_space<vmem_shared>>
      tpu.wait_dma2 semaphore(%run_scoped3A : memref<!tpu.dma_semaphore, #tpu.memory_space<semaphore_mem>>) src(%arg12 : memref<128x48xf32, #tpu.memory_space<vmem>>) dst(%dma_wait3A_111 : memref<128x48xf32, #tpu.memory_space<vmem_shared>>)
      tpu.yield
    }) : () -> ()
    %mul3A_43 = arith.constant 640 : i32
    %mul3A_44 = arith.muli %arg1, %mul3A_43 : i32
    %add3A_45 = arith.constant 128 : i32
    %add3A_46 = arith.addi %mul3A_44, %add3A_45 : i32
    "tpu.region"() ({
      %run_scoped3A = tpu.sem_alloc : memref<!tpu.dma_semaphore, #tpu.memory_space<semaphore_mem>>
      %dma_start3A_104 = arith.constant 0 : i32
      %dma_start3A_105 = tpu.memref_slice %arg13[%add3A_46, %dma_start3A_104] : memref<10240x48xf32, #tpu.memory_space<vmem_shared>> -> memref<128x48xf32, #tpu.memory_space<vmem_shared>>
      %dma_start3A_106 = arith.constant 0 : i32
      %dma_start3A_107 = tpu.memref_slice %arg13[%add3A_46, %dma_start3A_106] : memref<10240x48xf32, #tpu.memory_space<vmem_shared>> -> memref<128x48xf32, #tpu.memory_space<vmem_shared>>
      tpu.enqueue_dma source(%arg12 : memref<128x48xf32, #tpu.memory_space<vmem>>) target(%dma_start3A_107 : memref<128x48xf32, #tpu.memory_space<vmem_shared>>) target_semaphore(%run_scoped3A : memref<!tpu.dma_semaphore, #tpu.memory_space<semaphore_mem>>)
      %dma_wait3A_108 = arith.constant 0 : i32
      %dma_wait3A_109 = tpu.memref_slice %arg13[%add3A_46, %dma_wait3A_108] : memref<10240x48xf32, #tpu.memory_space<vmem_shared>> -> memref<128x48xf32, #tpu.memory_space<vmem_shared>>
      %dma_wait3A_110 = arith.constant 0 : i32
      %dma_wait3A_111 = tpu.memref_slice %arg13[%add3A_46, %dma_wait3A_110] : memref<10240x48xf32, #tpu.memory_space<vmem_shared>> -> memref<128x48xf32, #tpu.memory_space<vmem_shared>>
      tpu.wait_dma2 semaphore(%run_scoped3A : memref<!tpu.dma_semaphore, #tpu.memory_space<semaphore_mem>>) src(%arg12 : memref<128x48xf32, #tpu.memory_space<vmem>>) dst(%dma_wait3A_111 : memref<128x48xf32, #tpu.memory_space<vmem_shared>>)
      tpu.yield
    }) : () -> ()
    %mul3A_47 = arith.constant 640 : i32
    %mul3A_48 = arith.muli %arg1, %mul3A_47 : i32
    %add3A_49 = arith.constant 256 : i32
    %add3A_50 = arith.addi %mul3A_48, %add3A_49 : i32
    "tpu.region"() ({
      %run_scoped3A = tpu.sem_alloc : memref<!tpu.dma_semaphore, #tpu.memory_space<semaphore_mem>>
      %dma_start3A_104 = arith.constant 0 : i32
      %dma_start3A_105 = tpu.memref_slice %arg13[%add3A_50, %dma_start3A_104] : memref<10240x48xf32, #tpu.memory_space<vmem_shared>> -> memref<128x48xf32, #tpu.memory_space<vmem_shared>>
      %dma_start3A_106 = arith.constant 0 : i32
      %dma_start3A_107 = tpu.memref_slice %arg13[%add3A_50, %dma_start3A_106] : memref<10240x48xf32, #tpu.memory_space<vmem_shared>> -> memref<128x48xf32, #tpu.memory_space<vmem_shared>>
      tpu.enqueue_dma source(%arg12 : memref<128x48xf32, #tpu.memory_space<vmem>>) target(%dma_start3A_107 : memref<128x48xf32, #tpu.memory_space<vmem_shared>>) target_semaphore(%run_scoped3A : memref<!tpu.dma_semaphore, #tpu.memory_space<semaphore_mem>>)
      %dma_wait3A_108 = arith.constant 0 : i32
      %dma_wait3A_109 = tpu.memref_slice %arg13[%add3A_50, %dma_wait3A_108] : memref<10240x48xf32, #tpu.memory_space<vmem_shared>> -> memref<128x48xf32, #tpu.memory_space<vmem_shared>>
      %dma_wait3A_110 = arith.constant 0 : i32
      %dma_wait3A_111 = tpu.memref_slice %arg13[%add3A_50, %dma_wait3A_110] : memref<10240x48xf32, #tpu.memory_space<vmem_shared>> -> memref<128x48xf32, #tpu.memory_space<vmem_shared>>
      tpu.wait_dma2 semaphore(%run_scoped3A : memref<!tpu.dma_semaphore, #tpu.memory_space<semaphore_mem>>) src(%arg12 : memref<128x48xf32, #tpu.memory_space<vmem>>) dst(%dma_wait3A_111 : memref<128x48xf32, #tpu.memory_space<vmem_shared>>)
      tpu.yield
    }) : () -> ()
    %mul3A_51 = arith.constant 640 : i32
    %mul3A_52 = arith.muli %arg1, %mul3A_51 : i32
    %add3A_53 = arith.constant 384 : i32
    %add3A_54 = arith.addi %mul3A_52, %add3A_53 : i32
    "tpu.region"() ({
      %run_scoped3A = tpu.sem_alloc : memref<!tpu.dma_semaphore, #tpu.memory_space<semaphore_mem>>
      %dma_start3A_104 = arith.constant 0 : i32
      %dma_start3A_105 = tpu.memref_slice %arg13[%add3A_54, %dma_start3A_104] : memref<10240x48xf32, #tpu.memory_space<vmem_shared>> -> memref<128x48xf32, #tpu.memory_space<vmem_shared>>
      %dma_start3A_106 = arith.constant 0 : i32
      %dma_start3A_107 = tpu.memref_slice %arg13[%add3A_54, %dma_start3A_106] : memref<10240x48xf32, #tpu.memory_space<vmem_shared>> -> memref<128x48xf32, #tpu.memory_space<vmem_shared>>
      tpu.enqueue_dma source(%arg12 : memref<128x48xf32, #tpu.memory_space<vmem>>) target(%dma_start3A_107 : memref<128x48xf32, #tpu.memory_space<vmem_shared>>) target_semaphore(%run_scoped3A : memref<!tpu.dma_semaphore, #tpu.memory_space<semaphore_mem>>)
      %dma_wait3A_108 = arith.constant 0 : i32
      %dma_wait3A_109 = tpu.memref_slice %arg13[%add3A_54, %dma_wait3A_108] : memref<10240x48xf32, #tpu.memory_space<vmem_shared>> -> memref<128x48xf32, #tpu.memory_space<vmem_shared>>
      %dma_wait3A_110 = arith.constant 0 : i32
      %dma_wait3A_111 = tpu.memref_slice %arg13[%add3A_54, %dma_wait3A_110] : memref<10240x48xf32, #tpu.memory_space<vmem_shared>> -> memref<128x48xf32, #tpu.memory_space<vmem_shared>>
      tpu.wait_dma2 semaphore(%run_scoped3A : memref<!tpu.dma_semaphore, #tpu.memory_space<semaphore_mem>>) src(%arg12 : memref<128x48xf32, #tpu.memory_space<vmem>>) dst(%dma_wait3A_111 : memref<128x48xf32, #tpu.memory_space<vmem_shared>>)
      tpu.yield
    }) : () -> ()
    %mul3A_55 = arith.constant 640 : i32
    %mul3A_56 = arith.muli %arg1, %mul3A_55 : i32
    %add3A_57 = arith.constant 512 : i32
    %add3A_58 = arith.addi %mul3A_56, %add3A_57 : i32
    "tpu.region"() ({
      %run_scoped3A = tpu.sem_alloc : memref<!tpu.dma_semaphore, #tpu.memory_space<semaphore_mem>>
      %dma_start3A_104 = arith.constant 0 : i32
      %dma_start3A_105 = tpu.memref_slice %arg13[%add3A_58, %dma_start3A_104] : memref<10240x48xf32, #tpu.memory_space<vmem_shared>> -> memref<128x48xf32, #tpu.memory_space<vmem_shared>>
      %dma_start3A_106 = arith.constant 0 : i32
      %dma_start3A_107 = tpu.memref_slice %arg13[%add3A_58, %dma_start3A_106] : memref<10240x48xf32, #tpu.memory_space<vmem_shared>> -> memref<128x48xf32, #tpu.memory_space<vmem_shared>>
      tpu.enqueue_dma source(%arg12 : memref<128x48xf32, #tpu.memory_space<vmem>>) target(%dma_start3A_107 : memref<128x48xf32, #tpu.memory_space<vmem_shared>>) target_semaphore(%run_scoped3A : memref<!tpu.dma_semaphore, #tpu.memory_space<semaphore_mem>>)
      %dma_wait3A_108 = arith.constant 0 : i32
      %dma_wait3A_109 = tpu.memref_slice %arg13[%add3A_58, %dma_wait3A_108] : memref<10240x48xf32, #tpu.memory_space<vmem_shared>> -> memref<128x48xf32, #tpu.memory_space<vmem_shared>>
      %dma_wait3A_110 = arith.constant 0 : i32
      %dma_wait3A_111 = tpu.memref_slice %arg13[%add3A_58, %dma_wait3A_110] : memref<10240x48xf32, #tpu.memory_space<vmem_shared>> -> memref<128x48xf32, #tpu.memory_space<vmem_shared>>
      tpu.wait_dma2 semaphore(%run_scoped3A : memref<!tpu.dma_semaphore, #tpu.memory_space<semaphore_mem>>) src(%arg12 : memref<128x48xf32, #tpu.memory_space<vmem>>) dst(%dma_wait3A_111 : memref<128x48xf32, #tpu.memory_space<vmem_shared>>)
      tpu.yield
    }) : () -> ()
    %barrier3A = arith.constant 0 : index
    tpu.barrier barrier_id(%barrier3A)
    %dma_start3A_59 = arith.constant 0 : i32
    %dma_start3A_60 = arith.constant 0 : i32
    %dma_start3A_61 = tpu.memref_slice %arg5[%dma_start3A_59, %dma_start3A_60] : memref<80x125xi32, #tpu.memory_space<vmem>> -> memref<1x125xi32, #tpu.memory_space<vmem>>
    %dma_start3A_62 = tpu.memref_squeeze %dma_start3A_61 : memref<1x125xi32, #tpu.memory_space<vmem>> -> memref<125xi32, #tpu.memory_space<vmem>>
    %dma_start3A_63 = arith.constant 0 : i32
    %dma_start3A_64 = arith.constant 0 : i32
    %dma_start3A_65 = tpu.memref_slice %arg2[%dma_start3A_63, %dma_start3A_64] : memref<10000x48xf32, #tpu.memory_space<hbm>> -> memref<10000x48xf32, #tpu.memory_space<hbm>>
    tpu.enqueue_indirect_dma source(%dma_start3A_65 : memref<10000x48xf32, #tpu.memory_space<hbm>>) target(%arg7 : memref<125x48xf32, #tpu.memory_space<vmem>>) offsets(%dma_start3A_62 : memref<125xi32, #tpu.memory_space<vmem>>) semaphore(%arg14 : memref<!tpu.dma_semaphore, #tpu.memory_space<semaphore_mem>>)
    %dma_start3A_66 = arith.constant 1 : i32
    %dma_start3A_67 = arith.constant 0 : i32
    %dma_start3A_68 = tpu.memref_slice %arg5[%dma_start3A_66, %dma_start3A_67] : memref<80x125xi32, #tpu.memory_space<vmem>> -> memref<1x125xi32, #tpu.memory_space<vmem>>
    %dma_start3A_69 = tpu.memref_squeeze %dma_start3A_68 : memref<1x125xi32, #tpu.memory_space<vmem>> -> memref<125xi32, #tpu.memory_space<vmem>>
    %dma_start3A_70 = arith.constant 0 : i32
    %dma_start3A_71 = arith.constant 0 : i32
    %dma_start3A_72 = tpu.memref_slice %arg2[%dma_start3A_70, %dma_start3A_71] : memref<10000x48xf32, #tpu.memory_space<hbm>> -> memref<10000x48xf32, #tpu.memory_space<hbm>>
    tpu.enqueue_indirect_dma source(%dma_start3A_72 : memref<10000x48xf32, #tpu.memory_space<hbm>>) target(%arg8 : memref<125x48xf32, #tpu.memory_space<vmem>>) offsets(%dma_start3A_69 : memref<125xi32, #tpu.memory_space<vmem>>) semaphore(%arg15 : memref<!tpu.dma_semaphore, #tpu.memory_space<semaphore_mem>>)
    %dma_start3A_73 = arith.constant 2 : i32
    %dma_start3A_74 = arith.constant 0 : i32
    %dma_start3A_75 = tpu.memref_slice %arg5[%dma_start3A_73, %dma_start3A_74] : memref<80x125xi32, #tpu.memory_space<vmem>> -> memref<1x125xi32, #tpu.memory_space<vmem>>
    %dma_start3A_76 = tpu.memref_squeeze %dma_start3A_75 : memref<1x125xi32, #tpu.memory_space<vmem>> -> memref<125xi32, #tpu.memory_space<vmem>>
    %dma_start3A_77 = arith.constant 0 : i32
    %dma_start3A_78 = arith.constant 0 : i32
    %dma_start3A_79 = tpu.memref_slice %arg2[%dma_start3A_77, %dma_start3A_78] : memref<10000x48xf32, #tpu.memory_space<hbm>> -> memref<10000x48xf32, #tpu.memory_space<hbm>>
    tpu.enqueue_indirect_dma source(%dma_start3A_79 : memref<10000x48xf32, #tpu.memory_space<hbm>>) target(%arg9 : memref<125x48xf32, #tpu.memory_space<vmem>>) offsets(%dma_start3A_76 : memref<125xi32, #tpu.memory_space<vmem>>) semaphore(%arg16 : memref<!tpu.dma_semaphore, #tpu.memory_space<semaphore_mem>>)
    %dma_start3A_80 = arith.constant 3 : i32
    %dma_start3A_81 = arith.constant 0 : i32
    %dma_start3A_82 = tpu.memref_slice %arg5[%dma_start3A_80, %dma_start3A_81] : memref<80x125xi32, #tpu.memory_space<vmem>> -> memref<1x125xi32, #tpu.memory_space<vmem>>
    %dma_start3A_83 = tpu.memref_squeeze %dma_start3A_82 : memref<1x125xi32, #tpu.memory_space<vmem>> -> memref<125xi32, #tpu.memory_space<vmem>>
    %dma_start3A_84 = arith.constant 0 : i32
    %dma_start3A_85 = arith.constant 0 : i32
    %dma_start3A_86 = tpu.memref_slice %arg2[%dma_start3A_84, %dma_start3A_85] : memref<10000x48xf32, #tpu.memory_space<hbm>> -> memref<10000x48xf32, #tpu.memory_space<hbm>>
    tpu.enqueue_indirect_dma source(%dma_start3A_86 : memref<10000x48xf32, #tpu.memory_space<hbm>>) target(%arg10 : memref<125x48xf32, #tpu.memory_space<vmem>>) offsets(%dma_start3A_83 : memref<125xi32, #tpu.memory_space<vmem>>) semaphore(%arg17 : memref<!tpu.dma_semaphore, #tpu.memory_space<semaphore_mem>>)
    %dma_start3A_87 = arith.constant 4 : i32
    %dma_start3A_88 = arith.constant 0 : i32
    %dma_start3A_89 = tpu.memref_slice %arg5[%dma_start3A_87, %dma_start3A_88] : memref<80x125xi32, #tpu.memory_space<vmem>> -> memref<1x125xi32, #tpu.memory_space<vmem>>
    %dma_start3A_90 = tpu.memref_squeeze %dma_start3A_89 : memref<1x125xi32, #tpu.memory_space<vmem>> -> memref<125xi32, #tpu.memory_space<vmem>>
    %dma_start3A_91 = arith.constant 0 : i32
    %dma_start3A_92 = arith.constant 0 : i32
    %dma_start3A_93 = tpu.memref_slice %arg2[%dma_start3A_91, %dma_start3A_92] : memref<10000x48xf32, #tpu.memory_space<hbm>> -> memref<10000x48xf32, #tpu.memory_space<hbm>>
    tpu.enqueue_indirect_dma source(%dma_start3A_93 : memref<10000x48xf32, #tpu.memory_space<hbm>>) target(%arg11 : memref<125x48xf32, #tpu.memory_space<vmem>>) offsets(%dma_start3A_90 : memref<125xi32, #tpu.memory_space<vmem>>) semaphore(%arg18 : memref<!tpu.dma_semaphore, #tpu.memory_space<semaphore_mem>>)
    %scan3A_94 = arith.constant 0 : i32
    %scan3A_95 = arith.constant 16 : i32
    %scan3A_96 = arith.addi %scan3A_94, %scan3A_95 : i32
    %scan3A_97 = arith.constant 1 : i32
    scf.for %scan3A_104 = %scan3A_94 to %scan3A_96 step %scan3A_97  : i32 {
      %mul3A_105 = arith.constant 5 : i32
      %mul3A_106 = arith.muli %scan3A_104, %mul3A_105 : i32
      %add3A_107 = arith.constant 0 : i32
      %add3A_108 = arith.addi %add3A_107, %mul3A_106 : i32
      %add3A_109 = arith.constant 0 : i32
      %add3A_110 = arith.addi %add3A_108, %add3A_109 : i32
      %dma_wait3A_111 = arith.constant 0 : i32
      %dma_wait3A_112 = tpu.memref_slice %arg5[%add3A_110, %dma_wait3A_111] : memref<80x125xi32, #tpu.memory_space<vmem>> -> memref<1x125xi32, #tpu.memory_space<vmem>>
      %dma_wait3A_113 = tpu.memref_squeeze %dma_wait3A_112 : memref<1x125xi32, #tpu.memory_space<vmem>> -> memref<125xi32, #tpu.memory_space<vmem>>
      %dma_wait3A_114 = arith.constant 0 : i32
      %dma_wait3A_115 = arith.constant 0 : i32
      %dma_wait3A_116 = tpu.memref_slice %arg2[%dma_wait3A_114, %dma_wait3A_115] : memref<10000x48xf32, #tpu.memory_space<hbm>> -> memref<10000x48xf32, #tpu.memory_space<hbm>>
      tpu.wait_indirect_dma semaphore(%arg14 : memref<!tpu.dma_semaphore, #tpu.memory_space<semaphore_mem>>) src(%dma_wait3A_116 : memref<10000x48xf32, #tpu.memory_space<hbm>>) dst(%arg7 : memref<125x48xf32, #tpu.memory_space<vmem>>)
      "tpu.region"() ({
        %run_scoped3A = tpu.sem_alloc : memref<!tpu.dma_semaphore, #tpu.memory_space<semaphore_mem>>
        %dma_start3A_181 = arith.constant 0 : i32
        %dma_start3A_182 = tpu.memref_slice %arg6[%add3A_110, %dma_start3A_181] : memref<80x125xi32, #tpu.memory_space<vmem>> -> memref<1x125xi32, #tpu.memory_space<vmem>>
        %dma_start3A_183 = tpu.memref_squeeze %dma_start3A_182 : memref<1x125xi32, #tpu.memory_space<vmem>> -> memref<125xi32, #tpu.memory_space<vmem>>
        %dma_start3A_184 = arith.constant 0 : i32
        %dma_start3A_185 = arith.constant 0 : i32
        %dma_start3A_186 = tpu.memref_slice %arg13[%dma_start3A_184, %dma_start3A_185] : memref<10240x48xf32, #tpu.memory_space<vmem_shared>> -> memref<10240x48xf32, #tpu.memory_space<vmem_shared>>
        tpu.enqueue_indirect_dma source(%arg7 : memref<125x48xf32, #tpu.memory_space<vmem>>) target(%dma_start3A_186 : memref<10240x48xf32, #tpu.memory_space<vmem_shared>>) offsets(%dma_start3A_183 : memref<125xi32, #tpu.memory_space<vmem>>) semaphore(%run_scoped3A : memref<!tpu.dma_semaphore, #tpu.memory_space<semaphore_mem>>) {add = true}
        %dma_wait3A_187 = arith.constant 0 : i32
        %dma_wait3A_188 = tpu.memref_slice %arg6[%add3A_110, %dma_wait3A_187] : memref<80x125xi32, #tpu.memory_space<vmem>> -> memref<1x125xi32, #tpu.memory_space<vmem>>
        %dma_wait3A_189 = tpu.memref_squeeze %dma_wait3A_188 : memref<1x125xi32, #tpu.memory_space<vmem>> -> memref<125xi32, #tpu.memory_space<vmem>>
        %dma_wait3A_190 = arith.constant 0 : i32
        %dma_wait3A_191 = arith.constant 0 : i32
        %dma_wait3A_192 = tpu.memref_slice %arg13[%dma_wait3A_190, %dma_wait3A_191] : memref<10240x48xf32, #tpu.memory_space<vmem_shared>> -> memref<10240x48xf32, #tpu.memory_space<vmem_shared>>
        tpu.wait_indirect_dma semaphore(%run_scoped3A : memref<!tpu.dma_semaphore, #tpu.memory_space<semaphore_mem>>) src(%arg7 : memref<125x48xf32, #tpu.memory_space<vmem>>) dst(%dma_wait3A_192 : memref<10240x48xf32, #tpu.memory_space<vmem_shared>>)
        tpu.yield
      }) : () -> ()
      %add3A_117 = arith.constant 5 : i32
      %add3A_118 = arith.addi %add3A_110, %add3A_117 : i32
      %lt3A = arith.constant 80 : i32
      %lt3A_119 = arith.cmpi slt, %add3A_118, %lt3A : i32
      %convert_element_type3A = arith.extui %lt3A_119 : i1 to i32
      %cond3A = arith.constant 0 : i32
      %cond3A_120 = arith.cmpi ne, %convert_element_type3A, %cond3A : i32
      scf.if %cond3A_120 {
        %add3A_181 = arith.constant 5 : i32
        %add3A_182 = arith.addi %add3A_110, %add3A_181 : i32
        %dma_start3A_183 = arith.constant 0 : i32
        %dma_start3A_184 = tpu.memref_slice %arg5[%add3A_182, %dma_start3A_183] : memref<80x125xi32, #tpu.memory_space<vmem>> -> memref<1x125xi32, #tpu.memory_space<vmem>>
        %dma_start3A_185 = tpu.memref_squeeze %dma_start3A_184 : memref<1x125xi32, #tpu.memory_space<vmem>> -> memref<125xi32, #tpu.memory_space<vmem>>
        %dma_start3A_186 = arith.constant 0 : i32
        %dma_start3A_187 = arith.constant 0 : i32
        %dma_start3A_188 = tpu.memref_slice %arg2[%dma_start3A_186, %dma_start3A_187] : memref<10000x48xf32, #tpu.memory_space<hbm>> -> memref<10000x48xf32, #tpu.memory_space<hbm>>
        tpu.enqueue_indirect_dma source(%dma_start3A_188 : memref<10000x48xf32, #tpu.memory_space<hbm>>) target(%arg7 : memref<125x48xf32, #tpu.memory_space<vmem>>) offsets(%dma_start3A_185 : memref<125xi32, #tpu.memory_space<vmem>>) semaphore(%arg14 : memref<!tpu.dma_semaphore, #tpu.memory_space<semaphore_mem>>)
      } else {
      }
      %add3A_121 = arith.constant 1 : i32
      %add3A_122 = arith.addi %add3A_108, %add3A_121 : i32
      %dma_wait3A_123 = arith.constant 0 : i32
      %dma_wait3A_124 = tpu.memref_slice %arg5[%add3A_122, %dma_wait3A_123] : memref<80x125xi32, #tpu.memory_space<vmem>> -> memref<1x125xi32, #tpu.memory_space<vmem>>
      %dma_wait3A_125 = tpu.memref_squeeze %dma_wait3A_124 : memref<1x125xi32, #tpu.memory_space<vmem>> -> memref<125xi32, #tpu.memory_space<vmem>>
      %dma_wait3A_126 = arith.constant 0 : i32
      %dma_wait3A_127 = arith.constant 0 : i32
      %dma_wait3A_128 = tpu.memref_slice %arg2[%dma_wait3A_126, %dma_wait3A_127] : memref<10000x48xf32, #tpu.memory_space<hbm>> -> memref<10000x48xf32, #tpu.memory_space<hbm>>
      tpu.wait_indirect_dma semaphore(%arg15 : memref<!tpu.dma_semaphore, #tpu.memory_space<semaphore_mem>>) src(%dma_wait3A_128 : memref<10000x48xf32, #tpu.memory_space<hbm>>) dst(%arg8 : memref<125x48xf32, #tpu.memory_space<vmem>>)
      "tpu.region"() ({
        %run_scoped3A = tpu.sem_alloc : memref<!tpu.dma_semaphore, #tpu.memory_space<semaphore_mem>>
        %dma_start3A_181 = arith.constant 0 : i32
        %dma_start3A_182 = tpu.memref_slice %arg6[%add3A_122, %dma_start3A_181] : memref<80x125xi32, #tpu.memory_space<vmem>> -> memref<1x125xi32, #tpu.memory_space<vmem>>
        %dma_start3A_183 = tpu.memref_squeeze %dma_start3A_182 : memref<1x125xi32, #tpu.memory_space<vmem>> -> memref<125xi32, #tpu.memory_space<vmem>>
        %dma_start3A_184 = arith.constant 0 : i32
        %dma_start3A_185 = arith.constant 0 : i32
        %dma_start3A_186 = tpu.memref_slice %arg13[%dma_start3A_184, %dma_start3A_185] : memref<10240x48xf32, #tpu.memory_space<vmem_shared>> -> memref<10240x48xf32, #tpu.memory_space<vmem_shared>>
        tpu.enqueue_indirect_dma source(%arg8 : memref<125x48xf32, #tpu.memory_space<vmem>>) target(%dma_start3A_186 : memref<10240x48xf32, #tpu.memory_space<vmem_shared>>) offsets(%dma_start3A_183 : memref<125xi32, #tpu.memory_space<vmem>>) semaphore(%run_scoped3A : memref<!tpu.dma_semaphore, #tpu.memory_space<semaphore_mem>>) {add = true}
        %dma_wait3A_187 = arith.constant 0 : i32
        %dma_wait3A_188 = tpu.memref_slice %arg6[%add3A_122, %dma_wait3A_187] : memref<80x125xi32, #tpu.memory_space<vmem>> -> memref<1x125xi32, #tpu.memory_space<vmem>>
        %dma_wait3A_189 = tpu.memref_squeeze %dma_wait3A_188 : memref<1x125xi32, #tpu.memory_space<vmem>> -> memref<125xi32, #tpu.memory_space<vmem>>
        %dma_wait3A_190 = arith.constant 0 : i32
        %dma_wait3A_191 = arith.constant 0 : i32
        %dma_wait3A_192 = tpu.memref_slice %arg13[%dma_wait3A_190, %dma_wait3A_191] : memref<10240x48xf32, #tpu.memory_space<vmem_shared>> -> memref<10240x48xf32, #tpu.memory_space<vmem_shared>>
        tpu.wait_indirect_dma semaphore(%run_scoped3A : memref<!tpu.dma_semaphore, #tpu.memory_space<semaphore_mem>>) src(%arg8 : memref<125x48xf32, #tpu.memory_space<vmem>>) dst(%dma_wait3A_192 : memref<10240x48xf32, #tpu.memory_space<vmem_shared>>)
        tpu.yield
      }) : () -> ()
      %add3A_129 = arith.constant 5 : i32
      %add3A_130 = arith.addi %add3A_122, %add3A_129 : i32
      %lt3A_131 = arith.constant 80 : i32
      %lt3A_132 = arith.cmpi slt, %add3A_130, %lt3A_131 : i32
      %convert_element_type3A_133 = arith.extui %lt3A_132 : i1 to i32
      %cond3A_134 = arith.constant 0 : i32
      %cond3A_135 = arith.cmpi ne, %convert_element_type3A_133, %cond3A_134 : i32
      scf.if %cond3A_135 {
        %add3A_181 = arith.constant 5 : i32
        %add3A_182 = arith.addi %add3A_122, %add3A_181 : i32
        %dma_start3A_183 = arith.constant 0 : i32
        %dma_start3A_184 = tpu.memref_slice %arg5[%add3A_182, %dma_start3A_183] : memref<80x125xi32, #tpu.memory_space<vmem>> -> memref<1x125xi32, #tpu.memory_space<vmem>>
        %dma_start3A_185 = tpu.memref_squeeze %dma_start3A_184 : memref<1x125xi32, #tpu.memory_space<vmem>> -> memref<125xi32, #tpu.memory_space<vmem>>
        %dma_start3A_186 = arith.constant 0 : i32
        %dma_start3A_187 = arith.constant 0 : i32
        %dma_start3A_188 = tpu.memref_slice %arg2[%dma_start3A_186, %dma_start3A_187] : memref<10000x48xf32, #tpu.memory_space<hbm>> -> memref<10000x48xf32, #tpu.memory_space<hbm>>
        tpu.enqueue_indirect_dma source(%dma_start3A_188 : memref<10000x48xf32, #tpu.memory_space<hbm>>) target(%arg8 : memref<125x48xf32, #tpu.memory_space<vmem>>) offsets(%dma_start3A_185 : memref<125xi32, #tpu.memory_space<vmem>>) semaphore(%arg15 : memref<!tpu.dma_semaphore, #tpu.memory_space<semaphore_mem>>)
      } else {
      }
      %add3A_136 = arith.constant 2 : i32
      %add3A_137 = arith.addi %add3A_108, %add3A_136 : i32
      %dma_wait3A_138 = arith.constant 0 : i32
      %dma_wait3A_139 = tpu.memref_slice %arg5[%add3A_137, %dma_wait3A_138] : memref<80x125xi32, #tpu.memory_space<vmem>> -> memref<1x125xi32, #tpu.memory_space<vmem>>
      %dma_wait3A_140 = tpu.memref_squeeze %dma_wait3A_139 : memref<1x125xi32, #tpu.memory_space<vmem>> -> memref<125xi32, #tpu.memory_space<vmem>>
      %dma_wait3A_141 = arith.constant 0 : i32
      %dma_wait3A_142 = arith.constant 0 : i32
      %dma_wait3A_143 = tpu.memref_slice %arg2[%dma_wait3A_141, %dma_wait3A_142] : memref<10000x48xf32, #tpu.memory_space<hbm>> -> memref<10000x48xf32, #tpu.memory_space<hbm>>
      tpu.wait_indirect_dma semaphore(%arg16 : memref<!tpu.dma_semaphore, #tpu.memory_space<semaphore_mem>>) src(%dma_wait3A_143 : memref<10000x48xf32, #tpu.memory_space<hbm>>) dst(%arg9 : memref<125x48xf32, #tpu.memory_space<vmem>>)
      "tpu.region"() ({
        %run_scoped3A = tpu.sem_alloc : memref<!tpu.dma_semaphore, #tpu.memory_space<semaphore_mem>>
        %dma_start3A_181 = arith.constant 0 : i32
        %dma_start3A_182 = tpu.memref_slice %arg6[%add3A_137, %dma_start3A_181] : memref<80x125xi32, #tpu.memory_space<vmem>> -> memref<1x125xi32, #tpu.memory_space<vmem>>
        %dma_start3A_183 = tpu.memref_squeeze %dma_start3A_182 : memref<1x125xi32, #tpu.memory_space<vmem>> -> memref<125xi32, #tpu.memory_space<vmem>>
        %dma_start3A_184 = arith.constant 0 : i32
        %dma_start3A_185 = arith.constant 0 : i32
        %dma_start3A_186 = tpu.memref_slice %arg13[%dma_start3A_184, %dma_start3A_185] : memref<10240x48xf32, #tpu.memory_space<vmem_shared>> -> memref<10240x48xf32, #tpu.memory_space<vmem_shared>>
        tpu.enqueue_indirect_dma source(%arg9 : memref<125x48xf32, #tpu.memory_space<vmem>>) target(%dma_start3A_186 : memref<10240x48xf32, #tpu.memory_space<vmem_shared>>) offsets(%dma_start3A_183 : memref<125xi32, #tpu.memory_space<vmem>>) semaphore(%run_scoped3A : memref<!tpu.dma_semaphore, #tpu.memory_space<semaphore_mem>>) {add = true}
        %dma_wait3A_187 = arith.constant 0 : i32
        %dma_wait3A_188 = tpu.memref_slice %arg6[%add3A_137, %dma_wait3A_187] : memref<80x125xi32, #tpu.memory_space<vmem>> -> memref<1x125xi32, #tpu.memory_space<vmem>>
        %dma_wait3A_189 = tpu.memref_squeeze %dma_wait3A_188 : memref<1x125xi32, #tpu.memory_space<vmem>> -> memref<125xi32, #tpu.memory_space<vmem>>
        %dma_wait3A_190 = arith.constant 0 : i32
        %dma_wait3A_191 = arith.constant 0 : i32
        %dma_wait3A_192 = tpu.memref_slice %arg13[%dma_wait3A_190, %dma_wait3A_191] : memref<10240x48xf32, #tpu.memory_space<vmem_shared>> -> memref<10240x48xf32, #tpu.memory_space<vmem_shared>>
        tpu.wait_indirect_dma semaphore(%run_scoped3A : memref<!tpu.dma_semaphore, #tpu.memory_space<semaphore_mem>>) src(%arg9 : memref<125x48xf32, #tpu.memory_space<vmem>>) dst(%dma_wait3A_192 : memref<10240x48xf32, #tpu.memory_space<vmem_shared>>)
        tpu.yield
      }) : () -> ()
      %add3A_144 = arith.constant 5 : i32
      %add3A_145 = arith.addi %add3A_137, %add3A_144 : i32
      %lt3A_146 = arith.constant 80 : i32
      %lt3A_147 = arith.cmpi slt, %add3A_145, %lt3A_146 : i32
      %convert_element_type3A_148 = arith.extui %lt3A_147 : i1 to i32
      %cond3A_149 = arith.constant 0 : i32
      %cond3A_150 = arith.cmpi ne, %convert_element_type3A_148, %cond3A_149 : i32
      scf.if %cond3A_150 {
        %add3A_181 = arith.constant 5 : i32
        %add3A_182 = arith.addi %add3A_137, %add3A_181 : i32
        %dma_start3A_183 = arith.constant 0 : i32
        %dma_start3A_184 = tpu.memref_slice %arg5[%add3A_182, %dma_start3A_183] : memref<80x125xi32, #tpu.memory_space<vmem>> -> memref<1x125xi32, #tpu.memory_space<vmem>>
        %dma_start3A_185 = tpu.memref_squeeze %dma_start3A_184 : memref<1x125xi32, #tpu.memory_space<vmem>> -> memref<125xi32, #tpu.memory_space<vmem>>
        %dma_start3A_186 = arith.constant 0 : i32
        %dma_start3A_187 = arith.constant 0 : i32
        %dma_start3A_188 = tpu.memref_slice %arg2[%dma_start3A_186, %dma_start3A_187] : memref<10000x48xf32, #tpu.memory_space<hbm>> -> memref<10000x48xf32, #tpu.memory_space<hbm>>
        tpu.enqueue_indirect_dma source(%dma_start3A_188 : memref<10000x48xf32, #tpu.memory_space<hbm>>) target(%arg9 : memref<125x48xf32, #tpu.memory_space<vmem>>) offsets(%dma_start3A_185 : memref<125xi32, #tpu.memory_space<vmem>>) semaphore(%arg16 : memref<!tpu.dma_semaphore, #tpu.memory_space<semaphore_mem>>)
      } else {
      }
      %add3A_151 = arith.constant 3 : i32
      %add3A_152 = arith.addi %add3A_108, %add3A_151 : i32
      %dma_wait3A_153 = arith.constant 0 : i32
      %dma_wait3A_154 = tpu.memref_slice %arg5[%add3A_152, %dma_wait3A_153] : memref<80x125xi32, #tpu.memory_space<vmem>> -> memref<1x125xi32, #tpu.memory_space<vmem>>
      %dma_wait3A_155 = tpu.memref_squeeze %dma_wait3A_154 : memref<1x125xi32, #tpu.memory_space<vmem>> -> memref<125xi32, #tpu.memory_space<vmem>>
      %dma_wait3A_156 = arith.constant 0 : i32
      %dma_wait3A_157 = arith.constant 0 : i32
      %dma_wait3A_158 = tpu.memref_slice %arg2[%dma_wait3A_156, %dma_wait3A_157] : memref<10000x48xf32, #tpu.memory_space<hbm>> -> memref<10000x48xf32, #tpu.memory_space<hbm>>
      tpu.wait_indirect_dma semaphore(%arg17 : memref<!tpu.dma_semaphore, #tpu.memory_space<semaphore_mem>>) src(%dma_wait3A_158 : memref<10000x48xf32, #tpu.memory_space<hbm>>) dst(%arg10 : memref<125x48xf32, #tpu.memory_space<vmem>>)
      "tpu.region"() ({
        %run_scoped3A = tpu.sem_alloc : memref<!tpu.dma_semaphore, #tpu.memory_space<semaphore_mem>>
        %dma_start3A_181 = arith.constant 0 : i32
        %dma_start3A_182 = tpu.memref_slice %arg6[%add3A_152, %dma_start3A_181] : memref<80x125xi32, #tpu.memory_space<vmem>> -> memref<1x125xi32, #tpu.memory_space<vmem>>
        %dma_start3A_183 = tpu.memref_squeeze %dma_start3A_182 : memref<1x125xi32, #tpu.memory_space<vmem>> -> memref<125xi32, #tpu.memory_space<vmem>>
        %dma_start3A_184 = arith.constant 0 : i32
        %dma_start3A_185 = arith.constant 0 : i32
        %dma_start3A_186 = tpu.memref_slice %arg13[%dma_start3A_184, %dma_start3A_185] : memref<10240x48xf32, #tpu.memory_space<vmem_shared>> -> memref<10240x48xf32, #tpu.memory_space<vmem_shared>>
        tpu.enqueue_indirect_dma source(%arg10 : memref<125x48xf32, #tpu.memory_space<vmem>>) target(%dma_start3A_186 : memref<10240x48xf32, #tpu.memory_space<vmem_shared>>) offsets(%dma_start3A_183 : memref<125xi32, #tpu.memory_space<vmem>>) semaphore(%run_scoped3A : memref<!tpu.dma_semaphore, #tpu.memory_space<semaphore_mem>>) {add = true}
        %dma_wait3A_187 = arith.constant 0 : i32
        %dma_wait3A_188 = tpu.memref_slice %arg6[%add3A_152, %dma_wait3A_187] : memref<80x125xi32, #tpu.memory_space<vmem>> -> memref<1x125xi32, #tpu.memory_space<vmem>>
        %dma_wait3A_189 = tpu.memref_squeeze %dma_wait3A_188 : memref<1x125xi32, #tpu.memory_space<vmem>> -> memref<125xi32, #tpu.memory_space<vmem>>
        %dma_wait3A_190 = arith.constant 0 : i32
        %dma_wait3A_191 = arith.constant 0 : i32
        %dma_wait3A_192 = tpu.memref_slice %arg13[%dma_wait3A_190, %dma_wait3A_191] : memref<10240x48xf32, #tpu.memory_space<vmem_shared>> -> memref<10240x48xf32, #tpu.memory_space<vmem_shared>>
        tpu.wait_indirect_dma semaphore(%run_scoped3A : memref<!tpu.dma_semaphore, #tpu.memory_space<semaphore_mem>>) src(%arg10 : memref<125x48xf32, #tpu.memory_space<vmem>>) dst(%dma_wait3A_192 : memref<10240x48xf32, #tpu.memory_space<vmem_shared>>)
        tpu.yield
      }) : () -> ()
      %add3A_159 = arith.constant 5 : i32
      %add3A_160 = arith.addi %add3A_152, %add3A_159 : i32
      %lt3A_161 = arith.constant 80 : i32
      %lt3A_162 = arith.cmpi slt, %add3A_160, %lt3A_161 : i32
      %convert_element_type3A_163 = arith.extui %lt3A_162 : i1 to i32
      %cond3A_164 = arith.constant 0 : i32
      %cond3A_165 = arith.cmpi ne, %convert_element_type3A_163, %cond3A_164 : i32
      scf.if %cond3A_165 {
        %add3A_181 = arith.constant 5 : i32
        %add3A_182 = arith.addi %add3A_152, %add3A_181 : i32
        %dma_start3A_183 = arith.constant 0 : i32
        %dma_start3A_184 = tpu.memref_slice %arg5[%add3A_182, %dma_start3A_183] : memref<80x125xi32, #tpu.memory_space<vmem>> -> memref<1x125xi32, #tpu.memory_space<vmem>>
        %dma_start3A_185 = tpu.memref_squeeze %dma_start3A_184 : memref<1x125xi32, #tpu.memory_space<vmem>> -> memref<125xi32, #tpu.memory_space<vmem>>
        %dma_start3A_186 = arith.constant 0 : i32
        %dma_start3A_187 = arith.constant 0 : i32
        %dma_start3A_188 = tpu.memref_slice %arg2[%dma_start3A_186, %dma_start3A_187] : memref<10000x48xf32, #tpu.memory_space<hbm>> -> memref<10000x48xf32, #tpu.memory_space<hbm>>
        tpu.enqueue_indirect_dma source(%dma_start3A_188 : memref<10000x48xf32, #tpu.memory_space<hbm>>) target(%arg10 : memref<125x48xf32, #tpu.memory_space<vmem>>) offsets(%dma_start3A_185 : memref<125xi32, #tpu.memory_space<vmem>>) semaphore(%arg17 : memref<!tpu.dma_semaphore, #tpu.memory_space<semaphore_mem>>)
      } else {
      }
      %add3A_166 = arith.constant 4 : i32
      %add3A_167 = arith.addi %add3A_108, %add3A_166 : i32
      %dma_wait3A_168 = arith.constant 0 : i32
      %dma_wait3A_169 = tpu.memref_slice %arg5[%add3A_167, %dma_wait3A_168] : memref<80x125xi32, #tpu.memory_space<vmem>> -> memref<1x125xi32, #tpu.memory_space<vmem>>
      %dma_wait3A_170 = tpu.memref_squeeze %dma_wait3A_169 : memref<1x125xi32, #tpu.memory_space<vmem>> -> memref<125xi32, #tpu.memory_space<vmem>>
      %dma_wait3A_171 = arith.constant 0 : i32
      %dma_wait3A_172 = arith.constant 0 : i32
      %dma_wait3A_173 = tpu.memref_slice %arg2[%dma_wait3A_171, %dma_wait3A_172] : memref<10000x48xf32, #tpu.memory_space<hbm>> -> memref<10000x48xf32, #tpu.memory_space<hbm>>
      tpu.wait_indirect_dma semaphore(%arg18 : memref<!tpu.dma_semaphore, #tpu.memory_space<semaphore_mem>>) src(%dma_wait3A_173 : memref<10000x48xf32, #tpu.memory_space<hbm>>) dst(%arg11 : memref<125x48xf32, #tpu.memory_space<vmem>>)
      "tpu.region"() ({
        %run_scoped3A = tpu.sem_alloc : memref<!tpu.dma_semaphore, #tpu.memory_space<semaphore_mem>>
        %dma_start3A_181 = arith.constant 0 : i32
        %dma_start3A_182 = tpu.memref_slice %arg6[%add3A_167, %dma_start3A_181] : memref<80x125xi32, #tpu.memory_space<vmem>> -> memref<1x125xi32, #tpu.memory_space<vmem>>
        %dma_start3A_183 = tpu.memref_squeeze %dma_start3A_182 : memref<1x125xi32, #tpu.memory_space<vmem>> -> memref<125xi32, #tpu.memory_space<vmem>>
        %dma_start3A_184 = arith.constant 0 : i32
        %dma_start3A_185 = arith.constant 0 : i32
        %dma_start3A_186 = tpu.memref_slice %arg13[%dma_start3A_184, %dma_start3A_185] : memref<10240x48xf32, #tpu.memory_space<vmem_shared>> -> memref<10240x48xf32, #tpu.memory_space<vmem_shared>>
        tpu.enqueue_indirect_dma source(%arg11 : memref<125x48xf32, #tpu.memory_space<vmem>>) target(%dma_start3A_186 : memref<10240x48xf32, #tpu.memory_space<vmem_shared>>) offsets(%dma_start3A_183 : memref<125xi32, #tpu.memory_space<vmem>>) semaphore(%run_scoped3A : memref<!tpu.dma_semaphore, #tpu.memory_space<semaphore_mem>>) {add = true}
        %dma_wait3A_187 = arith.constant 0 : i32
        %dma_wait3A_188 = tpu.memref_slice %arg6[%add3A_167, %dma_wait3A_187] : memref<80x125xi32, #tpu.memory_space<vmem>> -> memref<1x125xi32, #tpu.memory_space<vmem>>
        %dma_wait3A_189 = tpu.memref_squeeze %dma_wait3A_188 : memref<1x125xi32, #tpu.memory_space<vmem>> -> memref<125xi32, #tpu.memory_space<vmem>>
        %dma_wait3A_190 = arith.constant 0 : i32
        %dma_wait3A_191 = arith.constant 0 : i32
        %dma_wait3A_192 = tpu.memref_slice %arg13[%dma_wait3A_190, %dma_wait3A_191] : memref<10240x48xf32, #tpu.memory_space<vmem_shared>> -> memref<10240x48xf32, #tpu.memory_space<vmem_shared>>
        tpu.wait_indirect_dma semaphore(%run_scoped3A : memref<!tpu.dma_semaphore, #tpu.memory_space<semaphore_mem>>) src(%arg11 : memref<125x48xf32, #tpu.memory_space<vmem>>) dst(%dma_wait3A_192 : memref<10240x48xf32, #tpu.memory_space<vmem_shared>>)
        tpu.yield
      }) : () -> ()
      %add3A_174 = arith.constant 5 : i32
      %add3A_175 = arith.addi %add3A_167, %add3A_174 : i32
      %lt3A_176 = arith.constant 80 : i32
      %lt3A_177 = arith.cmpi slt, %add3A_175, %lt3A_176 : i32
      %convert_element_type3A_178 = arith.extui %lt3A_177 : i1 to i32
      %cond3A_179 = arith.constant 0 : i32
      %cond3A_180 = arith.cmpi ne, %convert_element_type3A_178, %cond3A_179 : i32
      scf.if %cond3A_180 {
        %add3A_181 = arith.constant 5 : i32
        %add3A_182 = arith.addi %add3A_167, %add3A_181 : i32
        %dma_start3A_183 = arith.constant 0 : i32
        %dma_start3A_184 = tpu.memref_slice %arg5[%add3A_182, %dma_start3A_183] : memref<80x125xi32, #tpu.memory_space<vmem>> -> memref<1x125xi32, #tpu.memory_space<vmem>>
        %dma_start3A_185 = tpu.memref_squeeze %dma_start3A_184 : memref<1x125xi32, #tpu.memory_space<vmem>> -> memref<125xi32, #tpu.memory_space<vmem>>
        %dma_start3A_186 = arith.constant 0 : i32
        %dma_start3A_187 = arith.constant 0 : i32
        %dma_start3A_188 = tpu.memref_slice %arg2[%dma_start3A_186, %dma_start3A_187] : memref<10000x48xf32, #tpu.memory_space<hbm>> -> memref<10000x48xf32, #tpu.memory_space<hbm>>
        tpu.enqueue_indirect_dma source(%dma_start3A_188 : memref<10000x48xf32, #tpu.memory_space<hbm>>) target(%arg11 : memref<125x48xf32, #tpu.memory_space<vmem>>) offsets(%dma_start3A_185 : memref<125xi32, #tpu.memory_space<vmem>>) semaphore(%arg18 : memref<!tpu.dma_semaphore, #tpu.memory_space<semaphore_mem>>)
      } else {
      }
    }
    %scan3A_98 = arith.constant 16 : i32
    %barrier3A_99 = arith.constant 0 : index
    tpu.barrier barrier_id(%barrier3A_99)
    %mul3A_100 = arith.constant 640 : i32
    %mul3A_101 = arith.muli %arg1, %mul3A_100 : i32
    %mul3A_102 = arith.constant 640 : i32
    %mul3A_103 = arith.muli %arg1, %mul3A_102 : i32
    "tpu.region"() ({
      %run_scoped3A = tpu.sem_alloc : memref<!tpu.dma_semaphore, #tpu.memory_space<semaphore_mem>>
      %dma_start3A_104 = arith.constant 0 : i32
      %dma_start3A_105 = tpu.memref_slice %arg4[%arg0, %mul3A_103, %dma_start3A_104] : memref<2x10240x48xf32, #tpu.memory_space<hbm>> -> memref<1x640x48xf32, #tpu.memory_space<hbm>>
      %dma_start3A_106 = tpu.memref_squeeze %dma_start3A_105 : memref<1x640x48xf32, #tpu.memory_space<hbm>> -> memref<640x48xf32, #tpu.memory_space<hbm>>
      %dma_start3A_107 = arith.constant 0 : i32
      %dma_start3A_108 = tpu.memref_slice %arg13[%mul3A_101, %dma_start3A_107] : memref<10240x48xf32, #tpu.memory_space<vmem_shared>> -> memref<640x48xf32, #tpu.memory_space<vmem_shared>>
      tpu.enqueue_dma source(%dma_start3A_108 : memref<640x48xf32, #tpu.memory_space<vmem_shared>>) target(%dma_start3A_106 : memref<640x48xf32, #tpu.memory_space<hbm>>) target_semaphore(%run_scoped3A : memref<!tpu.dma_semaphore, #tpu.memory_space<semaphore_mem>>)
      %dma_wait3A_109 = arith.constant 0 : i32
      %dma_wait3A_110 = tpu.memref_slice %arg4[%arg0, %mul3A_103, %dma_wait3A_109] : memref<2x10240x48xf32, #tpu.memory_space<hbm>> -> memref<1x640x48xf32, #tpu.memory_space<hbm>>
      %dma_wait3A_111 = tpu.memref_squeeze %dma_wait3A_110 : memref<1x640x48xf32, #tpu.memory_space<hbm>> -> memref<640x48xf32, #tpu.memory_space<hbm>>
      %dma_wait3A_112 = arith.constant 0 : i32
      %dma_wait3A_113 = tpu.memref_slice %arg13[%mul3A_101, %dma_wait3A_112] : memref<10240x48xf32, #tpu.memory_space<vmem_shared>> -> memref<640x48xf32, #tpu.memory_space<vmem_shared>>
      tpu.wait_dma2 semaphore(%run_scoped3A : memref<!tpu.dma_semaphore, #tpu.memory_space<semaphore_mem>>) src(%dma_wait3A_113 : memref<640x48xf32, #tpu.memory_space<vmem_shared>>) dst(%dma_wait3A_111 : memref<640x48xf32, #tpu.memory_space<hbm>>)
      tpu.yield
    }) : () -> ()
    return
  }
}

#map = affine_map<(d0, d1) -> (0, 0, 0)>
#map1 = affine_map<(d0, d1) -> (0, 0)>
module attributes {stable_mosaic.version = 14 : i64} {
  func.func @deg_kernel(%arg0: i32, %arg1: i32, %arg2: memref<2x2560x125xi32, #tpu.memory_space<hbm>>, %arg3: memref<2x10240xf32, #tpu.memory_space<hbm>>, %arg4: memref<80x125xi32, #tpu.memory_space<vmem>>, %arg5: memref<128xf32, #tpu.memory_space<vmem>>, %arg6: memref<10240xf32, #tpu.memory_space<vmem>>, %arg7: memref<10240xf32, #tpu.memory_space<vmem_shared>>) attributes {dimension_semantics = [#tpu.dimension_semantics<core_parallel>, #tpu.dimension_semantics<subcore_parallel>], iteration_bounds = array<i64: 2, 16>, scalar_prefetch = 0 : i64, scratch_operands = 4 : i64, tpu.core_type = #tpu.core_type<sc_vector_subcore>, window_params = [{transform_indices = #map}, {transform_indices = #map1}]} {
    %mul3A = arith.constant 16 : i32
    %mul3A_0 = arith.muli %arg0, %mul3A : i32
    %add3A = arith.addi %mul3A_0, %arg1 : i32
    %scan3A = arith.constant 0 : i32
    %scan3A_1 = arith.constant 8 : i32
    %scan3A_2 = arith.addi %scan3A, %scan3A_1 : i32
    %scan3A_3 = arith.constant 1 : i32
    scf.for %scan3A_20 = %scan3A to %scan3A_2 step %scan3A_3  : i32 {
      %mul3A_21 = arith.constant 1 : i32
      %mul3A_22 = arith.muli %scan3A_20, %mul3A_21 : i32
      %add3A_23 = arith.constant 0 : i32
      %add3A_24 = arith.addi %add3A_23, %mul3A_22 : i32
      %broadcast_in_dim3A = arith.constant 1.000000e+00 : f32
      %broadcast_in_dim3A_25 = vector.broadcast %broadcast_in_dim3A : f32 to vector<16xf32>
      %mul3A_26 = arith.constant 16 : i32
      %mul3A_27 = arith.muli %add3A_24, %mul3A_26 : i32
      %swap3A = arith.index_cast %mul3A_27 : i32 to index
      %swap3A_28 = tpu.vector_load %arg5[%swap3A] {strides = array<i32>} : memref<128xf32, #tpu.memory_space<vmem>>, vector<16xf32>,
      %swap3A_29 = vector.shape_cast %swap3A_28 : vector<16xf32> to vector<16xf32>
      %swap3A_30 = vector.shape_cast %broadcast_in_dim3A_25 : vector<16xf32> to vector<16xf32>
      tpu.vector_store %arg5[%swap3A], %swap3A_30 {strides = array<i32>} : memref<128xf32, #tpu.memory_space<vmem>>, vector<16xf32>,
    }
    %scan3A_4 = arith.constant 8 : i32
    %eq3A = arith.constant 0 : i32
    %eq3A_5 = arith.cmpi eq, %arg1, %eq3A : i32
    %convert_element_type3A = arith.extui %eq3A_5 : i1 to i32
    %cond3A = arith.constant 0 : i32
    %cond3A_6 = arith.cmpi ne, %convert_element_type3A, %cond3A : i32
    scf.if %cond3A_6 {
      %scan3A_20 = arith.constant 0 : i32
      %scan3A_21 = arith.constant 640 : i32
      %scan3A_22 = arith.addi %scan3A_20, %scan3A_21 : i32
      %scan3A_23 = arith.constant 1 : i32
      scf.for %scan3A_25 = %scan3A_20 to %scan3A_22 step %scan3A_23  : i32 {
        %mul3A_26 = arith.constant 1 : i32
        %mul3A_27 = arith.muli %scan3A_25, %mul3A_26 : i32
        %add3A_28 = arith.constant 0 : i32
        %add3A_29 = arith.addi %add3A_28, %mul3A_27 : i32
        %broadcast_in_dim3A = arith.constant 0.000000e+00 : f32
        %broadcast_in_dim3A_30 = vector.broadcast %broadcast_in_dim3A : f32 to vector<16xf32>
        %mul3A_31 = arith.constant 16 : i32
        %mul3A_32 = arith.muli %add3A_29, %mul3A_31 : i32
        %swap3A = arith.index_cast %mul3A_32 : i32 to index
        %swap3A_33 = tpu.vector_load %arg6[%swap3A] {strides = array<i32>} : memref<10240xf32, #tpu.memory_space<vmem>>, vector<16xf32>,
        %swap3A_34 = vector.shape_cast %swap3A_33 : vector<16xf32> to vector<16xf32>
        %swap3A_35 = vector.shape_cast %broadcast_in_dim3A_30 : vector<16xf32> to vector<16xf32>
        tpu.vector_store %arg6[%swap3A], %swap3A_35 {strides = array<i32>} : memref<10240xf32, #tpu.memory_space<vmem>>, vector<16xf32>,
      }
      %scan3A_24 = arith.constant 640 : i32
      "tpu.region"() ({
        %run_scoped3A_25 = tpu.sem_alloc : memref<!tpu.dma_semaphore, #tpu.memory_space<semaphore_mem>>
        tpu.enqueue_dma source(%arg6 : memref<10240xf32, #tpu.memory_space<vmem>>) target(%arg7 : memref<10240xf32, #tpu.memory_space<vmem_shared>>) target_semaphore(%run_scoped3A_25 : memref<!tpu.dma_semaphore, #tpu.memory_space<semaphore_mem>>)
        tpu.wait_dma2 semaphore(%run_scoped3A_25 : memref<!tpu.dma_semaphore, #tpu.memory_space<semaphore_mem>>) src(%arg6 : memref<10240xf32, #tpu.memory_space<vmem>>) dst(%arg7 : memref<10240xf32, #tpu.memory_space<vmem_shared>>)
        tpu.yield
      }) : () -> ()
    } else {
    }
    %mul3A_7 = arith.constant 80 : i32
    %mul3A_8 = arith.muli %add3A, %mul3A_7 : i32
    %run_scoped3A = arith.constant 1 : i32
    "tpu.region"() ({
      %run_scoped3A_20 = tpu.sem_alloc : memref<!tpu.dma_semaphore, #tpu.memory_space<semaphore_mem>>
      %dma_start3A = arith.constant 0 : i32
      %dma_start3A_21 = tpu.memref_slice %arg2[%run_scoped3A, %mul3A_8, %dma_start3A] : memref<2x2560x125xi32, #tpu.memory_space<hbm>> -> memref<1x80x125xi32, #tpu.memory_space<hbm>>
      %dma_start3A_22 = tpu.memref_squeeze %dma_start3A_21 : memref<1x80x125xi32, #tpu.memory_space<hbm>> -> memref<80x125xi32, #tpu.memory_space<hbm>>
      %dma_start3A_23 = arith.constant 0 : i32
      %dma_start3A_24 = tpu.memref_slice %arg2[%run_scoped3A, %mul3A_8, %dma_start3A_23] : memref<2x2560x125xi32, #tpu.memory_space<hbm>> -> memref<1x80x125xi32, #tpu.memory_space<hbm>>
      %dma_start3A_25 = tpu.memref_squeeze %dma_start3A_24 : memref<1x80x125xi32, #tpu.memory_space<hbm>> -> memref<80x125xi32, #tpu.memory_space<hbm>>
      tpu.enqueue_dma source(%dma_start3A_25 : memref<80x125xi32, #tpu.memory_space<hbm>>) target(%arg4 : memref<80x125xi32, #tpu.memory_space<vmem>>) target_semaphore(%run_scoped3A_20 : memref<!tpu.dma_semaphore, #tpu.memory_space<semaphore_mem>>)
      %dma_wait3A = arith.constant 0 : i32
      %dma_wait3A_26 = tpu.memref_slice %arg2[%run_scoped3A, %mul3A_8, %dma_wait3A] : memref<2x2560x125xi32, #tpu.memory_space<hbm>> -> memref<1x80x125xi32, #tpu.memory_space<hbm>>
      %dma_wait3A_27 = tpu.memref_squeeze %dma_wait3A_26 : memref<1x80x125xi32, #tpu.memory_space<hbm>> -> memref<80x125xi32, #tpu.memory_space<hbm>>
      %dma_wait3A_28 = arith.constant 0 : i32
      %dma_wait3A_29 = tpu.memref_slice %arg2[%run_scoped3A, %mul3A_8, %dma_wait3A_28] : memref<2x2560x125xi32, #tpu.memory_space<hbm>> -> memref<1x80x125xi32, #tpu.memory_space<hbm>>
      %dma_wait3A_30 = tpu.memref_squeeze %dma_wait3A_29 : memref<1x80x125xi32, #tpu.memory_space<hbm>> -> memref<80x125xi32, #tpu.memory_space<hbm>>
      tpu.wait_dma2 semaphore(%run_scoped3A_20 : memref<!tpu.dma_semaphore, #tpu.memory_space<semaphore_mem>>) src(%dma_wait3A_30 : memref<80x125xi32, #tpu.memory_space<hbm>>) dst(%arg4 : memref<80x125xi32, #tpu.memory_space<vmem>>)
      tpu.yield
    }) : () -> ()
    %barrier3A = arith.constant 0 : index
    tpu.barrier barrier_id(%barrier3A)
    %scan3A_9 = arith.constant 0 : i32
    %scan3A_10 = arith.constant 80 : i32
    %scan3A_11 = arith.addi %scan3A_9, %scan3A_10 : i32
    %scan3A_12 = arith.constant 1 : i32
    scf.for %scan3A_20 = %scan3A_9 to %scan3A_11 step %scan3A_12  : i32 {
      %mul3A_21 = arith.constant 1 : i32
      %mul3A_22 = arith.muli %scan3A_20, %mul3A_21 : i32
      %add3A_23 = arith.constant 0 : i32
      %add3A_24 = arith.addi %add3A_23, %mul3A_22 : i32
      "tpu.region"() ({
        %run_scoped3A_25 = tpu.sem_alloc : memref<!tpu.dma_semaphore, #tpu.memory_space<semaphore_mem>>
        %dma_start3A = arith.constant 0 : i32
        %dma_start3A_26 = tpu.memref_slice %arg5[%dma_start3A] : memref<128xf32, #tpu.memory_space<vmem>> -> memref<125xf32, #tpu.memory_space<vmem>>
        %dma_start3A_27 = arith.constant 0 : i32
        %dma_start3A_28 = tpu.memref_slice %arg4[%add3A_24, %dma_start3A_27] : memref<80x125xi32, #tpu.memory_space<vmem>> -> memref<1x125xi32, #tpu.memory_space<vmem>>
        %dma_start3A_29 = tpu.memref_squeeze %dma_start3A_28 : memref<1x125xi32, #tpu.memory_space<vmem>> -> memref<125xi32, #tpu.memory_space<vmem>>
        %dma_start3A_30 = arith.constant 0 : i32
        %dma_start3A_31 = tpu.memref_slice %arg7[%dma_start3A_30] : memref<10240xf32, #tpu.memory_space<vmem_shared>> -> memref<10240xf32, #tpu.memory_space<vmem_shared>>
        tpu.enqueue_indirect_dma source(%dma_start3A_26 : memref<125xf32, #tpu.memory_space<vmem>>) target(%dma_start3A_31 : memref<10240xf32, #tpu.memory_space<vmem_shared>>) offsets(%dma_start3A_29 : memref<125xi32, #tpu.memory_space<vmem>>) semaphore(%run_scoped3A_25 : memref<!tpu.dma_semaphore, #tpu.memory_space<semaphore_mem>>) {add = true}
        %dma_wait3A = arith.constant 0 : i32
        %dma_wait3A_32 = tpu.memref_slice %arg5[%dma_wait3A] : memref<128xf32, #tpu.memory_space<vmem>> -> memref<125xf32, #tpu.memory_space<vmem>>
        %dma_wait3A_33 = arith.constant 0 : i32
        %dma_wait3A_34 = tpu.memref_slice %arg4[%add3A_24, %dma_wait3A_33] : memref<80x125xi32, #tpu.memory_space<vmem>> -> memref<1x125xi32, #tpu.memory_space<vmem>>
        %dma_wait3A_35 = tpu.memref_squeeze %dma_wait3A_34 : memref<1x125xi32, #tpu.memory_space<vmem>> -> memref<125xi32, #tpu.memory_space<vmem>>
        %dma_wait3A_36 = arith.constant 0 : i32
        %dma_wait3A_37 = tpu.memref_slice %arg7[%dma_wait3A_36] : memref<10240xf32, #tpu.memory_space<vmem_shared>> -> memref<10240xf32, #tpu.memory_space<vmem_shared>>
        tpu.wait_indirect_dma semaphore(%run_scoped3A_25 : memref<!tpu.dma_semaphore, #tpu.memory_space<semaphore_mem>>) src(%dma_wait3A_32 : memref<125xf32, #tpu.memory_space<vmem>>) dst(%dma_wait3A_37 : memref<10240xf32, #tpu.memory_space<vmem_shared>>)
        tpu.yield
      }) : () -> ()
    }
    %scan3A_13 = arith.constant 80 : i32
    %barrier3A_14 = arith.constant 0 : index
    tpu.barrier barrier_id(%barrier3A_14)
    %eq3A_15 = arith.constant 0 : i32
    %eq3A_16 = arith.cmpi eq, %arg1, %eq3A_15 : i32
    %convert_element_type3A_17 = arith.extui %eq3A_16 : i1 to i32
    %cond3A_18 = arith.constant 0 : i32
    %cond3A_19 = arith.cmpi ne, %convert_element_type3A_17, %cond3A_18 : i32
    scf.if %cond3A_19 {
      "tpu.region"() ({
        %run_scoped3A_20 = tpu.sem_alloc : memref<!tpu.dma_semaphore, #tpu.memory_space<semaphore_mem>>
        %dma_start3A = arith.constant 0 : i32
        %dma_start3A_21 = tpu.memref_slice %arg3[%arg0, %dma_start3A] : memref<2x10240xf32, #tpu.memory_space<hbm>> -> memref<1x10240xf32, #tpu.memory_space<hbm>>
        %dma_start3A_22 = tpu.memref_squeeze %dma_start3A_21 : memref<1x10240xf32, #tpu.memory_space<hbm>> -> memref<10240xf32, #tpu.memory_space<hbm>>
        tpu.enqueue_dma source(%arg7 : memref<10240xf32, #tpu.memory_space<vmem_shared>>) target(%dma_start3A_22 : memref<10240xf32, #tpu.memory_space<hbm>>) target_semaphore(%run_scoped3A_20 : memref<!tpu.dma_semaphore, #tpu.memory_space<semaphore_mem>>)
        %dma_wait3A = arith.constant 0 : i32
        %dma_wait3A_23 = tpu.memref_slice %arg3[%arg0, %dma_wait3A] : memref<2x10240xf32, #tpu.memory_space<hbm>> -> memref<1x10240xf32, #tpu.memory_space<hbm>>
        %dma_wait3A_24 = tpu.memref_squeeze %dma_wait3A_23 : memref<1x10240xf32, #tpu.memory_space<hbm>> -> memref<10240xf32, #tpu.memory_space<hbm>>
        tpu.wait_dma2 semaphore(%run_scoped3A_20 : memref<!tpu.dma_semaphore, #tpu.memory_space<semaphore_mem>>) src(%arg7 : memref<10240xf32, #tpu.memory_space<vmem_shared>>) dst(%dma_wait3A_24 : memref<10240xf32, #tpu.memory_space<hbm>>)
        tpu.yield
      }) : () -> ()
    } else {
    }
    return
  }
}

module attributes {stable_mosaic.version = 14 : i64} {
  func.func @_g1_body(%arg0: i32, %arg1: memref<2000x128xf32, #tpu.memory_space<vmem>>, %arg2: memref<128x128xf32, #tpu.memory_space<vmem>>, %arg3: memref<2000x2xf32, #tpu.memory_space<vmem>>, %arg4: memref<2000x64xf32, #tpu.memory_space<vmem>>, %arg5: memref<2000x64xf32, #tpu.memory_space<vmem>>) attributes {dimension_semantics = [#tpu.dimension_semantics<arbitrary>], iteration_bounds = array<i64: 5>, scalar_prefetch = 0 : i64, scratch_operands = 0 : i64, tpu.core_type = #tpu.core_type<tc>, window_params = [{transform_indices = @transform_0, window_bounds = array<i64: 2000, 128>}, {pipeline_mode = #tpu.pipeline_mode<synchronous>, transform_indices = @transform_1, window_bounds = array<i64: 128, 128>}, {transform_indices = @transform_2, window_bounds = array<i64: 2000, 2>}, {transform_indices = @transform_3, window_bounds = array<i64: 2000, 64>}, {transform_indices = @transform_4, window_bounds = array<i64: 2000, 64>}]} {
    %get3A = arith.constant 0 : index
    %get3A_0 = arith.constant 0 : index
    %get3A_1 = vector.load %arg3[%get3A, %get3A_0] : memref<2000x2xf32, #tpu.memory_space<vmem>>, vector<2000x2xf32>
    %slice3A = vector.extract_strided_slice %get3A_1 {offsets = [0, 0], sizes = [2000, 1], strides = [1, 1]} : vector<2000x2xf32> to vector<2000x1xf32>
    %slice3A_2 = vector.extract_strided_slice %get3A_1 {offsets = [0, 1], sizes = [2000, 1], strides = [1, 1]} : vector<2000x2xf32> to vector<2000x1xf32>
    %add3A = arith.addf %slice3A, %slice3A_2 : vector<2000x1xf32>
    %add3A_3 = arith.constant 1.000000e+00 : f32
    %add3A_4 = vector.broadcast %add3A_3 : f32 to vector<2000x1xf32>
    %add3A_5 = arith.addf %add3A, %add3A_4 : vector<2000x1xf32>
    %rsqrt3A = math.rsqrt %add3A_5 : vector<2000x1xf32>
    %get3A_6 = arith.constant 0 : index
    %get3A_7 = arith.constant 0 : index
    %get3A_8 = vector.load %arg1[%get3A_6, %get3A_7] : memref<2000x128xf32, #tpu.memory_space<vmem>>, vector<2000x128xf32>
    %get3A_9 = arith.constant 0 : index
    %get3A_10 = arith.constant 0 : index
    %get3A_11 = vector.load %arg2[%get3A_9, %get3A_10] : memref<128x128xf32, #tpu.memory_space<vmem>>, vector<128x128xf32>
    %dot_general3A = arith.constant dense<0.000000e+00> : vector<2000x128xf32>
    %dot_general3A_12 = tpu.matmul %get3A_8, %get3A_11, %dot_general3A {dimension_numbers = #tpu.dot_dimension_numbers<[1], [0], [0], [1], [0, 0, 1, 1], [], []>, transpose_lhs_hint = false} : vector<2000x128xf32>, vector<128x128xf32>, vector<2000x128xf32> -> vector<2000x128xf32>
    %mul3A = vector.broadcast %rsqrt3A : vector<2000x1xf32> to vector<2000x128xf32>
    %mul3A_13 = arith.mulf %dot_general3A_12, %mul3A : vector<2000x128xf32>
    %slice3A_14 = vector.extract_strided_slice %mul3A_13 {offsets = [0, 0], sizes = [2000, 64], strides = [1, 1]} : vector<2000x128xf32> to vector<2000x64xf32>
    %swap3A = arith.constant 0 : index
    %swap3A_15 = arith.constant 0 : index
    %swap3A_16 = vector.load %arg4[%swap3A, %swap3A_15] : memref<2000x64xf32, #tpu.memory_space<vmem>>, vector<2000x64xf32>
    tpu.vector_store %arg4[%swap3A, %swap3A_15], %slice3A_14 {strides = array<i32>} : memref<2000x64xf32, #tpu.memory_space<vmem>>, vector<2000x64xf32>,
    %slice3A_17 = vector.extract_strided_slice %mul3A_13 {offsets = [0, 64], sizes = [2000, 64], strides = [1, 1]} : vector<2000x128xf32> to vector<2000x64xf32>
    %swap3A_18 = arith.constant 0 : index
    %swap3A_19 = arith.constant 0 : index
    %swap3A_20 = vector.load %arg5[%swap3A_18, %swap3A_19] : memref<2000x64xf32, #tpu.memory_space<vmem>>, vector<2000x64xf32>
    tpu.vector_store %arg5[%swap3A_18, %swap3A_19], %slice3A_17 {strides = array<i32>} : memref<2000x64xf32, #tpu.memory_space<vmem>>, vector<2000x64xf32>,
    return
  }
  func.func @transform_0(%arg0: i32) -> (i32, i32) {
    %c0_i32 = arith.constant 0 : i32
    %c0_i32_0 = arith.constant 0 : i32
    return %arg0, %c0_i32 : i32, i32
  }
  func.func @transform_1(%arg0: i32) -> (i32, i32) {
    %c0_i32 = arith.constant 0 : i32
    %c0_i32_0 = arith.constant 0 : i32
    %c0_i32_1 = arith.constant 0 : i32
    return %c0_i32, %c0_i32_0 : i32, i32
  }
  func.func @transform_2(%arg0: i32) -> (i32, i32) {
    %c0_i32 = arith.constant 0 : i32
    %c0_i32_0 = arith.constant 0 : i32
    return %arg0, %c0_i32 : i32, i32
  }
  func.func @transform_3(%arg0: i32) -> (i32, i32) {
    %c0_i32 = arith.constant 0 : i32
    %c0_i32_0 = arith.constant 0 : i32
    return %arg0, %c0_i32 : i32, i32
  }
  func.func @transform_4(%arg0: i32) -> (i32, i32) {
    %c0_i32 = arith.constant 0 : i32
    %c0_i32_0 = arith.constant 0 : i32
    return %arg0, %c0_i32 : i32, i32
  }
}

module attributes {stable_mosaic.version = 14 : i64} {
  func.func @_mid_body(%arg0: i32, %arg1: memref<1x2000x64xf32, #tpu.memory_space<vmem>>, %arg2: memref<1x2000x64xf32, #tpu.memory_space<vmem>>, %arg3: memref<2000x64xf32, #tpu.memory_space<vmem>>, %arg4: memref<2000x64xf32, #tpu.memory_space<vmem>>, %arg5: memref<2000x2xf32, #tpu.memory_space<vmem>>, %arg6: memref<128x48xf32, #tpu.memory_space<vmem>>, %arg7: memref<1x128xf32, #tpu.memory_space<vmem>>, %arg8: memref<2000x48xf32, #tpu.memory_space<vmem>>) attributes {dimension_semantics = [#tpu.dimension_semantics<arbitrary>], iteration_bounds = array<i64: 5>, scalar_prefetch = 0 : i64, scratch_operands = 0 : i64, tpu.core_type = #tpu.core_type<tc>, window_params = [{transform_indices = @transform_0, window_bounds = array<i64: 1, 2000, 64>}, {transform_indices = @transform_1, window_bounds = array<i64: 1, 2000, 64>}, {transform_indices = @transform_2, window_bounds = array<i64: 2000, 64>}, {transform_indices = @transform_3, window_bounds = array<i64: 2000, 64>}, {transform_indices = @transform_4, window_bounds = array<i64: 2000, 2>}, {pipeline_mode = #tpu.pipeline_mode<synchronous>, transform_indices = @transform_5, window_bounds = array<i64: 128, 48>}, {pipeline_mode = #tpu.pipeline_mode<synchronous>, transform_indices = @transform_6, window_bounds = array<i64: 1, 128>}, {transform_indices = @transform_7, window_bounds = array<i64: 2000, 48>}]} {
    %get3A = arith.constant 0 : index
    %get3A_0 = arith.constant 0 : index
    %get3A_1 = vector.load %arg5[%get3A, %get3A_0] : memref<2000x2xf32, #tpu.memory_space<vmem>>, vector<2000x2xf32>
    %slice3A = vector.extract_strided_slice %get3A_1 {offsets = [0, 0], sizes = [2000, 1], strides = [1, 1]} : vector<2000x2xf32> to vector<2000x1xf32>
    %slice3A_2 = vector.extract_strided_slice %get3A_1 {offsets = [0, 1], sizes = [2000, 1], strides = [1, 1]} : vector<2000x2xf32> to vector<2000x1xf32>
    %add3A = arith.addf %slice3A, %slice3A_2 : vector<2000x1xf32>
    %add3A_3 = arith.constant 1.000000e+00 : f32
    %add3A_4 = vector.broadcast %add3A_3 : f32 to vector<2000x1xf32>
    %add3A_5 = arith.addf %add3A, %add3A_4 : vector<2000x1xf32>
    %rsqrt3A = math.rsqrt %add3A_5 : vector<2000x1xf32>
    %get3A_6 = arith.constant 0 : index
    %get3A_7 = arith.constant 0 : index
    %get3A_8 = arith.constant 0 : index
    %get3A_9 = vector.load %arg1[%get3A_6, %get3A_7, %get3A_8] : memref<1x2000x64xf32, #tpu.memory_space<vmem>>, vector<1x2000x64xf32>
    %get3A_10 = vector.shape_cast %get3A_9 : vector<1x2000x64xf32> to vector<2000x64xf32>
    %get3A_11 = arith.constant 0 : index
    %get3A_12 = arith.constant 0 : index
    %get3A_13 = vector.load %arg3[%get3A_11, %get3A_12] : memref<2000x64xf32, #tpu.memory_space<vmem>>, vector<2000x64xf32>
    %add3A_14 = arith.addf %get3A_10, %get3A_13 : vector<2000x64xf32>
    %get3A_15 = arith.constant 0 : index
    %get3A_16 = arith.constant 0 : index
    %get3A_17 = arith.constant 0 : index
    %get3A_18 = vector.load %arg2[%get3A_15, %get3A_16, %get3A_17] : memref<1x2000x64xf32, #tpu.memory_space<vmem>>, vector<1x2000x64xf32>
    %get3A_19 = vector.shape_cast %get3A_18 : vector<1x2000x64xf32> to vector<2000x64xf32>
    %get3A_20 = arith.constant 0 : index
    %get3A_21 = arith.constant 0 : index
    %get3A_22 = vector.load %arg4[%get3A_20, %get3A_21] : memref<2000x64xf32, #tpu.memory_space<vmem>>, vector<2000x64xf32>
    %add3A_23 = arith.addf %get3A_19, %get3A_22 : vector<2000x64xf32>
    %concatenate3A = tpu.concatenate %add3A_14, %add3A_23 in 1 : vector<2000x64xf32>, vector<2000x64xf32> -> vector<2000x128xf32>
    %mul3A = vector.broadcast %rsqrt3A : vector<2000x1xf32> to vector<2000x128xf32>
    %mul3A_24 = arith.mulf %mul3A, %concatenate3A : vector<2000x128xf32>
    %get3A_25 = arith.constant 0 : index
    %get3A_26 = arith.constant 0 : index
    %get3A_27 = vector.load %arg7[%get3A_25, %get3A_26] : memref<1x128xf32, #tpu.memory_space<vmem>>, vector<1x128xf32>
    %add3A_28 = vector.broadcast %get3A_27 : vector<1x128xf32> to vector<2000x128xf32>
    %add3A_29 = arith.addf %mul3A_24, %add3A_28 : vector<2000x128xf32>
    %max3A = arith.constant 0.000000e+00 : f32
    %max3A_30 = vector.broadcast %max3A : f32 to vector<2000x128xf32>
    %max3A_31 = arith.maximumf %add3A_29, %max3A_30 : vector<2000x128xf32>
    %get3A_32 = arith.constant 0 : index
    %get3A_33 = arith.constant 0 : index
    %get3A_34 = vector.load %arg6[%get3A_32, %get3A_33] : memref<128x48xf32, #tpu.memory_space<vmem>>, vector<128x48xf32>
    %dot_general3A = arith.constant dense<0.000000e+00> : vector<2000x48xf32>
    %dot_general3A_35 = tpu.matmul %max3A_31, %get3A_34, %dot_general3A {dimension_numbers = #tpu.dot_dimension_numbers<[1], [0], [0], [1], [0, 0, 1, 1], [], []>, transpose_lhs_hint = false} : vector<2000x128xf32>, vector<128x48xf32>, vector<2000x48xf32> -> vector<2000x48xf32>
    %mul3A_36 = vector.broadcast %rsqrt3A : vector<2000x1xf32> to vector<2000x48xf32>
    %mul3A_37 = arith.mulf %dot_general3A_35, %mul3A_36 : vector<2000x48xf32>
    %swap3A = arith.constant 0 : index
    %swap3A_38 = arith.constant 0 : index
    %swap3A_39 = vector.load %arg8[%swap3A, %swap3A_38] : memref<2000x48xf32, #tpu.memory_space<vmem>>, vector<2000x48xf32>
    tpu.vector_store %arg8[%swap3A, %swap3A_38], %mul3A_37 {strides = array<i32>} : memref<2000x48xf32, #tpu.memory_space<vmem>>, vector<2000x48xf32>,
    return
  }
  func.func @transform_0(%arg0: i32) -> (i32, i32, i32) {
    %c0_i32 = arith.constant 0 : i32
    %c0_i32_0 = arith.constant 0 : i32
    %c0_i32_1 = arith.constant 0 : i32
    return %c0_i32, %arg0, %c0_i32_0 : i32, i32, i32
  }
  func.func @transform_1(%arg0: i32) -> (i32, i32, i32) {
    %c1_i32 = arith.constant 1 : i32
    %c0_i32 = arith.constant 0 : i32
    %c0_i32_0 = arith.constant 0 : i32
    return %c1_i32, %arg0, %c0_i32 : i32, i32, i32
  }
  func.func @transform_2(%arg0: i32) -> (i32, i32) {
    %c0_i32 = arith.constant 0 : i32
    %c0_i32_0 = arith.constant 0 : i32
    return %arg0, %c0_i32 : i32, i32
  }
  func.func @transform_3(%arg0: i32) -> (i32, i32) {
    %c0_i32 = arith.constant 0 : i32
    %c0_i32_0 = arith.constant 0 : i32
    return %arg0, %c0_i32 : i32, i32
  }
  func.func @transform_4(%arg0: i32) -> (i32, i32) {
    %c0_i32 = arith.constant 0 : i32
    %c0_i32_0 = arith.constant 0 : i32
    return %arg0, %c0_i32 : i32, i32
  }
  func.func @transform_5(%arg0: i32) -> (i32, i32) {
    %c0_i32 = arith.constant 0 : i32
    %c0_i32_0 = arith.constant 0 : i32
    %c0_i32_1 = arith.constant 0 : i32
    return %c0_i32, %c0_i32_0 : i32, i32
  }
  func.func @transform_6(%arg0: i32) -> (i32, i32) {
    %c0_i32 = arith.constant 0 : i32
    %c0_i32_0 = arith.constant 0 : i32
    %c0_i32_1 = arith.constant 0 : i32
    return %c0_i32, %c0_i32_0 : i32, i32
  }
  func.func @transform_7(%arg0: i32) -> (i32, i32) {
    %c0_i32 = arith.constant 0 : i32
    %c0_i32_0 = arith.constant 0 : i32
    return %arg0, %c0_i32 : i32, i32
  }
}

module attributes {stable_mosaic.version = 14 : i64} {
  func.func @_final_body(%arg0: i32, %arg1: memref<1x2000x48xf32, #tpu.memory_space<vmem>>, %arg2: memref<1x2000x48xf32, #tpu.memory_space<vmem>>, %arg3: memref<2000x48xf32, #tpu.memory_space<vmem>>, %arg4: memref<2000x2xf32, #tpu.memory_space<vmem>>, %arg5: memref<1x48xf32, #tpu.memory_space<vmem>>, %arg6: memref<2000x40xf32, #tpu.memory_space<vmem>>) attributes {dimension_semantics = [#tpu.dimension_semantics<arbitrary>], iteration_bounds = array<i64: 5>, scalar_prefetch = 0 : i64, scratch_operands = 0 : i64, tpu.core_type = #tpu.core_type<tc>, window_params = [{transform_indices = @transform_0, window_bounds = array<i64: 1, 2000, 48>}, {transform_indices = @transform_1, window_bounds = array<i64: 1, 2000, 48>}, {transform_indices = @transform_2, window_bounds = array<i64: 2000, 48>}, {transform_indices = @transform_3, window_bounds = array<i64: 2000, 2>}, {pipeline_mode = #tpu.pipeline_mode<synchronous>, transform_indices = @transform_4, window_bounds = array<i64: 1, 48>}, {transform_indices = @transform_5, window_bounds = array<i64: 2000, 40>}]} {
    %get3A = arith.constant 0 : index
    %get3A_0 = arith.constant 0 : index
    %get3A_1 = vector.load %arg4[%get3A, %get3A_0] : memref<2000x2xf32, #tpu.memory_space<vmem>>, vector<2000x2xf32>
    %slice3A = vector.extract_strided_slice %get3A_1 {offsets = [0, 0], sizes = [2000, 1], strides = [1, 1]} : vector<2000x2xf32> to vector<2000x1xf32>
    %slice3A_2 = vector.extract_strided_slice %get3A_1 {offsets = [0, 1], sizes = [2000, 1], strides = [1, 1]} : vector<2000x2xf32> to vector<2000x1xf32>
    %add3A = arith.addf %slice3A, %slice3A_2 : vector<2000x1xf32>
    %add3A_3 = arith.constant 1.000000e+00 : f32
    %add3A_4 = vector.broadcast %add3A_3 : f32 to vector<2000x1xf32>
    %add3A_5 = arith.addf %add3A, %add3A_4 : vector<2000x1xf32>
    %rsqrt3A = math.rsqrt %add3A_5 : vector<2000x1xf32>
    %get3A_6 = arith.constant 0 : index
    %get3A_7 = arith.constant 0 : index
    %get3A_8 = arith.constant 0 : index
    %get3A_9 = vector.load %arg1[%get3A_6, %get3A_7, %get3A_8] : memref<1x2000x48xf32, #tpu.memory_space<vmem>>, vector<1x2000x48xf32>
    %get3A_10 = vector.shape_cast %get3A_9 : vector<1x2000x48xf32> to vector<2000x48xf32>
    %get3A_11 = arith.constant 0 : index
    %get3A_12 = arith.constant 0 : index
    %get3A_13 = arith.constant 0 : index
    %get3A_14 = vector.load %arg2[%get3A_11, %get3A_12, %get3A_13] : memref<1x2000x48xf32, #tpu.memory_space<vmem>>, vector<1x2000x48xf32>
    %get3A_15 = vector.shape_cast %get3A_14 : vector<1x2000x48xf32> to vector<2000x48xf32>
    %add3A_16 = arith.addf %get3A_10, %get3A_15 : vector<2000x48xf32>
    %get3A_17 = arith.constant 0 : index
    %get3A_18 = arith.constant 0 : index
    %get3A_19 = vector.load %arg3[%get3A_17, %get3A_18] : memref<2000x48xf32, #tpu.memory_space<vmem>>, vector<2000x48xf32>
    %add3A_20 = arith.addf %add3A_16, %get3A_19 : vector<2000x48xf32>
    %mul3A = vector.broadcast %rsqrt3A : vector<2000x1xf32> to vector<2000x48xf32>
    %mul3A_21 = arith.mulf %mul3A, %add3A_20 : vector<2000x48xf32>
    %get3A_22 = arith.constant 0 : index
    %get3A_23 = arith.constant 0 : index
    %get3A_24 = vector.load %arg5[%get3A_22, %get3A_23] : memref<1x48xf32, #tpu.memory_space<vmem>>, vector<1x48xf32>
    %add3A_25 = vector.broadcast %get3A_24 : vector<1x48xf32> to vector<2000x48xf32>
    %add3A_26 = arith.addf %mul3A_21, %add3A_25 : vector<2000x48xf32>
    %iota3A = tpu.iota {dimensions = array<i32: 1>} : vector<2000x48xi32>
    %lt3A = arith.constant 40 : i32
    %lt3A_27 = vector.broadcast %lt3A : i32 to vector<2000x48xi32>
    %lt3A_28 = arith.cmpi slt, %iota3A, %lt3A_27 : vector<2000x48xi32>
    %jit3A = arith.constant 0xFF800000 : f32
    %broadcast_in_dim3A = vector.broadcast %jit3A : f32 to vector<2000x48xf32>
    %select_n3A = arith.select %lt3A_28, %add3A_26, %broadcast_in_dim3A : vector<2000x48xi1>, vector<2000x48xf32>
    %reduce_max3A = arith.constant dense<0xFF800000> : vector<2000xf32>
    %reduce_max3A_29 = vector.multi_reduction <maximumf>, %select_n3A, %reduce_max3A [1] : vector<2000x48xf32> to vector<2000xf32>
    %broadcast_in_dim3A_30 = vector.shape_cast %reduce_max3A_29 : vector<2000xf32> to vector<2000x1xf32>
    %sub3A = vector.broadcast %broadcast_in_dim3A_30 : vector<2000x1xf32> to vector<2000x48xf32>
    %sub3A_31 = arith.subf %add3A_26, %sub3A : vector<2000x48xf32>
    %exp3A = math.exp %sub3A_31 : vector<2000x48xf32>
    %jit3A_32 = arith.constant 0.000000e+00 : f32
    %broadcast_in_dim3A_33 = vector.broadcast %jit3A_32 : f32 to vector<2000x48xf32>
    %select_n3A_34 = arith.select %lt3A_28, %exp3A, %broadcast_in_dim3A_33 : vector<2000x48xi1>, vector<2000x48xf32>
    %reduce_sum3A = arith.constant dense<0.000000e+00> : vector<2000xf32>
    %reduce_sum3A_35 = vector.multi_reduction <add>, %select_n3A_34, %reduce_sum3A [1] : vector<2000x48xf32> to vector<2000xf32>
    %broadcast_in_dim3A_36 = vector.shape_cast %reduce_sum3A_35 : vector<2000xf32> to vector<2000x1xf32>
    %log3A = math.log %broadcast_in_dim3A_36 : vector<2000x1xf32>
    %sub3A_37 = vector.broadcast %broadcast_in_dim3A_30 : vector<2000x1xf32> to vector<2000x48xf32>
    %sub3A_38 = arith.subf %add3A_26, %sub3A_37 : vector<2000x48xf32>
    %sub3A_39 = vector.broadcast %log3A : vector<2000x1xf32> to vector<2000x48xf32>
    %sub3A_40 = arith.subf %sub3A_38, %sub3A_39 : vector<2000x48xf32>
    %slice3A_41 = vector.extract_strided_slice %sub3A_40 {offsets = [0, 0], sizes = [2000, 40], strides = [1, 1]} : vector<2000x48xf32> to vector<2000x40xf32>
    %swap3A = arith.constant 0 : index
    %swap3A_42 = arith.constant 0 : index
    %swap3A_43 = vector.load %arg6[%swap3A, %swap3A_42] : memref<2000x40xf32, #tpu.memory_space<vmem>>, vector<2000x40xf32>
    tpu.vector_store %arg6[%swap3A, %swap3A_42], %slice3A_41 {strides = array<i32>} : memref<2000x40xf32, #tpu.memory_space<vmem>>, vector<2000x40xf32>,
    return
  }
  func.func @transform_0(%arg0: i32) -> (i32, i32, i32) {
    %c0_i32 = arith.constant 0 : i32
    %c0_i32_0 = arith.constant 0 : i32
    %c0_i32_1 = arith.constant 0 : i32
    return %c0_i32, %arg0, %c0_i32_0 : i32, i32, i32
  }
  func.func @transform_1(%arg0: i32) -> (i32, i32, i32) {
    %c1_i32 = arith.constant 1 : i32
    %c0_i32 = arith.constant 0 : i32
    %c0_i32_0 = arith.constant 0 : i32
    return %c1_i32, %arg0, %c0_i32 : i32, i32, i32
  }
  func.func @transform_2(%arg0: i32) -> (i32, i32) {
    %c0_i32 = arith.constant 0 : i32
    %c0_i32_0 = arith.constant 0 : i32
    return %arg0, %c0_i32 : i32, i32
  }
  func.func @transform_3(%arg0: i32) -> (i32, i32) {
    %c0_i32 = arith.constant 0 : i32
    %c0_i32_0 = arith.constant 0 : i32
    return %arg0, %c0_i32 : i32, i32
  }
  func.func @transform_4(%arg0: i32) -> (i32, i32) {
    %c0_i32 = arith.constant 0 : i32
    %c0_i32_0 = arith.constant 0 : i32
    %c0_i32_1 = arith.constant 0 : i32
    return %c0_i32, %c0_i32_0 : i32, i32
  }
  func.func @transform_5(%arg0: i32) -> (i32, i32) {
    %c0_i32 = arith.constant 0 : i32
    %c0_i32_0 = arith.constant 0 : i32
    return %arg0, %c0_i32 : i32, i32
  }
}

</mosaic_0001>

<sc_bundles>
// kernel: kernel.11.cloned.1.call-start
scs
__scs_entry_jumppad:
0x0: {  	(pc) =	sbr.rel $0x88, $3  }
0x1: {  	(tag) =	ssettag $0x0;
	lr =	simm.s32 $0x1  }
0x2: {  	[smem:$0x3F9B] =	sst lr;
	_ =	strace $0xD0000000  }
0x3: {  	_ = 	snop  }
0x4: {  	_ = 	snop  }
0x5: {  	_ = 	snop  }
0x6: {  	_ = 	snop  }
0x7: {  	_ = 	snop  }
__scs_overlays_trampoline_lowered:
0x8: {  	[smem:$0x3FAA] =	sst s0  }
0x9: {  	[smem:$0x3FAB] =	sst s1  }
0xa: {  	[smem:$0x3FAC] =	sst s2  }
0xb: {  	[smem:$0x3FAD] =	sst s3  }
0xc: {  	[smem:$0x3FAE] =	sst s4  }
0xd: {  	[smem:$0x3FAF] =	sst s5  }
0xe: {  	[smem:$0x3FB0] =	sst s6  }
0xf: {  	[smem:$0x3FB1] =	sst s7  }
0x10: {  	[smem:$0x3FB2] =	sst s8  }
0x11: {  	[smem:$0x3FB3] =	sst s9;
	s0 =	simm.s32 @!p0 $0x0  }
0x12: {  	s1 =	sld [smem:$0x3F99];
	s0 =	simm.s32 @p0 $0x1  }
0x13: {  	[smem:$0x3FB4] =	sst s0;
	s0 =	simm.s32 @!p1 $0x0  }
0x14: {  	s2 =	sld [smem:$0x3F98];
	s0 =	simm.s32 @p1 $0x1  }
0x15: {  	[smem:$0x3FB5] =	sst s0;
	s0 =	simm.s32 @!p2 $0x0  }
0x16: {  	s3 =	sld [smem:$0x3FDB];
	s0 =	simm.s32 @p2 $0x1  }
0x17: {  	s4 =	simm.s32 $0x1BF5;
	[smem:$0x3FB7] =	sst s0  }
0x18: {  	s0 =	sld [smem:$0x3F9A];
	_ =	swait.ge [sflag:s4], $0x0  }
0x19: {  	s7 =	sld [smem:$0x3F9B]  }
0x1a: {  	s8 =	sadd.s32 $0xFFFFE003, lr  }
0x1b: {  	s9 =	sadd.s32 $0xFFFFFEF7, lr;
	s5 =	simm.s32 $0xFFFFFFFF;
	p2 =	slt.u32 s8, $0xFFFFF086  }
0x1c: {  	p1 =	slt.u32 s9, $0xF7A;
	s5 =	simm.s32 @!p2 $0x0  }
0x1d: {  	s5 =	simm.s32 @p1 $0x1;
	p0 =	seq.s32 s7, s2  }
0x1e: {  	s7 =	smul.u32 @!p0 $0xF7A, s2;
	p2 =	seq.s32 @!p0 s5, $0x0  }
0x1f: {  	s9 =	smul.u32 $0xF7A, s1;
	s8 =	simm.s32 @!p0 $0x1BF5;
	p2 =	por !p2, p0  }
0x20: {  	[sflag:s8] =	ssyncset.s32 @!p0 $0xFFFFF086;
	s6 =	sadd.s32 @!p0 s3, s7;
	s7 =	simm.s32 @!p0 $0x108  }
0x21: {  	s3 =	sadd.s32 s3, s9;
	s6 =	sadd.s32 @!p0 $0x88, s6;
	s7 =	simm.s32 @p2 $0x1082  }
0x22: {  	[simem:s7], [sflag:s8] =	dma.local @!p0 [hbm:s6], $0xF7A  }
0x23: {  	s9 =	sor.u32 $0xD0000000, s2;
	s6 =	simm.s32 $0x108;
	_ =	swait.ge @!p0 [sflag:s8], $0x0  }
0x24: {  	s3 =	sadd.s32 $0x88, s3;
	s6 =	simm.s32 @!p1 $0x1082;
	[sflag:s4] =	ssyncset.s32 $0xFFFFF086  }
0x25: {  	[simem:s6], [sflag:s4] =	dma.local [hbm:s3], $0xF7A  }
0x26: {  	[smem:$0x3F9B] =	sst s1;
	(tag) =	ssettag s2;
	_ =	strace s9  }
0x27: {  	s1 =	sld [smem:$0x3FAB]  }
0x28: {  	s2 =	sld [smem:$0x3FAC]  }
0x29: {  	s4 =	sld [smem:$0x3FAE]  }
0x2a: {  	p0 =	seq.s32 s5, $0x0;
	s5 =	sld [smem:$0x3FAF]  }
0x2b: {  	s6 =	sld [smem:$0x3FB0]  }
0x2c: {  	s7 =	sld [smem:$0x3FB1]  }
0x2d: {  	s3 =	simm.s32 $0x108;
	s8 =	sld [smem:$0x3FB2]  }
0x2e: {  	s3 =	simm.s32 @!p0 $0x1082;
	s9 =	sld [smem:$0x3FB3]  }
0x2f: {  	lr =	sadd.s32 s0, s3;
	s0 =	sld [smem:$0x3FAA]  }
0x30: {  	s3 =	sld [smem:$0x3FAD]  }
0x31: {  	[smem:$0x3FB6] =	sst s10  }
0x32: {  	s10 =	sld [smem:$0x3FB4];
	_ =	sdelay $0x3  }
0x33: {  	p0 =	seq.s32 s10, $0x1;
	s10 =	sld [smem:$0x3FB6];
	_ =	sdelay $0x3  }
0x34: {  	[smem:$0x3FB6] =	sst s10  }
0x35: {  	s10 =	sld [smem:$0x3FB5];
	_ =	sdelay $0x3  }
0x36: {  	p1 =	seq.s32 s10, $0x1;
	s10 =	sld [smem:$0x3FB6];
	_ =	sdelay $0x3  }
0x37: {  	[smem:$0x3FB6] =	sst s10  }
0x38: {  	s10 =	sld [smem:$0x3FB7]  }
0x39: {  	_ = 	snop;
	(pc) =	sbr.ind lr, $3  }
0x3a: {  	_ = 	snop  }
0x3b: {  	_ = 	snop  }
0x3c: {  	p2 =	seq.s32 s10, $0x1;
	s10 =	sld [smem:$0x3FB6]  }
0x3d: {  	_ =	shalt  }
0x3e: {  	_ =	shalt  }
0x3f: {  	_ =	shalt  }
0x40: {  	_ =	shalt  }
0x41: {  	_ =	shalt  }
0x42: {  	_ =	shalt  }
0x43: {  	_ =	shalt  }
0x44: {  	_ =	shalt  }
0x45: {  	_ =	shalt  }
0x46: {  	_ =	shalt  }
0x47: {  	_ =	shalt  }
0x48: {  	_ =	shalt  }
0x49: {  	_ =	shalt  }
0x4a: {  	_ =	shalt  }
0x4b: {  	_ =	shalt  }
0x4c: {  	_ =	shalt  }
0x4d: {  	_ =	shalt  }
0x4e: {  	_ =	shalt  }
0x4f: {  	_ =	shalt  }
0x50: {  	_ =	shalt  }
0x51: {  	_ =	shalt  }
0x52: {  	_ =	shalt  }
0x53: {  	_ =	shalt  }
0x54: {  	_ =	shalt  }
0x55: {  	_ =	shalt  }
0x56: {  	_ =	shalt  }
0x57: {  	_ =	shalt  }
0x58: {  	_ =	shalt  }
0x59: {  	_ =	shalt  }
0x5a: {  	_ =	shalt  }
0x5b: {  	_ =	shalt  }
0x5c: {  	_ =	shalt  }
0x5d: {  	_ =	shalt  }
0x5e: {  	_ =	shalt  }
0x5f: {  	_ =	shalt  }
0x60: {  	_ =	shalt  }
0x61: {  	_ =	shalt  }
0x62: {  	_ =	shalt  }
0x63: {  	_ =	shalt  }
0x64: {  	_ =	shalt  }
0x65: {  	_ =	shalt  }
0x66: {  	_ =	shalt  }
0x67: {  	_ =	shalt  }
0x68: {  	_ =	shalt  }
0x69: {  	_ =	shalt  }
0x6a: {  	_ =	shalt  }
0x6b: {  	_ =	shalt  }
0x6c: {  	_ =	shalt  }
0x6d: {  	_ =	shalt  }
0x6e: {  	_ =	shalt  }
0x6f: {  	_ =	shalt  }
0x70: {  	_ =	shalt  }
0x71: {  	_ =	shalt  }
0x72: {  	_ =	shalt  }
0x73: {  	_ =	shalt  }
0x74: {  	_ =	shalt  }
0x75: {  	_ =	shalt  }
0x76: {  	_ =	shalt  }
0x77: {  	_ =	shalt  }
0x78: {  	_ =	shalt  }
0x79: {  	_ =	shalt  }
0x7a: {  	_ =	shalt  }
0x7b: {  	_ =	shalt  }
0x7c: {  	_ =	shalt  }
0x7d: {  	_ =	shalt  }
0x7e: {  	_ =	shalt  }
0x7f: {  	_ =	shalt  }
0x80: {  	_ =	shalt  }
0x81: {  	_ =	shalt  }
0x82: {  	_ =	shalt  }
0x83: {  	_ =	shalt  }
0x84: {  	_ =	shalt  }
0x85: {  	_ =	shalt  }
0x86: {  	_ =	shalt  }
0x87: {  	_ =	shalt  }
.Lfunc_end0:
.L_simem_size_0:
called_computation.1_lowered:
.L_overlay_start_0:
0x88: {  	s2 =	sld [smem:$0x3FD9]  }
0x89: {  	s3 =	sld [smem:$0x3FFE];
	_ =	sdelay $0x1  }
0x8a: {  	s1 =	srdreg.scid  }
0x8b: {  	s0 =	sand.u32 $0x1, s1  }
0x8c: {  	s16 =	sshll.u32 s0, $0xA;
	s2 =	sadd.s32 s3, s2  }
0x8d: {  	s2 =	sadd.s32 s2, s16  }
0x8e: {  	[smem:$0x3FC2] =	sst s2  }
0x8f: {  	_ = 	snop  }
0x90: {  	(tm) =	ssettm $0x1  }
0x91: {  	s17 =	sld [smem:$0x3FFB];
	_ =	sdelay $0x3  }
0x92: {  	_ =	strace s17  }
0x93: {  	s2 =	sld [smem:$0x3FFC];
	_ =	sdelay $0x3  }
0x94: {  	_ =	strace s2  }
0x95: {  	s2 =	sld [smem:$0x3FFD];
	_ =	sdelay $0x3  }
0x96: {  	_ =	strace s2  }
0x97: {  	_ =	strace $0x8FFFFFFF  }
0x98: {  	s18 =	sld [smem:$0x3FDB];
	_ =	sdelay $0x1  }
0x99: {  	s19 =	simm.s32 $_scs_section_size  }
0x9a: {  	s4 =	simm.s32 $_size__tile_overlayer_lowered;
	s5 =	simm.s32 $_tile_overlayer_lowered  }
0x9b: {  	s22 =	simm.s32 $0x1BFF;
	s21 =	sshll.u32 s5, $0x1;
	s2 =	sadd.s32 s19, s18  }
0x9c: {  	s6 =	simm.s32 $0x0;
	s20 =	sshll.u32 s4, $0x1;
	s4 =	sadd.s32 s21, s2  }
0x9d: {  	[timem:s6], [sflag:s22] =	dma.local [hbm:s4], s20  }
0x9e: {  	_ =	swait.ge [sflag:s22], s20  }
0x9f: {  	s3 =	ssub.s32 $0x0, s20;
	[sflag:s22] =	ssyncset.done $0x0  }
0xa0: {  	[sflag:s22] =	ssyncadd.s32 s3;
	_ =	sdelay $0x1  }
0xa1: {  	s23 =	simm.s32 $0x1B8B  }
0xa2: {  	_ =	swait.ge [sflag:s23], $0x1  }
0xa3: {  	[sflag:s23] =	ssyncset.done $0x0  }
0xa4: {  	s25 =	simm.s32 $0x1B8E;
	s24 =	sld [smem:$0x3FFE];
	[sflag:s23] =	ssyncadd.s32 $0xFFFFFFFF  }
0xa5: {  	s26 =	simm.s32 $execute0_lowered;
	[smem:$0x3FD2] =	sst s25  }
0xa6: {  	s4 =	sshll.u32 s26, $0x1;
	_ =	strace $0x80000049;
	[dreg:$0x1] =	wrdreg $0xFFFFFFFF  }
0xa7: {  	s28 =	simm.s32 $_size_execute0_lowered;
	s2 =	sadd.s32 s2, s4;
	[dreg:$0x0] =	wrdreg $0x0  }
0xa8: {  	s4 =	sshll.u32 s28, $0x1;
	[dreg:$0x2] =	wrdreg s2  }
0xa9: {  	[dreg:$0x3] =	wrdreg s4  }
0xaa: {  	[dreg:$0x4] =	wrdreg $0xC0  }
0xab: {  	_ =	task [dreg:s6], $0x5FFFF  }
0xac: {  	[dreg:$0x1] =	wrdreg $0xFFFFFFFF  }
0xad: {  	[dreg:$0x0] =	wrdreg $0x60  }
0xae: {  	[dreg:$0x2] =	wrdreg s24  }
0xaf: {  	[dreg:$0x3] =	wrdreg $0x15C400  }
0xb0: {  	[dreg:$0x4] =	wrdreg $0x9  }
0xb1: {  	_ =	task.clear_ibuf [dreg:s6], $0x5FFFF;
	_ =	strace $0x90000049  }
0xb2: {  	s29 =	simm.s32 $0x9;
	_ =	strace $0x8000004B  }
0xb3: {  	_ =	swait.ge [sflag:s29], $0x1  }
0xb4: {  	[sflag:s29] =	ssyncadd.s32 $0xFFFFFFFF  }
0xb5: {  	_ =	strace $0x9000004B  }
0xb6: {  	_ =	sfence  }
0xb7: {  	s30 =	sld [smem:$0x0];
	_ =	sdelay $0x2  }
0xb8: {  	s31 =	sshll.u32 s1, $0xD;
	s1 =	sshrl.u32 s1, $0x2  }
0xb9: {  	s3 =	sand.u32 $0x4000, s31;
	s1 =	sadd.s32 s1, s30  }
0xba: {  	s0 =	sor.u32 s3, s0;
	s1 =	sshll.u32 s1, $0x11  }
0xbb: {  	s0 =	sor.u32 s1, s0  }
0xbc: {  	s0 =	sadd.s32 $0x8F2B, s0  }
0xbd: {  	[sflag:s0] =	ssyncadd.remote.s32 $0x1  }
0xbe: {  	_ =	sfence.sel $0xFFFF  }
0xbf: {  	[dreg:$0x0] =	wrdreg $0xFFFFFFFF;
	(pc) =	sbr.abs _section_cstart, $3  }
0xc0: {  	[dreg:$0x1] =	wrdreg $0xFFFFFFFF  }
0xc1: {  	_ =	task.clear_ibuf [dreg:s6], $0x2FFFF;
	_ =	strace $0x9FFFFFFF  }
0xc2: {  	(tm) =	ssettm $0x7FFFFFFF  }
0xc3: {  	_ =	shalt  }
tec
execute0_lowered:
.L_overlay_start_1:
0x0: {  	(tag) =	ssettag $0x1  }
0x1: {  	s0 =	rddreg [dreg:$0x0]  }
0x2: {  	s2 =	rddreg [dreg:$0x1]  }
0x3: {  	s9 =	stileid.u32;
	s3 =	simm.s32 $0x0;
	s4 =	srdreg.scid  }
0x4: {  	s16 =	simm.s32 $0x6;
	s17 =	simm.s32 $0x13C40;
	s18 =	simm.s32 $0x7  }
0x5: {  	s19 =	simm.s32 $0x7D;
	s20 =	simm.s32 $0xA000;
	s22 =	simm.s32 $0xBF40  }
0x6: {  	s24 =	simm.s32 $0xDE80;
	s26 =	simm.s32 $0xFDC0;
	s29 =	simm.s32 $0x11D00  }
0x7: {  	s30 =	simm.s32 $0x1;
	s31 =	simm.s32 $0x2;
	s15 =	simm.s32 $0x4  }
0x8: {  	s21 =	simm.s32 $0x5;
	s25 =	simm.s32 $0x0;
	s1 =	smul.u32 $0x5000, s9  }
0x9: {  	[smem:$0x7FF] =	sst s3;
	s13 =	sand.u32 $0x1, s4;
	s8 =	smul.u32 $0xA000, s9  }
0xa: {  	s4 =	sadd.s32 $0x29800, s0;
	s5 =	sadd.s32 $0x15E00, s0;
	s9 =	smul.u32 $0x28000, s9  }
0xb: {  	_ =	strace $0x8000004A;
	s6 =	smul.u32 $0xA0000, s13;
	s7 =	ssub.s32 $0x2, s13  }
0xc: {  	p0 =	seq.s32 s13, $0x1;
	s1 =	sshrl.u32 s1, $0x3;
	s10 =	sshrl.u32 s7, $0x1  }
0xd: {  	s9 =	sshrl.u32 s9, $0x2;
	s6 =	sadd.s32 s8, s6;
	s1 =	sadd.s32 s1, s0  }
.Ltmp0:
0xe: {  	s14 =	ssub.s32 s7, s10;
	s28 =	sadd.s32 s9, s2;
	(pc) =	sbr.rel .LBB2_1-.Ltmp0, $4  }
0xf: {  	s8 =	sadd.s32 s8, s2;
	s6 =	sshrl.u32 s6, $0x3;
	s7 =	sadd.s32 $0xBE00, s1  }
0x10: {  	s9 =	sadd.s32 $0x2000, s28;
	s10 =	sadd.s32 $0x4000, s28;
	s11 =	sadd.s32 $0x6000, s28  }
0x11: {  	s12 =	sadd.s32 $0x8000, s28;
	s14 =	smax.u32 s14, $0x1;
	s0 =	sadd.s32 s6, s0  }
0x12: {  	v0 =	vimm.f32 $0.0e+00;
	s6 =	sadd.s32 $0x1E00, s1;
	s13 =	sadd.s32 $0x3D200, s0;
	s0 =	simm.s32 $0x3  }
.LBB2_6:
0x13: {  	[tilespmem:s29], [sflag:$0x5] =	stream.indirect.gather [hbm4b:s4+s19], $0x40, s1, s19, $0xb8;
	[tilespmem:$0x1FC40] =	vst v63  }
.LBB2_10:
0x14: {  	_ =	swait.ge [sflag:s30], $0x1F40  }
0x15: {  	[sflag:s30] =	ssyncset.done $0x0  }
0x16: {  	s1 =	simm.s32 $0x9D80;
	[sflag:s30] =	ssyncadd.s32 $0xFFFFE0C0  }
0x17: {  	[spmem:s2] =	stream.indirect.scatter.add.f32 [tilespmem:s20], [sflag:$0x7], $0x40, s1, s19, $0xb8;
	[tilespmem:$0x1FC40] =	vst v63  }
0x18: {  	_ =	swait.ge [sflag:s18], $0x1F40  }
0x19: {  	[sflag:s18] =	ssyncset.done $0x0  }
0x1a: {  	[sflag:s18] =	ssyncadd.s32 $0xFFFFE0C0  }
0x1b: {  	_ =	swait.ge [sflag:s31], $0x1F40  }
0x1c: {  	[sflag:s31] =	ssyncset.done $0x0  }
0x1d: {  	s28 =	simm.s32 $0x9E00;
	[sflag:s31] =	ssyncadd.s32 $0xFFFFE0C0  }
0x1e: {  	[spmem:s2] =	stream.indirect.scatter.add.f32 [tilespmem:s22], [sflag:$0x7], $0x40, s28, s19, $0xb8;
	[tilespmem:$0x1FC40] =	vst v63  }
0x1f: {  	_ =	swait.ge [sflag:s18], $0x1F40  }
0x20: {  	[sflag:s18] =	ssyncset.done $0x0  }
0x21: {  	[sflag:s18] =	ssyncadd.s32 $0xFFFFE0C0  }
0x22: {  	_ =	swait.ge [sflag:s0], $0x1F40  }
0x23: {  	[sflag:s0] =	ssyncset.done $0x0  }
0x24: {  	s23 =	simm.s32 $0x9E80;
	[sflag:s0] =	ssyncadd.s32 $0xFFFFE0C0  }
0x25: {  	[spmem:s2] =	stream.indirect.scatter.add.f32 [tilespmem:s24], [sflag:$0x7], $0x40, s23, s19, $0xb8;
	[tilespmem:$0x1FC40] =	vst v63  }
0x26: {  	_ =	swait.ge [sflag:s18], $0x1F40  }
0x27: {  	[sflag:s18] =	ssyncset.done $0x0  }
0x28: {  	[sflag:s18] =	ssyncadd.s32 $0xFFFFE0C0  }
0x29: {  	_ =	swait.ge [sflag:s15], $0x1F40  }
0x2a: {  	[sflag:s15] =	ssyncset.done $0x0  }
0x2b: {  	s28 =	simm.s32 $0x9F00;
	[sflag:s15] =	ssyncadd.s32 $0xFFFFE0C0  }
0x2c: {  	[spmem:s2] =	stream.indirect.scatter.add.f32 [tilespmem:s26], [sflag:$0x7], $0x40, s28, s19, $0xb8;
	[tilespmem:$0x1FC40] =	vst v63  }
0x2d: {  	_ =	swait.ge [sflag:s18], $0x1F40  }
0x2e: {  	[sflag:s18] =	ssyncset.done $0x0  }
0x2f: {  	[sflag:s18] =	ssyncadd.s32 $0xFFFFE0C0  }
0x30: {  	_ =	swait.ge [sflag:s21], $0x1F40  }
0x31: {  	[sflag:s21] =	ssyncset.done $0x0  }
0x32: {  	s23 =	simm.s32 $0x9F80;
	[sflag:s21] =	ssyncadd.s32 $0xFFFFE0C0  }
0x33: {  	[spmem:s2] =	stream.indirect.scatter.add.f32 [tilespmem:s29], [sflag:$0x7], $0x40, s23, s19, $0xb8;
	[tilespmem:$0x1FC40] =	vst v63  }
0x34: {  	s28 =	stileid.u32;
	_ =	swait.ge [sflag:s18], $0x1F40  }
0x35: {  	s25 =	sadd.s32 $0x1, s25;
	s1 =	sshll.u32 s28, $0x6;
	[sflag:s18] =	ssyncset.done $0x0  }
0x36: {  	p1 =	sne.s32 s25, s14;
	s1 =	sor.u32 $0x1C07, s1;
	[sflag:s18] =	ssyncadd.s32 $0xFFFFE0C0  }
.Ltmp1:
0x37: {  	s23 =	sshrl.u32 s8, $0x3;
	[bflag:$0x0] =	sbarrier.arrive $0xFFFF;
	(pc) =	sbr.rel @!p1 .LBB2_11-.Ltmp1, $4  }
0x38: {  	[hbm:s13], [sflag:s1] =	dma.local [spmem:s23], $0x1400  }
0x39: {  	_ =	swait.ge [sflag:s18], $0x1400  }
0x3a: {  	[sflag:s18] =	ssyncset.done $0x0  }
0x3b: {  	[sflag:s18] =	ssyncadd.s32 $0xFFFFEC00  }
.LBB2_1:
0x3c: {  	[tilespmem:s3], [sflag:$0x6] =	stream.linear.gather [hbm4b:s6+s3], $0x5000, $0x38;
	[tilespmem:$0x1FC40] =	vst v63  }
0x3d: {  	s1 =	simm.s32 $0x5000  }
0x3e: {  	[tilespmem:s1], [sflag:$0x6] =	stream.linear.gather [hbm4b:s7+s3], $0x5000, $0x38;
	[tilespmem:$0x1FC40] =	vst v63  }
0x3f: {  	s28 =	simm.s32 $0x100;
	s1 =	simm.s32 $0x0  }
.LBB2_2:
0x40: {  	p1 =	sne.s32 s28, $0x7F00;
	[tilespmem:s1+$0x13C70] =	vst v0;
	s23 =	smov.u32 s28;
	s28 =	sadd.s32 $0x100, s28  }
.Ltmp2:
0x41: {  	[tilespmem:s1+$0x13C60] =	vst v0;
	(pc) =	sbr.rel @p1 .LBB2_2-.Ltmp2, $3  }
0x42: {  	[tilespmem:s1+$0x13C40] =	vst v0  }
0x43: {  	[tilespmem:s1+$0x13C50] =	vst v0;
	_ =	sdelay $0x1  }
0x44: {  	s1 =	sshra.s32 s23, $0x2  }
0x45: {  	[tilespmem:s1+$0x13C70] =	vst v0  }
0x46: {  	[tilespmem:s1+$0x13C60] =	vst v0  }
0x47: {  	[tilespmem:s1+$0x13C40] =	vst v0  }
0x48: {  	[tilespmem:s1+$0x13C50] =	vst v0  }
0x49: {  	_ =	swait.ge [sflag:s16], $0x5000  }
0x4a: {  	[sflag:s16] =	ssyncset.done $0x0  }
0x4b: {  	[sflag:s16] =	ssyncadd.s32 $0xFFFFB000  }
0x4c: {  	_ =	swait.ge [sflag:s16], $0x5000  }
0x4d: {  	[sflag:s16] =	ssyncset.done $0x0  }
0x4e: {  	[sflag:s16] =	ssyncadd.s32 $0xFFFFB000  }
0x4f: {  	[spmem:s8] =	stream.linear.scatter [tilespmem:s17], [sflag:$0x7], $0x2000, $0x38;
	[tilespmem:$0x1FC40] =	vst v63  }
0x50: {  	_ =	swait.ge [sflag:s18], $0x2000  }
0x51: {  	[sflag:s18] =	ssyncset.done $0x0  }
0x52: {  	[sflag:s18] =	ssyncadd.s32 $0xFFFFE000  }
0x53: {  	[spmem:s9] =	stream.linear.scatter [tilespmem:s17], [sflag:$0x7], $0x2000, $0x38;
	[tilespmem:$0x1FC40] =	vst v63  }
0x54: {  	_ =	swait.ge [sflag:s18], $0x2000  }
0x55: {  	[sflag:s18] =	ssyncset.done $0x0  }
0x56: {  	[sflag:s18] =	ssyncadd.s32 $0xFFFFE000  }
0x57: {  	[spmem:s10] =	stream.linear.scatter [tilespmem:s17], [sflag:$0x7], $0x2000, $0x38;
	[tilespmem:$0x1FC40] =	vst v63  }
0x58: {  	_ =	swait.ge [sflag:s18], $0x2000  }
0x59: {  	[sflag:s18] =	ssyncset.done $0x0  }
0x5a: {  	[sflag:s18] =	ssyncadd.s32 $0xFFFFE000  }
0x5b: {  	[spmem:s11] =	stream.linear.scatter [tilespmem:s17], [sflag:$0x7], $0x2000, $0x38;
	[tilespmem:$0x1FC40] =	vst v63  }
0x5c: {  	_ =	swait.ge [sflag:s18], $0x2000  }
0x5d: {  	[sflag:s18] =	ssyncset.done $0x0  }
0x5e: {  	[sflag:s18] =	ssyncadd.s32 $0xFFFFE000  }
0x5f: {  	[spmem:s12] =	stream.linear.scatter [tilespmem:s17], [sflag:$0x7], $0x2000, $0x38;
	[tilespmem:$0x1FC40] =	vst v63  }
.Ltmp3:
0x60: {  	_ =	swait.ge [sflag:s18], $0x2000;
	(pc) =	sbr.rel @!p0 .LBB2_4-.Ltmp3, $4  }
0x61: {  	[sflag:s18] =	ssyncset.done $0x0  }
0x62: {  	[sflag:s18] =	ssyncadd.s32 $0xFFFFE000  }
0x63: {  	[bflag:$0x0] =	sbarrier.arrive $0xFFFF  }
0x64: {  	s1 =	simm.s32 $0x0  }
0x65: {  	[tilespmem:s20], [sflag:$0x1] =	stream.indirect.gather [hbm4b:s5+s19], $0x40, s1, s19, $0xb8;
	[tilespmem:$0x1FC40] =	vst v63  }
0x66: {  	s23 =	simm.s32 $0x80  }
0x67: {  	[tilespmem:s22], [sflag:$0x2] =	stream.indirect.gather [hbm4b:s5+s19], $0x40, s23, s19, $0xb8;
	[tilespmem:$0x1FC40] =	vst v63  }
0x68: {  	s23 =	simm.s32 $0x100  }
0x69: {  	[tilespmem:s24], [sflag:$0x3] =	stream.indirect.gather [hbm4b:s5+s19], $0x40, s23, s19, $0xb8;
	[tilespmem:$0x1FC40] =	vst v63  }
0x6a: {  	s23 =	simm.s32 $0x180  }
0x6b: {  	[tilespmem:s26], [sflag:$0x4] =	stream.indirect.gather [hbm4b:s5+s19], $0x40, s23, s19, $0xb8;
	[tilespmem:$0x1FC40] =	vst v63  }
0x6c: {  	s23 =	simm.s32 $0x200  }
0x6d: {  	[tilespmem:s29], [sflag:$0x5] =	stream.indirect.gather [hbm4b:s5+s19], $0x40, s23, s19, $0xb8;
	[tilespmem:$0x1FC40] =	vst v63  }
0x6e: {  	_ =	swait.ge [sflag:s30], $0x1F40  }
0x6f: {  	[sflag:s30] =	ssyncset.done $0x0  }
0x70: {  	s23 =	simm.s32 $0x5000;
	[sflag:s30] =	ssyncadd.s32 $0xFFFFE0C0  }
0x71: {  	[spmem:s2] =	stream.indirect.scatter.add.f32 [tilespmem:s20], [sflag:$0x7], $0x40, s23, s19, $0xb8;
	[tilespmem:$0x1FC40] =	vst v63  }
0x72: {  	_ =	swait.ge [sflag:s18], $0x1F40  }
0x73: {  	[sflag:s18] =	ssyncset.done $0x0  }
0x74: {  	s23 =	simm.s32 $0x280;
	[sflag:s18] =	ssyncadd.s32 $0xFFFFE0C0  }
0x75: {  	[tilespmem:s20], [sflag:$0x1] =	stream.indirect.gather [hbm4b:s5+s19], $0x40, s23, s19, $0xb8;
	[tilespmem:$0x1FC40] =	vst v63  }
0x76: {  	_ =	swait.ge [sflag:s31], $0x1F40  }
0x77: {  	[sflag:s31] =	ssyncset.done $0x0  }
0x78: {  	s23 =	simm.s32 $0x5080;
	[sflag:s31] =	ssyncadd.s32 $0xFFFFE0C0  }
0x79: {  	[spmem:s2] =	stream.indirect.scatter.add.f32 [tilespmem:s22], [sflag:$0x7], $0x40, s23, s19, $0xb8;
	[tilespmem:$0x1FC40] =	vst v63  }
0x7a: {  	_ =	swait.ge [sflag:s18], $0x1F40  }
0x7b: {  	[sflag:s18] =	ssyncset.done $0x0  }
0x7c: {  	s23 =	simm.s32 $0x300;
	[sflag:s18] =	ssyncadd.s32 $0xFFFFE0C0  }
0x7d: {  	[tilespmem:s22], [sflag:$0x2] =	stream.indirect.gather [hbm4b:s5+s19], $0x40, s23, s19, $0xb8;
	[tilespmem:$0x1FC40] =	vst v63  }
0x7e: {  	_ =	swait.ge [sflag:s0], $0x1F40  }
0x7f: {  	[sflag:s0] =	ssyncset.done $0x0  }
0x80: {  	s23 =	simm.s32 $0x5100;
	[sflag:s0] =	ssyncadd.s32 $0xFFFFE0C0  }
0x81: {  	[spmem:s2] =	stream.indirect.scatter.add.f32 [tilespmem:s24], [sflag:$0x7], $0x40, s23, s19, $0xb8;
	[tilespmem:$0x1FC40] =	vst v63  }
0x82: {  	_ =	swait.ge [sflag:s18], $0x1F40  }
0x83: {  	[sflag:s18] =	ssyncset.done $0x0  }
0x84: {  	s23 =	simm.s32 $0x380;
	[sflag:s18] =	ssyncadd.s32 $0xFFFFE0C0  }
0x85: {  	[tilespmem:s24], [sflag:$0x3] =	stream.indirect.gather [hbm4b:s5+s19], $0x40, s23, s19, $0xb8;
	[tilespmem:$0x1FC40] =	vst v63  }
0x86: {  	_ =	swait.ge [sflag:s15], $0x1F40  }
0x87: {  	[sflag:s15] =	ssyncset.done $0x0  }
0x88: {  	s23 =	simm.s32 $0x5180;
	[sflag:s15] =	ssyncadd.s32 $0xFFFFE0C0  }
0x89: {  	[spmem:s2] =	stream.indirect.scatter.add.f32 [tilespmem:s26], [sflag:$0x7], $0x40, s23, s19, $0xb8;
	[tilespmem:$0x1FC40] =	vst v63  }
0x8a: {  	_ =	swait.ge [sflag:s18], $0x1F40  }
0x8b: {  	[sflag:s18] =	ssyncset.done $0x0  }
0x8c: {  	s23 =	simm.s32 $0x400;
	[sflag:s18] =	ssyncadd.s32 $0xFFFFE0C0  }
0x8d: {  	[tilespmem:s26], [sflag:$0x4] =	stream.indirect.gather [hbm4b:s5+s19], $0x40, s23, s19, $0xb8;
	[tilespmem:$0x1FC40] =	vst v63  }
0x8e: {  	_ =	swait.ge [sflag:s21], $0x1F40  }
0x8f: {  	[sflag:s21] =	ssyncset.done $0x0  }
0x90: {  	s23 =	simm.s32 $0x5200;
	[sflag:s21] =	ssyncadd.s32 $0xFFFFE0C0  }
0x91: {  	[spmem:s2] =	stream.indirect.scatter.add.f32 [tilespmem:s29], [sflag:$0x7], $0x40, s23, s19, $0xb8;
	[tilespmem:$0x1FC40] =	vst v63  }
0x92: {  	_ =	swait.ge [sflag:s18], $0x1F40  }
0x93: {  	[sflag:s18] =	ssyncset.done $0x0  }
0x94: {  	s28 =	simm.s32 $0xA00;
	s1 =	simm.s32 $0x480;
	[sflag:s18] =	ssyncadd.s32 $0xFFFFE0C0  }
.LBB2_8:
0x95: {  	[tilespmem:s29], [sflag:$0x5] =	stream.indirect.gather [hbm4b:s5+s19], $0x40, s1, s19, $0xb8;
	[tilespmem:$0x1FC40] =	vst v63  }
0x96: {  	s1 =	smov.u32 s28  }
0x97: {  	p1 =	sne.s32 s28, $0x12C00;
	s28 =	sadd.s32 $0xA00, s28;
	_ =	swait.ge [sflag:s30], $0x1F40  }
0x98: {  	s1 =	sshra.s32 s1, $0x2;
	[sflag:s30] =	ssyncset.done $0x0  }
0x99: {  	s23 =	sadd.s32 $0x5000, s1;
	[sflag:s30] =	ssyncadd.s32 $0xFFFFE0C0  }
0x9a: {  	[spmem:s2] =	stream.indirect.scatter.add.f32 [tilespmem:s20], [sflag:$0x7], $0x40, s23, s19, $0xb8;
	[tilespmem:$0x1FC40] =	vst v63  }
0x9b: {  	_ =	swait.ge [sflag:s18], $0x1F40  }
0x9c: {  	[sflag:s18] =	ssyncset.done $0x0  }
0x9d: {  	s23 =	sadd.s32 $0x280, s1;
	[sflag:s18] =	ssyncadd.s32 $0xFFFFE0C0  }
0x9e: {  	[tilespmem:s20], [sflag:$0x1] =	stream.indirect.gather [hbm4b:s5+s19], $0x40, s23, s19, $0xb8;
	[tilespmem:$0x1FC40] =	vst v63  }
0x9f: {  	_ =	swait.ge [sflag:s31], $0x1F40  }
0xa0: {  	[sflag:s31] =	ssyncset.done $0x0  }
0xa1: {  	s23 =	sadd.s32 $0x5080, s1;
	[sflag:s31] =	ssyncadd.s32 $0xFFFFE0C0  }
0xa2: {  	[spmem:s2] =	stream.indirect.scatter.add.f32 [tilespmem:s22], [sflag:$0x7], $0x40, s23, s19, $0xb8;
	[tilespmem:$0x1FC40] =	vst v63  }
0xa3: {  	_ =	swait.ge [sflag:s18], $0x1F40  }
0xa4: {  	[sflag:s18] =	ssyncset.done $0x0  }
0xa5: {  	s23 =	sadd.s32 $0x300, s1;
	[sflag:s18] =	ssyncadd.s32 $0xFFFFE0C0  }
0xa6: {  	[tilespmem:s22], [sflag:$0x2] =	stream.indirect.gather [hbm4b:s5+s19], $0x40, s23, s19, $0xb8;
	[tilespmem:$0x1FC40] =	vst v63  }
0xa7: {  	_ =	swait.ge [sflag:s0], $0x1F40  }
0xa8: {  	[sflag:s0] =	ssyncset.done $0x0  }
0xa9: {  	s23 =	sadd.s32 $0x5100, s1;
	[sflag:s0] =	ssyncadd.s32 $0xFFFFE0C0  }
0xaa: {  	[spmem:s2] =	stream.indirect.scatter.add.f32 [tilespmem:s24], [sflag:$0x7], $0x40, s23, s19, $0xb8;
	[tilespmem:$0x1FC40] =	vst v63  }
0xab: {  	_ =	swait.ge [sflag:s18], $0x1F40  }
0xac: {  	[sflag:s18] =	ssyncset.done $0x0  }
0xad: {  	s23 =	sadd.s32 $0x380, s1;
	[sflag:s18] =	ssyncadd.s32 $0xFFFFE0C0  }
0xae: {  	[tilespmem:s24], [sflag:$0x3] =	stream.indirect.gather [hbm4b:s5+s19], $0x40, s23, s19, $0xb8;
	[tilespmem:$0x1FC40] =	vst v63  }
0xaf: {  	_ =	swait.ge [sflag:s15], $0x1F40  }
0xb0: {  	[sflag:s15] =	ssyncset.done $0x0  }
0xb1: {  	s23 =	sadd.s32 $0x5180, s1;
	[sflag:s15] =	ssyncadd.s32 $0xFFFFE0C0  }
0xb2: {  	[spmem:s2] =	stream.indirect.scatter.add.f32 [tilespmem:s26], [sflag:$0x7], $0x40, s23, s19, $0xb8;
	[tilespmem:$0x1FC40] =	vst v63  }
0xb3: {  	_ =	swait.ge [sflag:s18], $0x1F40  }
0xb4: {  	[sflag:s18] =	ssyncset.done $0x0  }
0xb5: {  	s23 =	sadd.s32 $0x400, s1;
	[sflag:s18] =	ssyncadd.s32 $0xFFFFE0C0  }
0xb6: {  	[tilespmem:s26], [sflag:$0x4] =	stream.indirect.gather [hbm4b:s5+s19], $0x40, s23, s19, $0xb8;
	[tilespmem:$0x1FC40] =	vst v63  }
0xb7: {  	_ =	swait.ge [sflag:s21], $0x1F40  }
0xb8: {  	[sflag:s21] =	ssyncset.done $0x0  }
.Ltmp4:
0xb9: {  	s23 =	sadd.s32 $0x5200, s1;
	[sflag:s21] =	ssyncadd.s32 $0xFFFFE0C0;
	(pc) =	sbr.rel @p1 .LBB2_8-.Ltmp4, $4  }
0xba: {  	[spmem:s2] =	stream.indirect.scatter.add.f32 [tilespmem:s29], [sflag:$0x7], $0x40, s23, s19, $0xb8;
	[tilespmem:$0x1FC40] =	vst v63  }
0xbb: {  	_ =	swait.ge [sflag:s18], $0x1F40  }
0xbc: {  	[sflag:s18] =	ssyncset.done $0x0  }
0xbd: {  	s1 =	sadd.s32 $0x480, s1;
	[sflag:s18] =	ssyncadd.s32 $0xFFFFE0C0  }
.Ltmp5:
0xbe: {  	(pc) =	sbr.rel .LBB2_10-.Ltmp5, $2  }
0xbf: {  	_ =	sdelay $0x2  }
0xc0: {  	[tilespmem:s29], [sflag:$0x5] =	stream.indirect.gather [hbm4b:s5+s19], $0x40, s1, s19, $0xb8;
	[tilespmem:$0x1FC40] =	vst v63  }
.LBB2_4:
0xc1: {  	[tilespmem:s20], [sflag:$0x1] =	stream.indirect.gather [hbm4b:s4+s19], $0x40, s1, s19, $0xb8;
	[tilespmem:$0x1FC40] =	vst v63  }
0xc2: {  	s23 =	simm.s32 $0x80  }
0xc3: {  	[tilespmem:s22], [sflag:$0x2] =	stream.indirect.gather [hbm4b:s4+s19], $0x40, s23, s19, $0xb8;
	[tilespmem:$0x1FC40] =	vst v63  }
0xc4: {  	s23 =	simm.s32 $0x100  }
0xc5: {  	[tilespmem:s24], [sflag:$0x3] =	stream.indirect.gather [hbm4b:s4+s19], $0x40, s23, s19, $0xb8;
	[tilespmem:$0x1FC40] =	vst v63  }
0xc6: {  	s23 =	simm.s32 $0x180  }
0xc7: {  	[tilespmem:s26], [sflag:$0x4] =	stream.indirect.gather [hbm4b:s4+s19], $0x40, s23, s19, $0xb8;
	[tilespmem:$0x1FC40] =	vst v63  }
0xc8: {  	s23 =	simm.s32 $0x200  }
0xc9: {  	[tilespmem:s29], [sflag:$0x5] =	stream.indirect.gather [hbm4b:s4+s19], $0x40, s23, s19, $0xb8;
	[tilespmem:$0x1FC40] =	vst v63  }
0xca: {  	_ =	swait.ge [sflag:s30], $0x1F40  }
0xcb: {  	[sflag:s30] =	ssyncset.done $0x0  }
0xcc: {  	s23 =	simm.s32 $0x5000;
	[sflag:s30] =	ssyncadd.s32 $0xFFFFE0C0  }
0xcd: {  	[spmem:s2] =	stream.indirect.scatter.add.f32 [tilespmem:s20], [sflag:$0x7], $0x40, s23, s19, $0xb8;
	[tilespmem:$0x1FC40] =	vst v63  }
0xce: {  	_ =	swait.ge [sflag:s18], $0x1F40  }
0xcf: {  	[sflag:s18] =	ssyncset.done $0x0  }
0xd0: {  	s23 =	simm.s32 $0x280;
	[sflag:s18] =	ssyncadd.s32 $0xFFFFE0C0  }
0xd1: {  	[tilespmem:s20], [sflag:$0x1] =	stream.indirect.gather [hbm4b:s4+s19], $0x40, s23, s19, $0xb8;
	[tilespmem:$0x1FC40] =	vst v63  }
0xd2: {  	_ =	swait.ge [sflag:s31], $0x1F40  }
0xd3: {  	[sflag:s31] =	ssyncset.done $0x0  }
0xd4: {  	s23 =	simm.s32 $0x5080;
	[sflag:s31] =	ssyncadd.s32 $0xFFFFE0C0  }
0xd5: {  	[spmem:s2] =	stream.indirect.scatter.add.f32 [tilespmem:s22], [sflag:$0x7], $0x40, s23, s19, $0xb8;
	[tilespmem:$0x1FC40] =	vst v63  }
0xd6: {  	_ =	swait.ge [sflag:s18], $0x1F40  }
0xd7: {  	[sflag:s18] =	ssyncset.done $0x0  }
0xd8: {  	s23 =	simm.s32 $0x300;
	[sflag:s18] =	ssyncadd.s32 $0xFFFFE0C0  }
0xd9: {  	[tilespmem:s22], [sflag:$0x2] =	stream.indirect.gather [hbm4b:s4+s19], $0x40, s23, s19, $0xb8;
	[tilespmem:$0x1FC40] =	vst v63  }
0xda: {  	_ =	swait.ge [sflag:s0], $0x1F40  }
0xdb: {  	[sflag:s0] =	ssyncset.done $0x0  }
0xdc: {  	s23 =	simm.s32 $0x5100;
	[sflag:s0] =	ssyncadd.s32 $0xFFFFE0C0  }
0xdd: {  	[spmem:s2] =	stream.indirect.scatter.add.f32 [tilespmem:s24], [sflag:$0x7], $0x40, s23, s19, $0xb8;
	[tilespmem:$0x1FC40] =	vst v63  }
0xde: {  	_ =	swait.ge [sflag:s18], $0x1F40  }
0xdf: {  	[sflag:s18] =	ssyncset.done $0x0  }
0xe0: {  	s23 =	simm.s32 $0x380;
	[sflag:s18] =	ssyncadd.s32 $0xFFFFE0C0  }
0xe1: {  	[tilespmem:s24], [sflag:$0x3] =	stream.indirect.gather [hbm4b:s4+s19], $0x40, s23, s19, $0xb8;
	[tilespmem:$0x1FC40] =	vst v63  }
0xe2: {  	_ =	swait.ge [sflag:s15], $0x1F40  }
0xe3: {  	[sflag:s15] =	ssyncset.done $0x0  }
0xe4: {  	s23 =	simm.s32 $0x5180;
	[sflag:s15] =	ssyncadd.s32 $0xFFFFE0C0  }
0xe5: {  	[spmem:s2] =	stream.indirect.scatter.add.f32 [tilespmem:s26], [sflag:$0x7], $0x40, s23, s19, $0xb8;
	[tilespmem:$0x1FC40] =	vst v63  }
0xe6: {  	_ =	swait.ge [sflag:s18], $0x1F40  }
0xe7: {  	[sflag:s18] =	ssyncset.done $0x0  }
0xe8: {  	s23 =	simm.s32 $0x400;
	[sflag:s18] =	ssyncadd.s32 $0xFFFFE0C0  }
0xe9: {  	[tilespmem:s26], [sflag:$0x4] =	stream.indirect.gather [hbm4b:s4+s19], $0x40, s23, s19, $0xb8;
	[tilespmem:$0x1FC40] =	vst v63  }
0xea: {  	_ =	swait.ge [sflag:s21], $0x1F40  }
0xeb: {  	[sflag:s21] =	ssyncset.done $0x0  }
0xec: {  	s23 =	simm.s32 $0x5200;
	[sflag:s21] =	ssyncadd.s32 $0xFFFFE0C0  }
0xed: {  	[spmem:s2] =	stream.indirect.scatter.add.f32 [tilespmem:s29], [sflag:$0x7], $0x40, s23, s19, $0xb8;
	[tilespmem:$0x1FC40] =	vst v63  }
0xee: {  	_ =	swait.ge [sflag:s18], $0x1F40  }
0xef: {  	[sflag:s18] =	ssyncset.done $0x0  }
0xf0: {  	s28 =	simm.s32 $0xA00;
	s1 =	simm.s32 $0x480;
	[sflag:s18] =	ssyncadd.s32 $0xFFFFE0C0  }
.LBB2_5:
0xf1: {  	[tilespmem:s29], [sflag:$0x5] =	stream.indirect.gather [hbm4b:s4+s19], $0x40, s1, s19, $0xb8;
	[tilespmem:$0x1FC40] =	vst v63  }
0xf2: {  	s1 =	smov.u32 s28  }
0xf3: {  	p1 =	seq.s32 s28, $0x12C00;
	s28 =	sadd.s32 $0xA00, s28;
	_ =	swait.ge [sflag:s30], $0x1F40  }
0xf4: {  	s1 =	sshra.s32 s1, $0x2;
	[sflag:s30] =	ssyncset.done $0x0  }
0xf5: {  	s23 =	sadd.s32 $0x5000, s1;
	[sflag:s30] =	ssyncadd.s32 $0xFFFFE0C0  }
0xf6: {  	[spmem:s2] =	stream.indirect.scatter.add.f32 [tilespmem:s20], [sflag:$0x7], $0x40, s23, s19, $0xb8;
	[tilespmem:$0x1FC40] =	vst v63  }
0xf7: {  	_ =	swait.ge [sflag:s18], $0x1F40  }
0xf8: {  	[sflag:s18] =	ssyncset.done $0x0  }
0xf9: {  	s23 =	sadd.s32 $0x280, s1;
	[sflag:s18] =	ssyncadd.s32 $0xFFFFE0C0  }
0xfa: {  	[tilespmem:s20], [sflag:$0x1] =	stream.indirect.gather [hbm4b:s4+s19], $0x40, s23, s19, $0xb8;
	[tilespmem:$0x1FC40] =	vst v63  }
0xfb: {  	_ =	swait.ge [sflag:s31], $0x1F40  }
0xfc: {  	[sflag:s31] =	ssyncset.done $0x0  }
0xfd: {  	s23 =	sadd.s32 $0x5080, s1;
	[sflag:s31] =	ssyncadd.s32 $0xFFFFE0C0  }
0xfe: {  	[spmem:s2] =	stream.indirect.scatter.add.f32 [tilespmem:s22], [sflag:$0x7], $0x40, s23, s19, $0xb8;
	[tilespmem:$0x1FC40] =	vst v63  }
0xff: {  	_ =	swait.ge [sflag:s18], $0x1F40  }
0x100: {  	[sflag:s18] =	ssyncset.done $0x0  }
0x101: {  	s23 =	sadd.s32 $0x300, s1;
	[sflag:s18] =	ssyncadd.s32 $0xFFFFE0C0  }
0x102: {  	[tilespmem:s22], [sflag:$0x2] =	stream.indirect.gather [hbm4b:s4+s19], $0x40, s23, s19, $0xb8;
	[tilespmem:$0x1FC40] =	vst v63  }
0x103: {  	_ =	swait.ge [sflag:s0], $0x1F40  }
0x104: {  	[sflag:s0] =	ssyncset.done $0x0  }
0x105: {  	s23 =	sadd.s32 $0x5100, s1;
	[sflag:s0] =	ssyncadd.s32 $0xFFFFE0C0  }
0x106: {  	[spmem:s2] =	stream.indirect.scatter.add.f32 [tilespmem:s24], [sflag:$0x7], $0x40, s23, s19, $0xb8;
	[tilespmem:$0x1FC40] =	vst v63  }
0x107: {  	_ =	swait.ge [sflag:s18], $0x1F40  }
0x108: {  	[sflag:s18] =	ssyncset.done $0x0  }
0x109: {  	s23 =	sadd.s32 $0x380, s1;
	[sflag:s18] =	ssyncadd.s32 $0xFFFFE0C0  }
0x10a: {  	[tilespmem:s24], [sflag:$0x3] =	stream.indirect.gather [hbm4b:s4+s19], $0x40, s23, s19, $0xb8;
	[tilespmem:$0x1FC40] =	vst v63  }
0x10b: {  	_ =	swait.ge [sflag:s15], $0x1F40  }
0x10c: {  	[sflag:s15] =	ssyncset.done $0x0  }
0x10d: {  	s23 =	sadd.s32 $0x5180, s1;
	[sflag:s15] =	ssyncadd.s32 $0xFFFFE0C0  }
0x10e: {  	[spmem:s2] =	stream.indirect.scatter.add.f32 [tilespmem:s26], [sflag:$0x7], $0x40, s23, s19, $0xb8;
	[tilespmem:$0x1FC40] =	vst v63  }
0x10f: {  	_ =	swait.ge [sflag:s18], $0x1F40  }
0x110: {  	[sflag:s18] =	ssyncset.done $0x0  }
0x111: {  	s23 =	sadd.s32 $0x400, s1;
	[sflag:s18] =	ssyncadd.s32 $0xFFFFE0C0  }
0x112: {  	[tilespmem:s26], [sflag:$0x4] =	stream.indirect.gather [hbm4b:s4+s19], $0x40, s23, s19, $0xb8;
	[tilespmem:$0x1FC40] =	vst v63  }
0x113: {  	_ =	swait.ge [sflag:s21], $0x1F40  }
0x114: {  	[sflag:s21] =	ssyncset.done $0x0  }
.Ltmp6:
0x115: {  	s23 =	sadd.s32 $0x5200, s1;
	[sflag:s21] =	ssyncadd.s32 $0xFFFFE0C0;
	(pc) =	sbr.rel @!p1 .LBB2_5-.Ltmp6, $4  }
0x116: {  	[spmem:s2] =	stream.indirect.scatter.add.f32 [tilespmem:s29], [sflag:$0x7], $0x40, s23, s19, $0xb8;
	[tilespmem:$0x1FC40] =	vst v63  }
0x117: {  	_ =	swait.ge [sflag:s18], $0x1F40  }
0x118: {  	[sflag:s18] =	ssyncset.done $0x0  }
0x119: {  	s1 =	sadd.s32 $0x480, s1;
	[sflag:s18] =	ssyncadd.s32 $0xFFFFE0C0  }
.Ltmp7:
0x11a: {  	_ = 	snop;
	(pc) =	sbr.rel .LBB2_6-.Ltmp7, $1  }
0x11b: {  	_ =	sdelay $0x3  }
.LBB2_11:
0x11c: {  	_ =	sfence.sel $0x180000  }
0x11d: {  	[bflag:$0x0] =	sbarrier.arrive $0xFFFF  }
0x11e: {  	_ =	strace $0x9000004A  }
0x11f: {  	s0 =	stileid.u32;
	[bflag:$0x2] =	sbarrier.arrive $0xFFFF  }
0x120: {  	p0 =	sne.s32 s0, $0x0;
	s0 =	rddreg [dreg:$0x2]  }
0x121: {  	s0 =	sadd.s32 @!p0 $0x100000, s0  }
0x122: {  	[sflag:s0] =	ssyncadd.tile.s32 @!p0 $0x1;
	_ =	shalt  }
.Lfunc_end2:
_tile_overlayer_lowered:
.L_overlay_start_2:
0x123: {  	(tag) =	ssettag $0x2  }
0x124: {  	s0 =	rddreg [dreg:$0x0];
	s2 =	stileid.u32  }
0x125: {  	s1 =	rddreg [dreg:$0x1];
	p0 =	sne.s32 s2, $0x0  }
0x126: {  	s3 =	rddreg [dreg:$0x2];
	[bflag:$0x3] =	sbarrier.arrive $0xFFFF;
	s2 =	simm.s32 @!p0 $0x1C07  }
0x127: {  	[timem:s3], [sflag:s2] =	dma.local @!p0 [hbm:s0], s1  }
0x128: {  	s0 =	simm.s32 @!p0 $0x7  }
0x129: {  	_ =	swait.ge @!p0 [sflag:s0], s1  }
0x12a: {  	s1 =	ssub.s32 @!p0 $0x0, s1;
	[sflag:s0] =	ssyncset.done @!p0 $0x0  }
0x12b: {  	[sflag:s0] =	ssyncadd.s32 @!p0 s1  }
0x12c: {  	[bflag:$0x3] =	sbarrier.arrive $0xFFFF  }
0x12d: {  	_ =	shalt  }

// kernel: kernel.14.cloned.1.call-start
scs
__scs_entry_jumppad:
0x0: {  	(pc) =	sbr.rel $0x88, $3  }
0x1: {  	(tag) =	ssettag $0x0;
	lr =	simm.s32 $0x1  }
0x2: {  	[smem:$0x3F9B] =	sst lr;
	_ =	strace $0xD0000000  }
0x3: {  	_ = 	snop  }
0x4: {  	_ = 	snop  }
0x5: {  	_ = 	snop  }
0x6: {  	_ = 	snop  }
0x7: {  	_ = 	snop  }
__scs_overlays_trampoline_lowered:
0x8: {  	[smem:$0x3FAA] =	sst s0  }
0x9: {  	[smem:$0x3FAB] =	sst s1  }
0xa: {  	[smem:$0x3FAC] =	sst s2  }
0xb: {  	[smem:$0x3FAD] =	sst s3  }
0xc: {  	[smem:$0x3FAE] =	sst s4  }
0xd: {  	[smem:$0x3FAF] =	sst s5  }
0xe: {  	[smem:$0x3FB0] =	sst s6  }
0xf: {  	[smem:$0x3FB1] =	sst s7  }
0x10: {  	[smem:$0x3FB2] =	sst s8  }
0x11: {  	[smem:$0x3FB3] =	sst s9;
	s0 =	simm.s32 @!p0 $0x0  }
0x12: {  	s1 =	sld [smem:$0x3F99];
	s0 =	simm.s32 @p0 $0x1  }
0x13: {  	[smem:$0x3FB4] =	sst s0;
	s0 =	simm.s32 @!p1 $0x0  }
0x14: {  	s2 =	sld [smem:$0x3F98];
	s0 =	simm.s32 @p1 $0x1  }
0x15: {  	[smem:$0x3FB5] =	sst s0;
	s0 =	simm.s32 @!p2 $0x0  }
0x16: {  	s3 =	sld [smem:$0x3FDB];
	s0 =	simm.s32 @p2 $0x1  }
0x17: {  	s4 =	simm.s32 $0x1BF5;
	[smem:$0x3FB7] =	sst s0  }
0x18: {  	s0 =	sld [smem:$0x3F9A];
	_ =	swait.ge [sflag:s4], $0x0  }
0x19: {  	s7 =	sld [smem:$0x3F9B]  }
0x1a: {  	s8 =	sadd.s32 $0xFFFFE003, lr  }
0x1b: {  	s9 =	sadd.s32 $0xFFFFFEF7, lr;
	s5 =	simm.s32 $0xFFFFFFFF;
	p2 =	slt.u32 s8, $0xFFFFF086  }
0x1c: {  	p1 =	slt.u32 s9, $0xF7A;
	s5 =	simm.s32 @!p2 $0x0  }
0x1d: {  	s5 =	simm.s32 @p1 $0x1;
	p0 =	seq.s32 s7, s2  }
0x1e: {  	s7 =	smul.u32 @!p0 $0xF7A, s2;
	p2 =	seq.s32 @!p0 s5, $0x0  }
0x1f: {  	s9 =	smul.u32 $0xF7A, s1;
	s8 =	simm.s32 @!p0 $0x1BF5;
	p2 =	por !p2, p0  }
0x20: {  	[sflag:s8] =	ssyncset.s32 @!p0 $0xFFFFF086;
	s6 =	sadd.s32 @!p0 s3, s7;
	s7 =	simm.s32 @!p0 $0x108  }
0x21: {  	s3 =	sadd.s32 s3, s9;
	s6 =	sadd.s32 @!p0 $0x88, s6;
	s7 =	simm.s32 @p2 $0x1082  }
0x22: {  	[simem:s7], [sflag:s8] =	dma.local @!p0 [hbm:s6], $0xF7A  }
0x23: {  	s9 =	sor.u32 $0xD0000000, s2;
	s6 =	simm.s32 $0x108;
	_ =	swait.ge @!p0 [sflag:s8], $0x0  }
0x24: {  	s3 =	sadd.s32 $0x88, s3;
	s6 =	simm.s32 @!p1 $0x1082;
	[sflag:s4] =	ssyncset.s32 $0xFFFFF086  }
0x25: {  	[simem:s6], [sflag:s4] =	dma.local [hbm:s3], $0xF7A  }
0x26: {  	[smem:$0x3F9B] =	sst s1;
	(tag) =	ssettag s2;
	_ =	strace s9  }
0x27: {  	s1 =	sld [smem:$0x3FAB]  }
0x28: {  	s2 =	sld [smem:$0x3FAC]  }
0x29: {  	s4 =	sld [smem:$0x3FAE]  }
0x2a: {  	p0 =	seq.s32 s5, $0x0;
	s5 =	sld [smem:$0x3FAF]  }
0x2b: {  	s6 =	sld [smem:$0x3FB0]  }
0x2c: {  	s7 =	sld [smem:$0x3FB1]  }
0x2d: {  	s3 =	simm.s32 $0x108;
	s8 =	sld [smem:$0x3FB2]  }
0x2e: {  	s3 =	simm.s32 @!p0 $0x1082;
	s9 =	sld [smem:$0x3FB3]  }
0x2f: {  	lr =	sadd.s32 s0, s3;
	s0 =	sld [smem:$0x3FAA]  }
0x30: {  	s3 =	sld [smem:$0x3FAD]  }
0x31: {  	[smem:$0x3FB6] =	sst s10  }
0x32: {  	s10 =	sld [smem:$0x3FB4];
	_ =	sdelay $0x3  }
0x33: {  	p0 =	seq.s32 s10, $0x1;
	s10 =	sld [smem:$0x3FB6];
	_ =	sdelay $0x3  }
0x34: {  	[smem:$0x3FB6] =	sst s10  }
0x35: {  	s10 =	sld [smem:$0x3FB5];
	_ =	sdelay $0x3  }
0x36: {  	p1 =	seq.s32 s10, $0x1;
	s10 =	sld [smem:$0x3FB6];
	_ =	sdelay $0x3  }
0x37: {  	[smem:$0x3FB6] =	sst s10  }
0x38: {  	s10 =	sld [smem:$0x3FB7]  }
0x39: {  	_ = 	snop;
	(pc) =	sbr.ind lr, $3  }
0x3a: {  	_ = 	snop  }
0x3b: {  	_ = 	snop  }
0x3c: {  	p2 =	seq.s32 s10, $0x1;
	s10 =	sld [smem:$0x3FB6]  }
0x3d: {  	_ =	shalt  }
0x3e: {  	_ =	shalt  }
0x3f: {  	_ =	shalt  }
0x40: {  	_ =	shalt  }
0x41: {  	_ =	shalt  }
0x42: {  	_ =	shalt  }
0x43: {  	_ =	shalt  }
0x44: {  	_ =	shalt  }
0x45: {  	_ =	shalt  }
0x46: {  	_ =	shalt  }
0x47: {  	_ =	shalt  }
0x48: {  	_ =	shalt  }
0x49: {  	_ =	shalt  }
0x4a: {  	_ =	shalt  }
0x4b: {  	_ =	shalt  }
0x4c: {  	_ =	shalt  }
0x4d: {  	_ =	shalt  }
0x4e: {  	_ =	shalt  }
0x4f: {  	_ =	shalt  }
0x50: {  	_ =	shalt  }
0x51: {  	_ =	shalt  }
0x52: {  	_ =	shalt  }
0x53: {  	_ =	shalt  }
0x54: {  	_ =	shalt  }
0x55: {  	_ =	shalt  }
0x56: {  	_ =	shalt  }
0x57: {  	_ =	shalt  }
0x58: {  	_ =	shalt  }
0x59: {  	_ =	shalt  }
0x5a: {  	_ =	shalt  }
0x5b: {  	_ =	shalt  }
0x5c: {  	_ =	shalt  }
0x5d: {  	_ =	shalt  }
0x5e: {  	_ =	shalt  }
0x5f: {  	_ =	shalt  }
0x60: {  	_ =	shalt  }
0x61: {  	_ =	shalt  }
0x62: {  	_ =	shalt  }
0x63: {  	_ =	shalt  }
0x64: {  	_ =	shalt  }
0x65: {  	_ =	shalt  }
0x66: {  	_ =	shalt  }
0x67: {  	_ =	shalt  }
0x68: {  	_ =	shalt  }
0x69: {  	_ =	shalt  }
0x6a: {  	_ =	shalt  }
0x6b: {  	_ =	shalt  }
0x6c: {  	_ =	shalt  }
0x6d: {  	_ =	shalt  }
0x6e: {  	_ =	shalt  }
0x6f: {  	_ =	shalt  }
0x70: {  	_ =	shalt  }
0x71: {  	_ =	shalt  }
0x72: {  	_ =	shalt  }
0x73: {  	_ =	shalt  }
0x74: {  	_ =	shalt  }
0x75: {  	_ =	shalt  }
0x76: {  	_ =	shalt  }
0x77: {  	_ =	shalt  }
0x78: {  	_ =	shalt  }
0x79: {  	_ =	shalt  }
0x7a: {  	_ =	shalt  }
0x7b: {  	_ =	shalt  }
0x7c: {  	_ =	shalt  }
0x7d: {  	_ =	shalt  }
0x7e: {  	_ =	shalt  }
0x7f: {  	_ =	shalt  }
0x80: {  	_ =	shalt  }
0x81: {  	_ =	shalt  }
0x82: {  	_ =	shalt  }
0x83: {  	_ =	shalt  }
0x84: {  	_ =	shalt  }
0x85: {  	_ =	shalt  }
0x86: {  	_ =	shalt  }
0x87: {  	_ =	shalt  }
.Lfunc_end0:
.L_simem_size_0:
called_computation.2_lowered:
.L_overlay_start_0:
0x88: {  	s2 =	sld [smem:$0x3FD9]  }
0x89: {  	s3 =	sld [smem:$0x3FFE];
	_ =	sdelay $0x1  }
0x8a: {  	s1 =	srdreg.scid  }
0x8b: {  	s0 =	sand.u32 $0x1, s1  }
0x8c: {  	s16 =	sshll.u32 s0, $0xA;
	s2 =	sadd.s32 s3, s2  }
0x8d: {  	s2 =	sadd.s32 s2, s16  }
0x8e: {  	[smem:$0x3FC2] =	sst s2  }
0x8f: {  	_ = 	snop  }
0x90: {  	(tm) =	ssettm $0x1  }
0x91: {  	s17 =	sld [smem:$0x3FFB];
	_ =	sdelay $0x3  }
0x92: {  	_ =	strace s17  }
0x93: {  	s2 =	sld [smem:$0x3FFC];
	_ =	sdelay $0x3  }
0x94: {  	_ =	strace s2  }
0x95: {  	s2 =	sld [smem:$0x3FFD];
	_ =	sdelay $0x3  }
0x96: {  	_ =	strace s2  }
0x97: {  	_ =	strace $0x8FFFFFFF  }
0x98: {  	s18 =	sld [smem:$0x3FDB];
	_ =	sdelay $0x1  }
0x99: {  	s19 =	simm.s32 $_scs_section_size  }
0x9a: {  	s4 =	simm.s32 $_size__tile_overlayer_lowered;
	s5 =	simm.s32 $_tile_overlayer_lowered  }
0x9b: {  	s22 =	simm.s32 $0x1BFF;
	s21 =	sshll.u32 s5, $0x1;
	s2 =	sadd.s32 s19, s18  }
0x9c: {  	s6 =	simm.s32 $0x0;
	s20 =	sshll.u32 s4, $0x1;
	s4 =	sadd.s32 s21, s2  }
0x9d: {  	[timem:s6], [sflag:s22] =	dma.local [hbm:s4], s20  }
0x9e: {  	_ =	swait.ge [sflag:s22], s20  }
0x9f: {  	s3 =	ssub.s32 $0x0, s20;
	[sflag:s22] =	ssyncset.done $0x0  }
0xa0: {  	[sflag:s22] =	ssyncadd.s32 s3;
	_ =	sdelay $0x1  }
0xa1: {  	s23 =	simm.s32 $0x1B8B  }
0xa2: {  	_ =	swait.ge [sflag:s23], $0x1  }
0xa3: {  	[sflag:s23] =	ssyncset.done $0x0  }
0xa4: {  	s25 =	simm.s32 $0x1B8E;
	s24 =	sld [smem:$0x3FFE];
	[sflag:s23] =	ssyncadd.s32 $0xFFFFFFFF  }
0xa5: {  	s26 =	simm.s32 $execute0_lowered;
	[smem:$0x3FD2] =	sst s25  }
0xa6: {  	s4 =	sshll.u32 s26, $0x1;
	_ =	strace $0x8000004C;
	[dreg:$0x1] =	wrdreg $0xFFFFFFFF  }
0xa7: {  	s28 =	simm.s32 $_size_execute0_lowered;
	s2 =	sadd.s32 s2, s4;
	[dreg:$0x0] =	wrdreg $0x0  }
0xa8: {  	s4 =	sshll.u32 s28, $0x1;
	[dreg:$0x2] =	wrdreg s2  }
0xa9: {  	[dreg:$0x3] =	wrdreg s4  }
0xaa: {  	[dreg:$0x4] =	wrdreg $0xC0  }
0xab: {  	_ =	task [dreg:s6], $0x5FFFF  }
0xac: {  	[dreg:$0x1] =	wrdreg $0xFFFFFFFF  }
0xad: {  	[dreg:$0x0] =	wrdreg $0x60  }
0xae: {  	[dreg:$0x2] =	wrdreg s24  }
0xaf: {  	[dreg:$0x3] =	wrdreg $0xDD300  }
0xb0: {  	[dreg:$0x4] =	wrdreg $0x9  }
0xb1: {  	_ =	task.clear_ibuf [dreg:s6], $0x5FFFF;
	_ =	strace $0x9000004C  }
0xb2: {  	s29 =	simm.s32 $0x9;
	_ =	strace $0x8000004E  }
0xb3: {  	_ =	swait.ge [sflag:s29], $0x1  }
0xb4: {  	[sflag:s29] =	ssyncadd.s32 $0xFFFFFFFF  }
0xb5: {  	_ =	strace $0x9000004E  }
0xb6: {  	_ =	sfence  }
0xb7: {  	s30 =	sld [smem:$0x0];
	_ =	sdelay $0x2  }
0xb8: {  	s31 =	sshll.u32 s1, $0xD;
	s1 =	sshrl.u32 s1, $0x2  }
0xb9: {  	s3 =	sand.u32 $0x4000, s31;
	s1 =	sadd.s32 s1, s30  }
0xba: {  	s0 =	sor.u32 s3, s0;
	s1 =	sshll.u32 s1, $0x11  }
0xbb: {  	s0 =	sor.u32 s1, s0  }
0xbc: {  	s0 =	sadd.s32 $0x8F2B, s0  }
0xbd: {  	[sflag:s0] =	ssyncadd.remote.s32 $0x1  }
0xbe: {  	_ =	sfence.sel $0xFFFF  }
0xbf: {  	[dreg:$0x0] =	wrdreg $0xFFFFFFFF;
	(pc) =	sbr.abs _section_cstart, $3  }
0xc0: {  	[dreg:$0x1] =	wrdreg $0xFFFFFFFF  }
0xc1: {  	_ =	task.clear_ibuf [dreg:s6], $0x2FFFF;
	_ =	strace $0x9FFFFFFF  }
0xc2: {  	(tm) =	ssettm $0x7FFFFFFF  }
0xc3: {  	_ =	shalt  }
tec
execute0_lowered:
.L_overlay_start_1:
0x0: {  	(tag) =	ssettag $0x1  }
0x1: {  	s0 =	srdreg.scid;
	s5 =	rddreg [dreg:$0x0]  }
0x2: {  	s8 =	stileid.u32;
	s2 =	rddreg [dreg:$0x1];
	s3 =	simm.s32 $0x0  }
0x3: {  	s15 =	simm.s32 $0x6;
	s16 =	simm.s32 $0xC530;
	s17 =	simm.s32 $0x7  }
0x4: {  	s18 =	simm.s32 $0x7D;
	s19 =	simm.s32 $0x5000;
	s21 =	simm.s32 $0x6770  }
0x5: {  	s23 =	simm.s32 $0x7EE0;
	s28 =	simm.s32 $0xADC0;
	s29 =	simm.s32 $0x1  }
0x6: {  	s30 =	simm.s32 $0x2;
	s31 =	simm.s32 $0x3;
	s14 =	simm.s32 $0x0  }
0x7: {  	s0 =	sand.u32 $0x1, s0;
	s7 =	smul.u32 $0x7800, s8;
	[smem:$0x7FF] =	sst s3  }
0x8: {  	s4 =	sadd.s32 $0x15E00, s5;
	s1 =	sshll.u32 s0, $0x4;
	s6 =	smul.u32 $0x78000, s0  }
0x9: {  	s0 =	ssub.s32 $0x2, s0;
	s1 =	sor.u32 s8, s1;
	s8 =	smul.u32 $0x1E000, s8  }
0xa: {  	_ =	strace $0x8000004D;
	s25 =	sshrl.u32 s0, $0x1;
	s1 =	smul.u32 $0x2800, s1  }
0xb: {  	s6 =	sadd.s32 s7, s6;
	s0 =	ssub.s32 s0, s25;
	s7 =	sadd.s32 s7, s2  }
0xc: {  	s25 =	simm.s32 $0x9650;
	s6 =	sshrl.u32 s6, $0x3;
	s26 =	sshrl.u32 s8, $0x2  }
0xd: {  	s13 =	smax.u32 s0, $0x1;
	s0 =	simm.s32 $0x5;
	s1 =	sshrl.u32 s1, $0x3  }
0xe: {  	s12 =	sadd.s32 s6, s5;
	s11 =	sadd.s32 s26, s2;
	s26 =	simm.s32 $0x4F80  }
0xf: {  	s1 =	sadd.s32 s1, s5;
	s8 =	sadd.s32 $0x1800, s11;
	s9 =	sadd.s32 $0x3000, s11  }
0x10: {  	s10 =	sadd.s32 $0x4800, s11;
	s11 =	sadd.s32 $0x6000, s11;
	s12 =	sadd.s32 $0x24A00, s12  }
0x11: {  	v0 =	vimm.f32 $0.0e+00;
	s5 =	sadd.s32 $0x1E00, s1;
	s6 =	sadd.s32 $0xBE00, s1;
	s1 =	simm.s32 $0x4  }
.LBB2_1:
0x12: {  	[tilespmem:s3], [sflag:$0x6] =	stream.linear.gather [hbm4b:s5+s3], $0x2800, $0x38;
	[tilespmem:$0x15530] =	vst v63  }
0x13: {  	s20 =	simm.s32 $0x2800  }
0x14: {  	[tilespmem:s20], [sflag:$0x6] =	stream.linear.gather [hbm4b:s6+s3], $0x2800, $0x38;
	[tilespmem:$0x15530] =	vst v63  }
0x15: {  	s22 =	simm.s32 $0x0;
	s20 =	simm.s32 $0xC0  }
.LBB2_2:
0x16: {  	p0 =	sne.s32 s20, $0x5F40;
	[tilespmem:s22+$0xC550] =	vst v0;
	s24 =	smov.u32 s20;
	s20 =	sadd.s32 $0xC0, s20  }
.Ltmp0:
0x17: {  	[tilespmem:s22+$0xC530] =	vst v0;
	(pc) =	sbr.rel @p0 .LBB2_2-.Ltmp0, $2  }
0x18: {  	[tilespmem:s22+$0xC540] =	vst v0;
	_ =	sdelay $0x2  }
0x19: {  	s22 =	sshra.s32 s24, $0x2  }
0x1a: {  	[tilespmem:s22+$0xC550] =	vst v0  }
0x1b: {  	[tilespmem:s22+$0xC530] =	vst v0  }
0x1c: {  	[tilespmem:s22+$0xC540] =	vst v0  }
0x1d: {  	_ =	swait.ge [sflag:s15], $0x2800  }
0x1e: {  	[sflag:s15] =	ssyncset.done $0x0  }
0x1f: {  	[sflag:s15] =	ssyncadd.s32 $0xFFFFD800  }
0x20: {  	_ =	swait.ge [sflag:s15], $0x2800  }
0x21: {  	[sflag:s15] =	ssyncset.done $0x0  }
0x22: {  	[sflag:s15] =	ssyncadd.s32 $0xFFFFD800  }
0x23: {  	[spmem:s7] =	stream.linear.scatter [tilespmem:s16], [sflag:$0x7], $0x1800, $0x38;
	[tilespmem:$0x15530] =	vst v63  }
0x24: {  	_ =	swait.ge [sflag:s17], $0x1800  }
0x25: {  	[sflag:s17] =	ssyncset.done $0x0  }
0x26: {  	[sflag:s17] =	ssyncadd.s32 $0xFFFFE800  }
0x27: {  	[spmem:s8] =	stream.linear.scatter [tilespmem:s16], [sflag:$0x7], $0x1800, $0x38;
	[tilespmem:$0x15530] =	vst v63  }
0x28: {  	_ =	swait.ge [sflag:s17], $0x1800  }
0x29: {  	[sflag:s17] =	ssyncset.done $0x0  }
0x2a: {  	[sflag:s17] =	ssyncadd.s32 $0xFFFFE800  }
0x2b: {  	[spmem:s9] =	stream.linear.scatter [tilespmem:s16], [sflag:$0x7], $0x1800, $0x38;
	[tilespmem:$0x15530] =	vst v63  }
0x2c: {  	_ =	swait.ge [sflag:s17], $0x1800  }
0x2d: {  	[sflag:s17] =	ssyncset.done $0x0  }
0x2e: {  	[sflag:s17] =	ssyncadd.s32 $0xFFFFE800  }
0x2f: {  	[spmem:s10] =	stream.linear.scatter [tilespmem:s16], [sflag:$0x7], $0x1800, $0x38;
	[tilespmem:$0x15530] =	vst v63  }
0x30: {  	_ =	swait.ge [sflag:s17], $0x1800  }
0x31: {  	[sflag:s17] =	ssyncset.done $0x0  }
0x32: {  	[sflag:s17] =	ssyncadd.s32 $0xFFFFE800  }
0x33: {  	[spmem:s11] =	stream.linear.scatter [tilespmem:s16], [sflag:$0x7], $0x1800, $0x38;
	[tilespmem:$0x15530] =	vst v63  }
0x34: {  	_ =	swait.ge [sflag:s17], $0x1800  }
0x35: {  	[sflag:s17] =	ssyncset.done $0x0  }
0x36: {  	[sflag:s17] =	ssyncadd.s32 $0xFFFFE800  }
0x37: {  	s20 =	simm.s32 $0x0;
	[bflag:$0x0] =	sbarrier.arrive $0xFFFF  }
0x38: {  	[tilespmem:s19], [sflag:$0x1] =	stream.indirect.gather [hbm4b:s4+s18], $0x30, s20, s18, $0xb8;
	[tilespmem:$0x15530] =	vst v63  }
0x39: {  	s24 =	simm.s32 $0x80  }
0x3a: {  	[tilespmem:s21], [sflag:$0x2] =	stream.indirect.gather [hbm4b:s4+s18], $0x30, s24, s18, $0xb8;
	[tilespmem:$0x15530] =	vst v63  }
0x3b: {  	s22 =	simm.s32 $0x100  }
0x3c: {  	[tilespmem:s23], [sflag:$0x3] =	stream.indirect.gather [hbm4b:s4+s18], $0x30, s22, s18, $0xb8;
	[tilespmem:$0x15530] =	vst v63  }
0x3d: {  	s24 =	simm.s32 $0x180  }
0x3e: {  	[tilespmem:s25], [sflag:$0x4] =	stream.indirect.gather [hbm4b:s4+s18], $0x30, s24, s18, $0xb8;
	[tilespmem:$0x15530] =	vst v63  }
0x3f: {  	s22 =	simm.s32 $0x200  }
0x40: {  	[tilespmem:s28], [sflag:$0x5] =	stream.indirect.gather [hbm4b:s4+s18], $0x30, s22, s18, $0xb8;
	[tilespmem:$0x15530] =	vst v63  }
0x41: {  	_ =	swait.ge [sflag:s29], $0x1770  }
0x42: {  	[sflag:s29] =	ssyncset.done $0x0  }
0x43: {  	s24 =	simm.s32 $0x2800;
	[sflag:s29] =	ssyncadd.s32 $0xFFFFE890  }
0x44: {  	[spmem:s2] =	stream.indirect.scatter.add.f32 [tilespmem:s19], [sflag:$0x7], $0x30, s24, s18, $0xb8;
	[tilespmem:$0x15530] =	vst v63  }
0x45: {  	_ =	swait.ge [sflag:s17], $0x1770  }
0x46: {  	[sflag:s17] =	ssyncset.done $0x0  }
0x47: {  	s22 =	simm.s32 $0x280;
	[sflag:s17] =	ssyncadd.s32 $0xFFFFE890  }
0x48: {  	[tilespmem:s19], [sflag:$0x1] =	stream.indirect.gather [hbm4b:s4+s18], $0x30, s22, s18, $0xb8;
	[tilespmem:$0x15530] =	vst v63  }
0x49: {  	_ =	swait.ge [sflag:s30], $0x1770  }
0x4a: {  	[sflag:s30] =	ssyncset.done $0x0  }
0x4b: {  	s24 =	simm.s32 $0x2880;
	[sflag:s30] =	ssyncadd.s32 $0xFFFFE890  }
0x4c: {  	[spmem:s2] =	stream.indirect.scatter.add.f32 [tilespmem:s21], [sflag:$0x7], $0x30, s24, s18, $0xb8;
	[tilespmem:$0x15530] =	vst v63  }
0x4d: {  	_ =	swait.ge [sflag:s17], $0x1770  }
0x4e: {  	[sflag:s17] =	ssyncset.done $0x0  }
0x4f: {  	s22 =	simm.s32 $0x300;
	[sflag:s17] =	ssyncadd.s32 $0xFFFFE890  }
0x50: {  	[tilespmem:s21], [sflag:$0x2] =	stream.indirect.gather [hbm4b:s4+s18], $0x30, s22, s18, $0xb8;
	[tilespmem:$0x15530] =	vst v63  }
0x51: {  	_ =	swait.ge [sflag:s31], $0x1770  }
0x52: {  	[sflag:s31] =	ssyncset.done $0x0  }
0x53: {  	s24 =	simm.s32 $0x2900;
	[sflag:s31] =	ssyncadd.s32 $0xFFFFE890  }
0x54: {  	[spmem:s2] =	stream.indirect.scatter.add.f32 [tilespmem:s23], [sflag:$0x7], $0x30, s24, s18, $0xb8;
	[tilespmem:$0x15530] =	vst v63  }
0x55: {  	_ =	swait.ge [sflag:s17], $0x1770  }
0x56: {  	[sflag:s17] =	ssyncset.done $0x0  }
0x57: {  	s22 =	simm.s32 $0x380;
	[sflag:s17] =	ssyncadd.s32 $0xFFFFE890  }
0x58: {  	[tilespmem:s23], [sflag:$0x3] =	stream.indirect.gather [hbm4b:s4+s18], $0x30, s22, s18, $0xb8;
	[tilespmem:$0x15530] =	vst v63  }
0x59: {  	_ =	swait.ge [sflag:s1], $0x1770  }
0x5a: {  	[sflag:s1] =	ssyncset.done $0x0  }
0x5b: {  	s24 =	simm.s32 $0x2980;
	[sflag:s1] =	ssyncadd.s32 $0xFFFFE890  }
0x5c: {  	[spmem:s2] =	stream.indirect.scatter.add.f32 [tilespmem:s25], [sflag:$0x7], $0x30, s24, s18, $0xb8;
	[tilespmem:$0x15530] =	vst v63  }
0x5d: {  	_ =	swait.ge [sflag:s17], $0x1770  }
0x5e: {  	[sflag:s17] =	ssyncset.done $0x0  }
0x5f: {  	s22 =	simm.s32 $0x400;
	[sflag:s17] =	ssyncadd.s32 $0xFFFFE890  }
0x60: {  	[tilespmem:s25], [sflag:$0x4] =	stream.indirect.gather [hbm4b:s4+s18], $0x30, s22, s18, $0xb8;
	[tilespmem:$0x15530] =	vst v63  }
0x61: {  	_ =	swait.ge [sflag:s0], $0x1770  }
0x62: {  	[sflag:s0] =	ssyncset.done $0x0  }
0x63: {  	s24 =	simm.s32 $0x2A00;
	[sflag:s0] =	ssyncadd.s32 $0xFFFFE890  }
0x64: {  	[spmem:s2] =	stream.indirect.scatter.add.f32 [tilespmem:s28], [sflag:$0x7], $0x30, s24, s18, $0xb8;
	[tilespmem:$0x15530] =	vst v63  }
0x65: {  	_ =	swait.ge [sflag:s17], $0x1770  }
0x66: {  	[sflag:s17] =	ssyncset.done $0x0  }
0x67: {  	s20 =	simm.s32 $0xA00;
	s22 =	simm.s32 $0x480;
	[sflag:s17] =	ssyncadd.s32 $0xFFFFE890  }
.LBB2_4:
0x68: {  	[tilespmem:s28], [sflag:$0x5] =	stream.indirect.gather [hbm4b:s4+s18], $0x30, s22, s18, $0xb8;
	[tilespmem:$0x15530] =	vst v63  }
0x69: {  	s22 =	smov.u32 s20  }
0x6a: {  	p0 =	sne.s32 s20, $0x8C00;
	s20 =	sadd.s32 $0xA00, s20;
	_ =	swait.ge [sflag:s29], $0x1770  }
0x6b: {  	s22 =	sshra.s32 s22, $0x2;
	[sflag:s29] =	ssyncset.done $0x0  }
0x6c: {  	s24 =	sadd.s32 $0x2800, s22;
	[sflag:s29] =	ssyncadd.s32 $0xFFFFE890  }
0x6d: {  	[spmem:s2] =	stream.indirect.scatter.add.f32 [tilespmem:s19], [sflag:$0x7], $0x30, s24, s18, $0xb8;
	[tilespmem:$0x15530] =	vst v63  }
0x6e: {  	_ =	swait.ge [sflag:s17], $0x1770  }
0x6f: {  	[sflag:s17] =	ssyncset.done $0x0  }
0x70: {  	s24 =	sadd.s32 $0x280, s22;
	[sflag:s17] =	ssyncadd.s32 $0xFFFFE890  }
0x71: {  	[tilespmem:s19], [sflag:$0x1] =	stream.indirect.gather [hbm4b:s4+s18], $0x30, s24, s18, $0xb8;
	[tilespmem:$0x15530] =	vst v63  }
0x72: {  	_ =	swait.ge [sflag:s30], $0x1770  }
0x73: {  	[sflag:s30] =	ssyncset.done $0x0  }
0x74: {  	s24 =	sadd.s32 $0x2880, s22;
	[sflag:s30] =	ssyncadd.s32 $0xFFFFE890  }
0x75: {  	[spmem:s2] =	stream.indirect.scatter.add.f32 [tilespmem:s21], [sflag:$0x7], $0x30, s24, s18, $0xb8;
	[tilespmem:$0x15530] =	vst v63  }
0x76: {  	_ =	swait.ge [sflag:s17], $0x1770  }
0x77: {  	[sflag:s17] =	ssyncset.done $0x0  }
0x78: {  	s24 =	sadd.s32 $0x300, s22;
	[sflag:s17] =	ssyncadd.s32 $0xFFFFE890  }
0x79: {  	[tilespmem:s21], [sflag:$0x2] =	stream.indirect.gather [hbm4b:s4+s18], $0x30, s24, s18, $0xb8;
	[tilespmem:$0x15530] =	vst v63  }
0x7a: {  	_ =	swait.ge [sflag:s31], $0x1770  }
0x7b: {  	[sflag:s31] =	ssyncset.done $0x0  }
0x7c: {  	s24 =	sadd.s32 $0x2900, s22;
	[sflag:s31] =	ssyncadd.s32 $0xFFFFE890  }
0x7d: {  	[spmem:s2] =	stream.indirect.scatter.add.f32 [tilespmem:s23], [sflag:$0x7], $0x30, s24, s18, $0xb8;
	[tilespmem:$0x15530] =	vst v63  }
0x7e: {  	_ =	swait.ge [sflag:s17], $0x1770  }
0x7f: {  	[sflag:s17] =	ssyncset.done $0x0  }
0x80: {  	s24 =	sadd.s32 $0x380, s22;
	[sflag:s17] =	ssyncadd.s32 $0xFFFFE890  }
0x81: {  	[tilespmem:s23], [sflag:$0x3] =	stream.indirect.gather [hbm4b:s4+s18], $0x30, s24, s18, $0xb8;
	[tilespmem:$0x15530] =	vst v63  }
0x82: {  	_ =	swait.ge [sflag:s1], $0x1770  }
0x83: {  	[sflag:s1] =	ssyncset.done $0x0  }
0x84: {  	s24 =	sadd.s32 $0x2980, s22;
	[sflag:s1] =	ssyncadd.s32 $0xFFFFE890  }
0x85: {  	[spmem:s2] =	stream.indirect.scatter.add.f32 [tilespmem:s25], [sflag:$0x7], $0x30, s24, s18, $0xb8;
	[tilespmem:$0x15530] =	vst v63  }
0x86: {  	_ =	swait.ge [sflag:s17], $0x1770  }
0x87: {  	[sflag:s17] =	ssyncset.done $0x0  }
0x88: {  	s24 =	sadd.s32 $0x400, s22;
	[sflag:s17] =	ssyncadd.s32 $0xFFFFE890  }
0x89: {  	[tilespmem:s25], [sflag:$0x4] =	stream.indirect.gather [hbm4b:s4+s18], $0x30, s24, s18, $0xb8;
	[tilespmem:$0x15530] =	vst v63  }
0x8a: {  	_ =	swait.ge [sflag:s0], $0x1770  }
0x8b: {  	[sflag:s0] =	ssyncset.done $0x0  }
.Ltmp1:
0x8c: {  	s24 =	sadd.s32 $0x2A00, s22;
	[sflag:s0] =	ssyncadd.s32 $0xFFFFE890;
	(pc) =	sbr.rel @p0 .LBB2_4-.Ltmp1, $4  }
0x8d: {  	[spmem:s2] =	stream.indirect.scatter.add.f32 [tilespmem:s28], [sflag:$0x7], $0x30, s24, s18, $0xb8;
	[tilespmem:$0x15530] =	vst v63  }
0x8e: {  	_ =	swait.ge [sflag:s17], $0x1770  }
0x8f: {  	[sflag:s17] =	ssyncset.done $0x0  }
0x90: {  	s22 =	sadd.s32 $0x480, s22;
	[sflag:s17] =	ssyncadd.s32 $0xFFFFE890  }
0x91: {  	[tilespmem:s28], [sflag:$0x5] =	stream.indirect.gather [hbm4b:s4+s18], $0x30, s22, s18, $0xb8;
	[tilespmem:$0x15530] =	vst v63  }
0x92: {  	_ =	swait.ge [sflag:s29], $0x1770  }
0x93: {  	[sflag:s29] =	ssyncset.done $0x0  }
0x94: {  	s20 =	simm.s32 $0x4D80;
	[sflag:s29] =	ssyncadd.s32 $0xFFFFE890  }
0x95: {  	[spmem:s2] =	stream.indirect.scatter.add.f32 [tilespmem:s19], [sflag:$0x7], $0x30, s20, s18, $0xb8;
	[tilespmem:$0x15530] =	vst v63  }
0x96: {  	_ =	swait.ge [sflag:s17], $0x1770  }
0x97: {  	[sflag:s17] =	ssyncset.done $0x0  }
0x98: {  	[sflag:s17] =	ssyncadd.s32 $0xFFFFE890  }
0x99: {  	_ =	swait.ge [sflag:s30], $0x1770  }
0x9a: {  	[sflag:s30] =	ssyncset.done $0x0  }
0x9b: {  	s24 =	simm.s32 $0x4E00;
	[sflag:s30] =	ssyncadd.s32 $0xFFFFE890  }
0x9c: {  	[spmem:s2] =	stream.indirect.scatter.add.f32 [tilespmem:s21], [sflag:$0x7], $0x30, s24, s18, $0xb8;
	[tilespmem:$0x15530] =	vst v63  }
0x9d: {  	_ =	swait.ge [sflag:s17], $0x1770  }
0x9e: {  	[sflag:s17] =	ssyncset.done $0x0  }
0x9f: {  	[sflag:s17] =	ssyncadd.s32 $0xFFFFE890  }
0xa0: {  	_ =	swait.ge [sflag:s31], $0x1770  }
0xa1: {  	[sflag:s31] =	ssyncset.done $0x0  }
0xa2: {  	s22 =	simm.s32 $0x4E80;
	[sflag:s31] =	ssyncadd.s32 $0xFFFFE890  }
0xa3: {  	[spmem:s2] =	stream.indirect.scatter.add.f32 [tilespmem:s23], [sflag:$0x7], $0x30, s22, s18, $0xb8;
	[tilespmem:$0x15530] =	vst v63  }
0xa4: {  	_ =	swait.ge [sflag:s17], $0x1770  }
0xa5: {  	[sflag:s17] =	ssyncset.done $0x0  }
0xa6: {  	[sflag:s17] =	ssyncadd.s32 $0xFFFFE890  }
0xa7: {  	_ =	swait.ge [sflag:s1], $0x1770  }
0xa8: {  	[sflag:s1] =	ssyncset.done $0x0  }
0xa9: {  	s24 =	simm.s32 $0x4F00;
	[sflag:s1] =	ssyncadd.s32 $0xFFFFE890  }
0xaa: {  	[spmem:s2] =	stream.indirect.scatter.add.f32 [tilespmem:s25], [sflag:$0x7], $0x30, s24, s18, $0xb8;
	[tilespmem:$0x15530] =	vst v63  }
0xab: {  	_ =	swait.ge [sflag:s17], $0x1770  }
0xac: {  	[sflag:s17] =	ssyncset.done $0x0  }
0xad: {  	[sflag:s17] =	ssyncadd.s32 $0xFFFFE890  }
0xae: {  	_ =	swait.ge [sflag:s0], $0x1770  }
0xaf: {  	[sflag:s0] =	ssyncset.done $0x0  }
0xb0: {  	[sflag:s0] =	ssyncadd.s32 $0xFFFFE890  }
0xb1: {  	[spmem:s2] =	stream.indirect.scatter.add.f32 [tilespmem:s28], [sflag:$0x7], $0x30, s26, s18, $0xb8;
	[tilespmem:$0x15530] =	vst v63  }
0xb2: {  	s22 =	stileid.u32;
	_ =	swait.ge [sflag:s17], $0x1770  }
0xb3: {  	s14 =	sadd.s32 $0x1, s14;
	s20 =	sshll.u32 s22, $0x6;
	[sflag:s17] =	ssyncset.done $0x0  }
0xb4: {  	p0 =	sne.s32 s14, s13;
	s20 =	sor.u32 $0x1C07, s20;
	[sflag:s17] =	ssyncadd.s32 $0xFFFFE890  }
.Ltmp2:
0xb5: {  	s24 =	sshrl.u32 s7, $0x3;
	[bflag:$0x0] =	sbarrier.arrive $0xFFFF;
	(pc) =	sbr.rel @p0 .LBB2_1-.Ltmp2, $4  }
0xb6: {  	[hbm:s12], [sflag:s20] =	dma.local [spmem:s24], $0xF00  }
0xb7: {  	_ =	swait.ge [sflag:s17], $0xF00  }
0xb8: {  	[sflag:s17] =	ssyncset.done $0x0  }
0xb9: {  	[sflag:s17] =	ssyncadd.s32 $0xFFFFF100  }
0xba: {  	_ =	sfence.sel $0x180000  }
0xbb: {  	[bflag:$0x0] =	sbarrier.arrive $0xFFFF  }
0xbc: {  	_ =	strace $0x9000004D  }
0xbd: {  	s0 =	stileid.u32;
	[bflag:$0x2] =	sbarrier.arrive $0xFFFF  }
0xbe: {  	p0 =	sne.s32 s0, $0x0;
	s0 =	rddreg [dreg:$0x2]  }
0xbf: {  	s0 =	sadd.s32 @!p0 $0x100000, s0  }
0xc0: {  	[sflag:s0] =	ssyncadd.tile.s32 @!p0 $0x1;
	_ =	shalt  }
.Lfunc_end2:
_tile_overlayer_lowered:
.L_overlay_start_2:
0xc1: {  	(tag) =	ssettag $0x2  }
0xc2: {  	s0 =	rddreg [dreg:$0x0];
	s2 =	stileid.u32  }
0xc3: {  	s1 =	rddreg [dreg:$0x1];
	p0 =	sne.s32 s2, $0x0  }
0xc4: {  	s3 =	rddreg [dreg:$0x2];
	[bflag:$0x3] =	sbarrier.arrive $0xFFFF;
	s2 =	simm.s32 @!p0 $0x1C07  }
0xc5: {  	[timem:s3], [sflag:s2] =	dma.local @!p0 [hbm:s0], s1  }
0xc6: {  	s0 =	simm.s32 @!p0 $0x7  }
0xc7: {  	_ =	swait.ge @!p0 [sflag:s0], s1  }
0xc8: {  	s1 =	ssub.s32 @!p0 $0x0, s1;
	[sflag:s0] =	ssyncset.done @!p0 $0x0  }
0xc9: {  	[sflag:s0] =	ssyncadd.s32 @!p0 s1  }
0xca: {  	[bflag:$0x3] =	sbarrier.arrive $0xFFFF  }
0xcb: {  	_ =	shalt  }

// kernel: kernel.8.cloned.1.call-start
scs
__scs_entry_jumppad:
0x0: {  	(pc) =	sbr.rel $0x88, $3  }
0x1: {  	(tag) =	ssettag $0x0;
	lr =	simm.s32 $0x1  }
0x2: {  	[smem:$0x3F9B] =	sst lr;
	_ =	strace $0xD0000000  }
0x3: {  	_ = 	snop  }
0x4: {  	_ = 	snop  }
0x5: {  	_ = 	snop  }
0x6: {  	_ = 	snop  }
0x7: {  	_ = 	snop  }
__scs_overlays_trampoline_lowered:
0x8: {  	[smem:$0x3FAA] =	sst s0  }
0x9: {  	[smem:$0x3FAB] =	sst s1  }
0xa: {  	[smem:$0x3FAC] =	sst s2  }
0xb: {  	[smem:$0x3FAD] =	sst s3  }
0xc: {  	[smem:$0x3FAE] =	sst s4  }
0xd: {  	[smem:$0x3FAF] =	sst s5  }
0xe: {  	[smem:$0x3FB0] =	sst s6  }
0xf: {  	[smem:$0x3FB1] =	sst s7  }
0x10: {  	[smem:$0x3FB2] =	sst s8  }
0x11: {  	[smem:$0x3FB3] =	sst s9;
	s0 =	simm.s32 @!p0 $0x0  }
0x12: {  	s1 =	sld [smem:$0x3F99];
	s0 =	simm.s32 @p0 $0x1  }
0x13: {  	[smem:$0x3FB4] =	sst s0;
	s0 =	simm.s32 @!p1 $0x0  }
0x14: {  	s2 =	sld [smem:$0x3F98];
	s0 =	simm.s32 @p1 $0x1  }
0x15: {  	[smem:$0x3FB5] =	sst s0;
	s0 =	simm.s32 @!p2 $0x0  }
0x16: {  	s3 =	sld [smem:$0x3FDB];
	s0 =	simm.s32 @p2 $0x1  }
0x17: {  	s4 =	simm.s32 $0x1BF5;
	[smem:$0x3FB7] =	sst s0  }
0x18: {  	s0 =	sld [smem:$0x3F9A];
	_ =	swait.ge [sflag:s4], $0x0  }
0x19: {  	s7 =	sld [smem:$0x3F9B]  }
0x1a: {  	s8 =	sadd.s32 $0xFFFFE003, lr  }
0x1b: {  	s9 =	sadd.s32 $0xFFFFFEF7, lr;
	s5 =	simm.s32 $0xFFFFFFFF;
	p2 =	slt.u32 s8, $0xFFFFF086  }
0x1c: {  	p1 =	slt.u32 s9, $0xF7A;
	s5 =	simm.s32 @!p2 $0x0  }
0x1d: {  	s5 =	simm.s32 @p1 $0x1;
	p0 =	seq.s32 s7, s2  }
0x1e: {  	s7 =	smul.u32 @!p0 $0xF7A, s2;
	p2 =	seq.s32 @!p0 s5, $0x0  }
0x1f: {  	s9 =	smul.u32 $0xF7A, s1;
	s8 =	simm.s32 @!p0 $0x1BF5;
	p2 =	por !p2, p0  }
0x20: {  	[sflag:s8] =	ssyncset.s32 @!p0 $0xFFFFF086;
	s6 =	sadd.s32 @!p0 s3, s7;
	s7 =	simm.s32 @!p0 $0x108  }
0x21: {  	s3 =	sadd.s32 s3, s9;
	s6 =	sadd.s32 @!p0 $0x88, s6;
	s7 =	simm.s32 @p2 $0x1082  }
0x22: {  	[simem:s7], [sflag:s8] =	dma.local @!p0 [hbm:s6], $0xF7A  }
0x23: {  	s9 =	sor.u32 $0xD0000000, s2;
	s6 =	simm.s32 $0x108;
	_ =	swait.ge @!p0 [sflag:s8], $0x0  }
0x24: {  	s3 =	sadd.s32 $0x88, s3;
	s6 =	simm.s32 @!p1 $0x1082;
	[sflag:s4] =	ssyncset.s32 $0xFFFFF086  }
0x25: {  	[simem:s6], [sflag:s4] =	dma.local [hbm:s3], $0xF7A  }
0x26: {  	[smem:$0x3F9B] =	sst s1;
	(tag) =	ssettag s2;
	_ =	strace s9  }
0x27: {  	s1 =	sld [smem:$0x3FAB]  }
0x28: {  	s2 =	sld [smem:$0x3FAC]  }
0x29: {  	s4 =	sld [smem:$0x3FAE]  }
0x2a: {  	p0 =	seq.s32 s5, $0x0;
	s5 =	sld [smem:$0x3FAF]  }
0x2b: {  	s6 =	sld [smem:$0x3FB0]  }
0x2c: {  	s7 =	sld [smem:$0x3FB1]  }
0x2d: {  	s3 =	simm.s32 $0x108;
	s8 =	sld [smem:$0x3FB2]  }
0x2e: {  	s3 =	simm.s32 @!p0 $0x1082;
	s9 =	sld [smem:$0x3FB3]  }
0x2f: {  	lr =	sadd.s32 s0, s3;
	s0 =	sld [smem:$0x3FAA]  }
0x30: {  	s3 =	sld [smem:$0x3FAD]  }
0x31: {  	[smem:$0x3FB6] =	sst s10  }
0x32: {  	s10 =	sld [smem:$0x3FB4];
	_ =	sdelay $0x3  }
0x33: {  	p0 =	seq.s32 s10, $0x1;
	s10 =	sld [smem:$0x3FB6];
	_ =	sdelay $0x3  }
0x34: {  	[smem:$0x3FB6] =	sst s10  }
0x35: {  	s10 =	sld [smem:$0x3FB5];
	_ =	sdelay $0x3  }
0x36: {  	p1 =	seq.s32 s10, $0x1;
	s10 =	sld [smem:$0x3FB6];
	_ =	sdelay $0x3  }
0x37: {  	[smem:$0x3FB6] =	sst s10  }
0x38: {  	s10 =	sld [smem:$0x3FB7]  }
0x39: {  	_ = 	snop;
	(pc) =	sbr.ind lr, $3  }
0x3a: {  	_ = 	snop  }
0x3b: {  	_ = 	snop  }
0x3c: {  	p2 =	seq.s32 s10, $0x1;
	s10 =	sld [smem:$0x3FB6]  }
0x3d: {  	_ =	shalt  }
0x3e: {  	_ =	shalt  }
0x3f: {  	_ =	shalt  }
0x40: {  	_ =	shalt  }
0x41: {  	_ =	shalt  }
0x42: {  	_ =	shalt  }
0x43: {  	_ =	shalt  }
0x44: {  	_ =	shalt  }
0x45: {  	_ =	shalt  }
0x46: {  	_ =	shalt  }
0x47: {  	_ =	shalt  }
0x48: {  	_ =	shalt  }
0x49: {  	_ =	shalt  }
0x4a: {  	_ =	shalt  }
0x4b: {  	_ =	shalt  }
0x4c: {  	_ =	shalt  }
0x4d: {  	_ =	shalt  }
0x4e: {  	_ =	shalt  }
0x4f: {  	_ =	shalt  }
0x50: {  	_ =	shalt  }
0x51: {  	_ =	shalt  }
0x52: {  	_ =	shalt  }
0x53: {  	_ =	shalt  }
0x54: {  	_ =	shalt  }
0x55: {  	_ =	shalt  }
0x56: {  	_ =	shalt  }
0x57: {  	_ =	shalt  }
0x58: {  	_ =	shalt  }
0x59: {  	_ =	shalt  }
0x5a: {  	_ =	shalt  }
0x5b: {  	_ =	shalt  }
0x5c: {  	_ =	shalt  }
0x5d: {  	_ =	shalt  }
0x5e: {  	_ =	shalt  }
0x5f: {  	_ =	shalt  }
0x60: {  	_ =	shalt  }
0x61: {  	_ =	shalt  }
0x62: {  	_ =	shalt  }
0x63: {  	_ =	shalt  }
0x64: {  	_ =	shalt  }
0x65: {  	_ =	shalt  }
0x66: {  	_ =	shalt  }
0x67: {  	_ =	shalt  }
0x68: {  	_ =	shalt  }
0x69: {  	_ =	shalt  }
0x6a: {  	_ =	shalt  }
0x6b: {  	_ =	shalt  }
0x6c: {  	_ =	shalt  }
0x6d: {  	_ =	shalt  }
0x6e: {  	_ =	shalt  }
0x6f: {  	_ =	shalt  }
0x70: {  	_ =	shalt  }
0x71: {  	_ =	shalt  }
0x72: {  	_ =	shalt  }
0x73: {  	_ =	shalt  }
0x74: {  	_ =	shalt  }
0x75: {  	_ =	shalt  }
0x76: {  	_ =	shalt  }
0x77: {  	_ =	shalt  }
0x78: {  	_ =	shalt  }
0x79: {  	_ =	shalt  }
0x7a: {  	_ =	shalt  }
0x7b: {  	_ =	shalt  }
0x7c: {  	_ =	shalt  }
0x7d: {  	_ =	shalt  }
0x7e: {  	_ =	shalt  }
0x7f: {  	_ =	shalt  }
0x80: {  	_ =	shalt  }
0x81: {  	_ =	shalt  }
0x82: {  	_ =	shalt  }
0x83: {  	_ =	shalt  }
0x84: {  	_ =	shalt  }
0x85: {  	_ =	shalt  }
0x86: {  	_ =	shalt  }
0x87: {  	_ =	shalt  }
.Lfunc_end0:
.L_simem_size_0:
called_computation_lowered:
.L_overlay_start_0:
0x88: {  	s2 =	sld [smem:$0x3FD9]  }
0x89: {  	s3 =	sld [smem:$0x3FFE];
	_ =	sdelay $0x1  }
0x8a: {  	s1 =	srdreg.scid  }
0x8b: {  	s0 =	sand.u32 $0x1, s1  }
0x8c: {  	s17 =	sshll.u32 s0, $0xA;
	s2 =	sadd.s32 s3, s2  }
0x8d: {  	s2 =	sadd.s32 s2, s17  }
0x8e: {  	[smem:$0x3FC2] =	sst s2  }
0x8f: {  	_ = 	snop  }
0x90: {  	s2 =	sld [smem:$0x3FD0];
	(tm) =	ssettm $0x1  }
0x91: {  	s18 =	sld [smem:$0x3FFB];
	_ =	sdelay $0x3  }
0x92: {  	_ =	strace s18  }
0x93: {  	s3 =	sld [smem:$0x3FFC];
	_ =	sdelay $0x3  }
0x94: {  	_ =	strace s3  }
0x95: {  	s3 =	sld [smem:$0x3FFD];
	_ =	sdelay $0x3  }
0x96: {  	_ =	strace s3  }
0x97: {  	_ =	strace $0x8FFFFFFF  }
0x98: {  	s19 =	sld [smem:$0x3FDB];
	_ =	sdelay $0x1  }
0x99: {  	s4 =	simm.s32 $_scs_section_size  }
0x9a: {  	s5 =	simm.s32 $_size__tile_overlayer_lowered;
	s6 =	simm.s32 $_tile_overlayer_lowered  }
0x9b: {  	s22 =	simm.s32 $0x1BFF;
	s21 =	sshll.u32 s6, $0x1;
	s3 =	sadd.s32 s4, s19  }
0x9c: {  	s7 =	simm.s32 $0x0;
	s20 =	sshll.u32 s5, $0x1;
	s5 =	sadd.s32 s21, s3  }
0x9d: {  	[timem:s7], [sflag:s22] =	dma.local [hbm:s5], s20  }
0x9e: {  	_ =	swait.ge [sflag:s22], s20  }
0x9f: {  	s4 =	ssub.s32 $0x0, s20;
	[sflag:s22] =	ssyncset.done $0x0  }
0xa0: {  	[sflag:s22] =	ssyncadd.s32 s4;
	_ =	sdelay $0x1  }
0xa1: {  	s23 =	simm.s32 $0x1B8B  }
0xa2: {  	_ =	swait.ge [sflag:s23], $0x1  }
0xa3: {  	[sflag:s23] =	ssyncset.done $0x0  }
0xa4: {  	s25 =	simm.s32 $0x1B8E;
	s24 =	sld [smem:$0x3FFE];
	[sflag:s23] =	ssyncadd.s32 $0xFFFFFFFF  }
0xa5: {  	s26 =	simm.s32 $execute0_lowered;
	[smem:$0x3FD2] =	sst s25  }
0xa6: {  	s5 =	sshll.u32 s26, $0x1;
	_ =	strace $0x80000046;
	[dreg:$0x1] =	wrdreg $0xFFFFFFFF  }
0xa7: {  	s28 =	simm.s32 $_size_execute0_lowered;
	s3 =	sadd.s32 s3, s5;
	[dreg:$0x0] =	wrdreg $0x0  }
0xa8: {  	s5 =	sshll.u32 s28, $0x1;
	[dreg:$0x2] =	wrdreg s3  }
0xa9: {  	[dreg:$0x3] =	wrdreg s5  }
0xaa: {  	[dreg:$0x4] =	wrdreg $0xC0  }
0xab: {  	_ =	task [dreg:s7], $0x5FFFF  }
0xac: {  	[dreg:$0x1] =	wrdreg $0xFFFFFFFF  }
0xad: {  	[dreg:$0x0] =	wrdreg $0x60  }
0xae: {  	[dreg:$0x2] =	wrdreg s24  }
0xaf: {  	[dreg:$0x3] =	wrdreg s2  }
0xb0: {  	[dreg:$0x4] =	wrdreg $0x50800  }
0xb1: {  	[dreg:$0x5] =	wrdreg $0x9  }
0xb2: {  	_ =	task.clear_ibuf [dreg:s7], $0x6FFFF;
	_ =	strace $0x90000046  }
0xb3: {  	s29 =	simm.s32 $0x9;
	_ =	strace $0x80000048  }
0xb4: {  	_ =	swait.ge [sflag:s29], $0x1  }
0xb5: {  	[sflag:s29] =	ssyncadd.s32 $0xFFFFFFFF  }
0xb6: {  	_ =	strace $0x90000048  }
0xb7: {  	_ =	sfence  }
0xb8: {  	s30 =	sld [smem:$0x0];
	_ =	sdelay $0x2  }
0xb9: {  	s31 =	sshll.u32 s1, $0xD;
	s1 =	sshrl.u32 s1, $0x2  }
0xba: {  	s3 =	sand.u32 $0x4000, s31;
	s1 =	sadd.s32 s1, s30  }
0xbb: {  	s0 =	sor.u32 s3, s0;
	s1 =	sshll.u32 s1, $0x11  }
0xbc: {  	s0 =	sor.u32 s1, s0  }
0xbd: {  	s0 =	sadd.s32 $0x8F2B, s0  }
0xbe: {  	[sflag:s0] =	ssyncadd.remote.s32 $0x1  }
0xbf: {  	_ =	sfence.sel $0xFFFF  }
0xc0: {  	[dreg:$0x0] =	wrdreg $0xFFFFFFFF;
	(pc) =	sbr.abs _section_cstart, $3  }
0xc1: {  	[dreg:$0x1] =	wrdreg $0xFFFFFFFF  }
0xc2: {  	_ =	task.clear_ibuf [dreg:s7], $0x2FFFF;
	_ =	strace $0x9FFFFFFF  }
0xc3: {  	(tm) =	ssettm $0x7FFFFFFF  }
tec
execute0_lowered:
.L_overlay_start_1:
0x0: {  	(tag) =	ssettag $0x1  }
0x1: {  	s0 =	srdreg.scid;
	s3 =	rddreg [dreg:$0x0]  }
0x2: {  	s5 =	rddreg [dreg:$0x1];
	s6 =	stileid.u32  }
0x3: {  	s1 =	rddreg [dreg:$0x2];
	s2 =	simm.s32 $0x0;
	s4 =	sand.u32 $0x1, s0  }
0x4: {  	[smem:$0x7FF] =	sst s2;
	p0 =	sne.s32 s6, $0x0;
	s0 =	sshll.u32 s4, $0x4  }
0x5: {  	s8 =	ssub.s32 $0x2, s4;
	s4 =	smul.u32 $0x500, s4;
	s7 =	sor.u32 s6, s0  }
0x6: {  	s10 =	sshrl.u32 @!p0 s1, $0x3;
	s0 =	rddreg [dreg:$0x3];
	s7 =	smul.u32 $0x2800, s7  }
0x7: {  	s9 =	sshrl.u32 s8, $0x1;
	_ =	strace $0x80000047;
	s6 =	simm.s32 $0x2880  }
0x8: {  	s8 =	ssub.s32 s8, s9;
	s4 =	sadd.s32 s5, s4;
	s7 =	sshrl.u32 s7, $0x3  }
0x9: {  	s9 =	simm.s32 $0x2800;
	s5 =	smax.u32 s8, $0x1;
	s3 =	sadd.s32 s3, s7  }
0xa: {  	v0 =	vimm.f32 $1.000000000e+00;
	v1 =	vimm.f32 $0.0e+00;
	s8 =	simm.s32 $0x7D;
	s7 =	simm.s32 $0x1;
	s3 =	sadd.s32 $0xBE00, s3  }
.LBB2_1:
0xb: {  	[tilespmem:$0x2800] =	vst v0  }
0xc: {  	[tilespmem:$0x2810] =	vst v0  }
0xd: {  	[tilespmem:$0x2820] =	vst v0  }
.Ltmp0:
0xe: {  	[tilespmem:$0x2830] =	vst v0;
	(pc) =	sbr.rel @p0 .LBB2_5-.Ltmp0, $4  }
0xf: {  	[tilespmem:$0x2840] =	vst v0  }
0x10: {  	[tilespmem:$0x2850] =	vst v0  }
0x11: {  	[tilespmem:$0x2860] =	vst v0  }
0x12: {  	[tilespmem:$0x2870] =	vst v0  }
0x13: {  	s11 =	simm.s32 $0x40;
	s12 =	simm.s32 $0x0  }
.LBB2_3:
0x14: {  	p1 =	sne.s32 s11, $0x9FC0;
	[tilespmem:s12+$0x2880] =	vst v1;
	s12 =	smov.u32 s11;
	s11 =	sadd.s32 $0x40, s11  }
.Ltmp1:
0x15: {  	(pc) =	sbr.rel @p1 .LBB2_3-.Ltmp1, $2  }
0x16: {  	_ =	sdelay $0x2  }
0x17: {  	s12 =	sshra.s32 s12, $0x2  }
0x18: {  	[tilespmem:s12+$0x2880] =	vst v1  }
0x19: {  	[spmem:s1] =	stream.linear.scatter [tilespmem:s6], [sflag:$0x1], $0x2800, $0x38;
	[tilespmem:$0x5300] =	vst v63  }
0x1a: {  	_ =	swait.ge [sflag:s7], $0x2800  }
0x1b: {  	[sflag:s7] =	ssyncset.done $0x0  }
0x1c: {  	[sflag:s7] =	ssyncadd.s32 $0xFFFFD800  }
.LBB2_5:
0x1d: {  	s11 =	simm.s32 $0x0  }
0x1e: {  	[tilespmem:s11], [sflag:$0x1] =	stream.linear.gather [hbm4b:s3+s11], $0x2800, $0x38;
	[tilespmem:$0x5300] =	vst v63  }
0x1f: {  	_ =	swait.ge [sflag:s7], $0x2800  }
0x20: {  	[sflag:s7] =	ssyncset.done $0x0  }
0x21: {  	[sflag:s7] =	ssyncadd.s32 $0xFFFFD800  }
0x22: {  	s31 =	simm.s32 $0x0;
	[bflag:$0x0] =	sbarrier.arrive $0xFFFF  }
0x23: {  	[spmem:s1] =	stream.indirect.scatter.add.f32 [tilespmem:s9], [sflag:$0x1], $0x1, s31, s8, $0xb8;
	[tilespmem:$0x5300] =	vst v63  }
0x24: {  	_ =	swait.ge [sflag:s7], $0x7D  }
0x25: {  	s11 =	simm.s32 $0x200;
	[sflag:s7] =	ssyncset.done $0x0  }
.LBB2_6:
0x26: {  	s12 =	sshra.s32 s11, $0x2;
	[sflag:s7] =	ssyncadd.s32 $0xFFFFFF83;
	p1 =	sne.s32 s11, $0x9E00  }
0x27: {  	[spmem:s1] =	stream.indirect.scatter.add.f32 [tilespmem:s9], [sflag:$0x1], $0x1, s12, s8, $0xb8;
	[tilespmem:$0x5300] =	vst v63  }
.Ltmp2:
0x28: {  	_ = 	snop;
	(pc) =	sbr.rel @p1 .LBB2_6-.Ltmp2, $4  }
0x29: {  	_ = 	snop  }
0x2a: {  	s11 =	sadd.s32 $0x200, s11  }
0x2b: {  	_ =	swait.ge [sflag:s7], $0x7D  }
0x2c: {  	[sflag:s7] =	ssyncset.done $0x0  }
0x2d: {  	[sflag:s7] =	ssyncadd.s32 $0xFFFFFF83;
	s2 =	sadd.s32 $0x1, s2  }
0x2e: {  	s11 =	simm.s32 @!p0 $0x1C01;
	[bflag:$0x0] =	sbarrier.arrive $0xFFFF;
	p1 =	sne.s32 s2, s5  }
0x2f: {  	[hbm:s4], [sflag:s11] =	dma.local @!p0 [spmem:s10], $0x500  }
.Ltmp3:
0x30: {  	_ = 	snop;
	(pc) =	sbr.rel @p1 .LBB2_1-.Ltmp3, $4  }
0x31: {  	s11 =	simm.s32 @!p0 $0x1  }
0x32: {  	_ =	swait.ge @!p0 [sflag:s11], $0x500  }
0x33: {  	[sflag:s11] =	ssyncset.done @!p0 $0x0  }
0x34: {  	[sflag:s11] =	ssyncadd.s32 @!p0 $0xFFFFFB00  }
0x35: {  	_ =	sfence.sel $0x180000  }
0x36: {  	[bflag:$0x0] =	sbarrier.arrive $0xFFFF  }
0x37: {  	_ =	strace $0x90000047  }
0x38: {  	s0 =	sadd.s32 @!p0 $0x100000, s0;
	[bflag:$0x2] =	sbarrier.arrive $0xFFFF  }
0x39: {  	[sflag:s0] =	ssyncadd.tile.s32 @!p0 $0x1;
	_ =	shalt  }
.Lfunc_end2:
_tile_overlayer_lowered:
.L_overlay_start_2:
0x3a: {  	(tag) =	ssettag $0x2  }
0x3b: {  	s0 =	rddreg [dreg:$0x0];
	s2 =	stileid.u32  }
0x3c: {  	s1 =	rddreg [dreg:$0x1];
	p0 =	sne.s32 s2, $0x0  }
0x3d: {  	s3 =	rddreg [dreg:$0x2];
	[bflag:$0x3] =	sbarrier.arrive $0xFFFF;
	s2 =	simm.s32 @!p0 $0x1C01  }
0x3e: {  	[timem:s3], [sflag:s2] =	dma.local @!p0 [hbm:s0], s1  }
0x3f: {  	s0 =	simm.s32 @!p0 $0x1  }
0x40: {  	_ =	swait.ge @!p0 [sflag:s0], s1  }
0x41: {  	s1 =	ssub.s32 @!p0 $0x0, s1;
	[sflag:s0] =	ssyncset.done @!p0 $0x0  }
0x42: {  	[sflag:s0] =	ssyncadd.s32 @!p0 s1  }
0x43: {  	[bflag:$0x3] =	sbarrier.arrive $0xFFFF  }
0x44: {  	_ =	shalt  }

</sc_bundles>
